<compile_context>
chip_gen: v7x
topology: tpu7x:2x2x1
jax: 0.10.2.dev20260603
libtpu: 0.0.44.dev20260713+nightly
codegen_flags: <defaults>
</compile_context>

<pallas_src>
import functools

import jax
import jax.numpy as jnp
from jax import lax
from jax.experimental import pallas as pl
from jax.experimental.pallas import tpu as pltpu
from jax.experimental.pallas import tpu_sc as plsc

N = 10000
E = 320000
D = 128
V = 10000

NC = 2
NS = 16
NW = NC * NS

NP = 10240
EK = 80
ECHUNKS = E // (NW * EK)
PHASES = 5
PH = ECHUNKS // PHASES
XPT = NP // (NW * EK)
RPT = NP // NS

_mesh = plsc.VectorSubcoreMesh(
    core_axis_name="c", subcore_axis_name="s", num_cores=NC, num_subcores=NS
)


def _fill_const(ref, nrows, width, value):
    groups = width // 16
    vec = jnp.full((16,), value, jnp.float32)

    def body(i, _):
        r = i // groups
        g = i % groups
        ref[r, pl.ds(g * 16, 16)] = vec
        return 0

    lax.fori_loop(0, nrows * groups, body, 0)


@functools.partial(
    pl.kernel,
    out_type=(
        jax.ShapeDtypeStruct((NP, D), jnp.float32),
        jax.ShapeDtypeStruct((NC, NP, D), jnp.float32),
    ),
    mesh=_mesh,
    scratch_types=[
        pltpu.VMEM((XPT, EK), jnp.int32),
        pltpu.VMEM((EK, D), jnp.float32),
        pltpu.VMEM((EK, D), jnp.float32),
        pltpu.VMEM((EK, D), jnp.float32),
        pltpu.VMEM((PH, EK), jnp.int32),
        pltpu.VMEM_SHARED((NP, D), jnp.float32),
        pltpu.SemaphoreType.DMA,
        pltpu.SemaphoreType.DMA,
        pltpu.SemaphoreType.DMA,
        pltpu.SemaphoreType.DMA,
        pltpu.SemaphoreType.DMA,
    ],
)
def _sc_prep(x3d_hbm, emb_hbm, dst4d_hbm, h0_hbm, cnt_hbm,
             idx_v, rows0_v, rows1_v, ones_v, dst_v, cnt_sp,
             gsem0, gsem1, wsem0, csem0, csem1):
    c = lax.axis_index("c")
    s = lax.axis_index("s")
    w = s * NC + c

    _fill_const(ones_v, EK, D, 0.0)

    def zbody(t, _):
        pltpu.sync_copy(ones_v, cnt_sp.at[pl.ds(s * RPT + t * EK, EK)])
        return 0

    lax.fori_loop(0, RPT // EK, zbody, 0)

    pltpu.sync_copy(x3d_hbm.at[w], idx_v)
    gbufs = (rows0_v, rows1_v)
    gsems = (gsem0, gsem1)
    pltpu.async_copy(emb_hbm.at[idx_v.at[0]], rows0_v, gsem0)
    for j in range(XPT):
        b = j % 2
        if j + 1 < XPT:
            if j >= 1:
                pltpu.make_async_copy(
                    gbufs[1 - b],
                    h0_hbm.at[pl.ds((w * XPT + j - 1) * EK, EK)],
                    wsem0,
                ).wait()
            pltpu.async_copy(emb_hbm.at[idx_v.at[j + 1]], gbufs[1 - b],
                             gsems[1 - b])
        pltpu.make_async_copy(emb_hbm.at[idx_v.at[j]], gbufs[b],
                              gsems[b]).wait()
        pltpu.async_copy(gbufs[b], h0_hbm.at[pl.ds((w * XPT + j) * EK, EK)],
                         wsem0)
    pltpu.make_async_copy(
        gbufs[(XPT - 2) % 2],
        h0_hbm.at[pl.ds((w * XPT + XPT - 2) * EK, EK)], wsem0,
    ).wait()
    pltpu.make_async_copy(
        gbufs[(XPT - 1) % 2],
        h0_hbm.at[pl.ds((w * XPT + XPT - 1) * EK, EK)], wsem0,
    ).wait()

    _fill_const(ones_v, EK, D, 1.0)
    plsc.subcore_barrier()
    csems = (csem0, csem1)

    def phase(p, _):
        pltpu.sync_copy(dst4d_hbm.at[w, p], dst_v)

        def body(j, _):
            for b in range(2):
                @pl.when(j % 2 == b)
                def _():
                    @pl.when(j >= 2)
                    def _():
                        pltpu.make_async_copy(
                            ones_v, cnt_sp.at[dst_v.at[j - 2]], csems[b]
                        ).wait()
                    pltpu.async_copy(
                        ones_v, cnt_sp.at[dst_v.at[j]], csems[b], add=True
                    )
            return 0

        lax.fori_loop(0, PH, body, 0)
        pltpu.make_async_copy(
            ones_v, cnt_sp.at[dst_v.at[PH - 2]], csems[(PH - 2) % 2]
        ).wait()
        pltpu.make_async_copy(
            ones_v, cnt_sp.at[dst_v.at[PH - 1]], csems[(PH - 1) % 2]
        ).wait()
        return 0

    lax.fori_loop(0, PHASES, phase, 0)
    plsc.subcore_barrier()
    pltpu.sync_copy(
        cnt_sp.at[pl.ds(s * RPT, RPT)],
        cnt_hbm.at[c, pl.ds(s * RPT, RPT)],
    )


@functools.partial(
    pl.kernel,
    out_type=jax.ShapeDtypeStruct((NC, NP, D), jnp.float32),
    mesh=_mesh,
    scratch_types=[
        pltpu.VMEM((PH, EK), jnp.int32),
        pltpu.VMEM((PH, EK), jnp.int32),
        pltpu.VMEM((EK, D), jnp.float32),
        pltpu.VMEM((EK, D), jnp.float32),
        pltpu.VMEM((EK, D), jnp.float32),
        pltpu.VMEM((8, D), jnp.float32),
        pltpu.VMEM_SHARED((NP, D), jnp.float32),
        pltpu.SemaphoreType.DMA,
        pltpu.SemaphoreType.DMA,
        pltpu.SemaphoreType.DMA,
        pltpu.SemaphoreType.DMA,
        pltpu.SemaphoreType.DMA,
        pltpu.SemaphoreType.DMA,
    ],
)
def _sc_segsum(h_hbm, src4d_hbm, dst4d_hbm, agg_hbm,
               src_v, dst_v, rows0_v, rows1_v, rows2_v, zb_v, agg_sp,
               gsem0, gsem1, gsem2, ssem0, ssem1, ssem2):
    c = lax.axis_index("c")
    s = lax.axis_index("s")
    w = s * NC + c

    _fill_const(zb_v, 8, D, 0.0)

    def zbody(t, _):
        pltpu.sync_copy(zb_v, agg_sp.at[pl.ds(s * RPT + t * 8, 8)])
        return 0

    lax.fori_loop(0, RPT // 8, zbody, 0)
    plsc.subcore_barrier()

    bufs = (rows0_v, rows1_v, rows2_v)
    gsems = (gsem0, gsem1, gsem2)
    ssems = (ssem0, ssem1, ssem2)

    def phase(p, _):
        pltpu.sync_copy(src4d_hbm.at[w, p], src_v)
        pltpu.sync_copy(dst4d_hbm.at[w, p], dst_v)

        pltpu.async_copy(h_hbm.at[src_v.at[0]], bufs[0], gsems[0])
        pltpu.async_copy(h_hbm.at[src_v.at[1]], bufs[1], gsems[1])

        def body(j, _):
            for b in range(3):
                @pl.when(j % 3 == b)
                def _():
                    nb = (b + 2) % 3

                    @pl.when(j >= 1)
                    def _():
                        pltpu.make_async_copy(
                            bufs[nb], agg_sp.at[dst_v.at[j - 1]], ssems[nb]
                        ).wait()

                    @pl.when(j + 2 < PH)
                    def _():
                        pltpu.async_copy(
                            h_hbm.at[src_v.at[j + 2]], bufs[nb], gsems[nb]
                        )
                    pltpu.make_async_copy(
                        h_hbm.at[src_v.at[j]], bufs[b], gsems[b]
                    ).wait()
                    pltpu.async_copy(
                        bufs[b], agg_sp.at[dst_v.at[j]], ssems[b], add=True
                    )
            return 0

        lax.fori_loop(0, PH, body, 0)
        pltpu.make_async_copy(
            bufs[(PH - 1) % 3], agg_sp.at[dst_v.at[PH - 1]], ssems[(PH - 1) % 3]
        ).wait()
        return 0

    lax.fori_loop(0, PHASES, phase, 0)
    plsc.subcore_barrier()
    pltpu.sync_copy(
        agg_sp.at[pl.ds(s * RPT, RPT)],
        agg_hbm.at[c, pl.ds(s * RPT, RPT)],
    )


_RB = 2048


def _tc_invd_body(cnt_ref, out_ref):
    deg = cnt_ref[0, :, 0:1] + cnt_ref[1, :, 0:1]
    out_ref[...] = 1.0 / jnp.maximum(deg, 1.0)


def _tc_invd(cnt):
    return pl.pallas_call(
        _tc_invd_body,
        grid=(NP // _RB,),
        in_specs=[pl.BlockSpec((NC, _RB, D), lambda i: (0, i, 0))],
        out_specs=pl.BlockSpec((_RB, 1), lambda i: (i, 0)),
        out_shape=jax.ShapeDtypeStruct((NP, 1), jnp.float32),
    )(cnt)


def _tc_r_body(h_ref, wr_ref, bl_ref, out_ref):
    mr = lax.dot_general(h_ref[...], wr_ref[...], (((1,), (1,)), ((), ())),
                         preferred_element_type=jnp.float32)
    out_ref[...] = mr + bl_ref[...]


def _tc_r(h, wr, bl2d):
    return pl.pallas_call(
        _tc_r_body,
        grid=(NP // _RB,),
        in_specs=[
            pl.BlockSpec((_RB, D), lambda i: (i, 0)),
            pl.BlockSpec((D, D), lambda i: (0, 0)),
            pl.BlockSpec((1, D), lambda i: (0, 0)),
        ],
        out_specs=pl.BlockSpec((_RB, D), lambda i: (i, 0)),
        out_shape=jax.ShapeDtypeStruct((NP, D), jnp.float32),
    )(h, wr, bl2d)


def _tc_combine_body(agg_ref, inv_ref, r_ref, wl_ref, out_ref):
    a = (agg_ref[0] + agg_ref[1]) * inv_ref[...]
    ml = lax.dot_general(a, wl_ref[...], (((1,), (1,)), ((), ())),
                         preferred_element_type=jnp.float32)
    out_ref[...] = jnp.maximum(ml + r_ref[...], 0.0)


def _tc_combine(aggp, inv, r, wl):
    return pl.pallas_call(
        _tc_combine_body,
        grid=(NP // _RB,),
        in_specs=[
            pl.BlockSpec((NC, _RB, D), lambda i: (0, i, 0)),
            pl.BlockSpec((_RB, 1), lambda i: (i, 0)),
            pl.BlockSpec((_RB, D), lambda i: (i, 0)),
            pl.BlockSpec((D, D), lambda i: (0, 0)),
        ],
        out_specs=pl.BlockSpec((_RB, D), lambda i: (i, 0)),
        out_shape=jax.ShapeDtypeStruct((NP, D), jnp.float32),
    )(aggp, inv, r, wl)


_FRB = 2000
_FCB = 1024


def _tc_final_body(h_ref, w_ref, b_ref, out_ref):
    m = lax.dot_general(h_ref[...], w_ref[...], (((1,), (1,)), ((), ())),
                        preferred_element_type=jnp.float32)
    out_ref[...] = m + b_ref[...]


def _tc_final(h, w_last, b2d):
    ncb = (V + _FCB - 1) // _FCB
    return pl.pallas_call(
        _tc_final_body,
        grid=(N // _FRB, ncb),
        in_specs=[
            pl.BlockSpec((_FRB, D), lambda i, j: (i, 0)),
            pl.BlockSpec((_FCB, D), lambda i, j: (j, 0)),
            pl.BlockSpec((1, _FCB), lambda i, j: (0, j)),
        ],
        out_specs=pl.BlockSpec((_FRB, _FCB), lambda i, j: (i, j)),
        out_shape=jax.ShapeDtypeStruct((N, V), jnp.float32),
    )(h, w_last, b2d)


def kernel(x, edge_index, emb, Wl0, bl0, Wr0, Wl1, bl1, Wr1, Wl2, bl2, Wr2,
           W_last, b_last):
    xp = jnp.pad(x.astype(jnp.int32), (0, NP - N)).reshape(NW, XPT, EK)
    ei = edge_index.astype(jnp.int32)
    src4d = ei[0].reshape(NW, PHASES, PH, EK)
    dst4d = ei[1].reshape(NW, PHASES, PH, EK)

    h, cnt = _sc_prep(xp, emb, dst4d)
    inv = _tc_invd(cnt)
    for wl, bl, wr in ((Wl0, bl0, Wr0), (Wl1, bl1, Wr1), (Wl2, bl2, Wr2)):
        aggp = _sc_segsum(h, src4d, dst4d)
        r = _tc_r(h, wr, bl.reshape(1, D))
        h = _tc_combine(aggp, inv, r, wl)
    return _tc_final(h, W_last, b_last.reshape(1, V))

# --- scband reference (transcript-rebuilt; emitter-appended) ---
"""Pipeline reference for scband-custom-sage-66348654789006 (READ-ONLY COPY).

The authoritative reference and input builder live on the scoring server;
editing this copy changes nothing except your own understanding.
"""

import jax, jax.numpy as jnp
import numpy as np

N = 10000   # n_nodes
E = 320000  # n_edges
D = 128     # hidden_dim
V = 10000   # vocab_size
L = 3       # num_conv_layers


def setup_inputs(seed: int = 0) -> dict:
    key = jax.random.key(seed)
    ks = jax.random.split(key, 16)
    inp = {}
    inp["x"] = jax.random.randint(ks[0], (N,), 0, V)
    inp["edge_index"] = jax.random.randint(ks[1], (2, E), 0, N)
    # learned params
    inp["emb"] = jax.random.normal(ks[2], (V, D), jnp.float32) * 0.02
    for i in range(L):
        inp[f"Wl{i}"] = jax.random.normal(ks[3 + 3 * i], (D, D), jnp.float32) * (1.0 / np.sqrt(D))
        inp[f"bl{i}"] = jnp.zeros((D,), jnp.float32)
        inp[f"Wr{i}"] = jax.random.normal(ks[4 + 3 * i], (D, D), jnp.float32) * (1.0 / np.sqrt(D))
    inp["W_last"] = jax.random.normal(ks[13], (V, D), jnp.float32) * (1.0 / np.sqrt(D))
    inp["b_last"] = jnp.zeros((V,), jnp.float32)
    return inp


def _sage_conv(h, edge_index, Wl, bl, Wr):
    # PyG SAGEConv (mean aggr): out = lin_l(mean_j x_j) + lin_r(x_i)
    src = edge_index[0]
    dst = edge_index[1]
    msg = jnp.take(h, src, axis=0)
    agg = jax.ops.segment_sum(msg, dst, num_segments=h.shape[0])
    deg = jax.ops.segment_sum(jnp.ones((edge_index.shape[1],), h.dtype), dst, num_segments=h.shape[0])
    agg = agg / jnp.clip(deg, 1.0, None)[:, None]
    return agg @ Wl.T + bl + h @ Wr.T


def reference(x, edge_index, emb, Wl0, bl0, Wr0, Wl1, bl1, Wr1, Wl2, bl2, Wr2, W_last, b_last):
    h = jnp.take(emb, x, axis=0)  # nn.Embedding lookup
    layers = [(Wl0, bl0, Wr0), (Wl1, bl1, Wr1), (Wl2, bl2, Wr2)]
    for (Wl, bl, Wr) in layers:
        h = _sage_conv(h, edge_index, Wl, bl, Wr)
        h = jax.nn.relu(h)
    probs = h @ W_last.T + b_last
    return probs

if __name__ == "__main__":
    import jax
    _d = setup_inputs()
    print(jax.jit(kernel)(*tuple(_d.values())))

</pallas_src>

<mosaic_0001>
#map = affine_map<(d0, d1) -> (0, 0)>
#map1 = affine_map<(d0, d1) -> (0, 0, 0, 0)>
#map2 = affine_map<(d0, d1) -> (0, 0, 0)>
module attributes {stable_mosaic.version = 14 : i64} {
  func.func @_sc_segsum(%arg0: i32, %arg1: i32, %arg2: memref<10240x128xf32, #tpu.memory_space<hbm>>, %arg3: memref<32x5x25x80xi32, #tpu.memory_space<hbm>>, %arg4: memref<32x5x25x80xi32, #tpu.memory_space<hbm>>, %arg5: memref<2x10240x128xf32, #tpu.memory_space<hbm>>, %arg6: memref<25x80xi32, #tpu.memory_space<vmem>>, %arg7: memref<25x80xi32, #tpu.memory_space<vmem>>, %arg8: memref<80x128xf32, #tpu.memory_space<vmem>>, %arg9: memref<80x128xf32, #tpu.memory_space<vmem>>, %arg10: memref<80x128xf32, #tpu.memory_space<vmem>>, %arg11: memref<8x128xf32, #tpu.memory_space<vmem>>, %arg12: memref<10240x128xf32, #tpu.memory_space<vmem_shared>>, %arg13: memref<!tpu.dma_semaphore, #tpu.memory_space<semaphore_mem>>, %arg14: memref<!tpu.dma_semaphore, #tpu.memory_space<semaphore_mem>>, %arg15: memref<!tpu.dma_semaphore, #tpu.memory_space<semaphore_mem>>, %arg16: memref<!tpu.dma_semaphore, #tpu.memory_space<semaphore_mem>>, %arg17: memref<!tpu.dma_semaphore, #tpu.memory_space<semaphore_mem>>, %arg18: memref<!tpu.dma_semaphore, #tpu.memory_space<semaphore_mem>>) attributes {dimension_semantics = [#tpu.dimension_semantics<core_parallel>, #tpu.dimension_semantics<subcore_parallel>], iteration_bounds = array<i64: 2, 16>, scalar_prefetch = 0 : i64, scratch_operands = 13 : i64, tpu.core_type = #tpu.core_type<sc_vector_subcore>, window_params = [{transform_indices = #map}, {transform_indices = #map1}, {transform_indices = #map1}, {transform_indices = #map2}]} {
    %mul3A = arith.constant 2 : i32
    %mul3A_0 = arith.muli %arg1, %mul3A : i32
    %add3A = arith.addi %mul3A_0, %arg0 : i32
    %broadcast_in_dim3A = arith.constant 0.000000e+00 : f32
    %broadcast_in_dim3A_1 = vector.broadcast %broadcast_in_dim3A : f32 to vector<16xf32>
    %scan3A = arith.constant 0 : i32
    %scan3A_2 = arith.constant 0 : i32
    %scan3A_3 = arith.constant 64 : i32
    %scan3A_4 = arith.addi %scan3A_2, %scan3A_3 : i32
    %scan3A_5 = arith.constant 1 : i32
    %scan3A_6 = scf.for %scan3A_27 = %scan3A_2 to %scan3A_4 step %scan3A_5 iter_args(%scan3A_28 = %scan3A) -> (i32)  : i32 {
      %jit3A = arith.constant 8 : i32
      %div3A = arith.divsi %scan3A_27, %jit3A : i32
      %sign3A = arith.constant 0 : i32
      %sign3A_29 = arith.cmpi sgt, %scan3A_27, %sign3A : i32
      %sign3A_30 = arith.extui %sign3A_29 : i1 to i32
      %sign3A_31 = arith.constant 0 : i32
      %sign3A_32 = arith.cmpi slt, %scan3A_27, %sign3A_31 : i32
      %sign3A_33 = arith.extui %sign3A_32 : i1 to i32
      %sign3A_34 = arith.subi %sign3A_30, %sign3A_33 : i32
      %sign3A_35 = arith.constant 0 : i32
      %sign3A_36 = arith.cmpi sgt, %jit3A, %sign3A_35 : i32
      %sign3A_37 = arith.extui %sign3A_36 : i1 to i32
      %sign3A_38 = arith.constant 0 : i32
      %sign3A_39 = arith.cmpi slt, %jit3A, %sign3A_38 : i32
      %sign3A_40 = arith.extui %sign3A_39 : i1 to i32
      %sign3A_41 = arith.subi %sign3A_37, %sign3A_40 : i32
      %ne3A = arith.cmpi ne, %sign3A_34, %sign3A_41 : i32
      %rem3A = arith.remsi %scan3A_27, %jit3A : i32
      %ne3A_42 = arith.constant 0 : i32
      %ne3A_43 = arith.cmpi ne, %rem3A, %ne3A_42 : i32
      %and3A = arith.andi %ne3A, %ne3A_43 : i1
      %sub3A = arith.constant 1 : i32
      %sub3A_44 = arith.subi %div3A, %sub3A : i32
      %select_n3A = arith.select %and3A, %sub3A_44, %div3A : i32
      %jit3A_45 = arith.constant 8 : i32
      %eq3A = arith.constant 0 : i32
      %eq3A_46 = arith.cmpi eq, %jit3A_45, %eq3A : i32
      %jit3A_47 = arith.constant 1 : i32
      %select_n3A_48 = arith.select %eq3A_46, %jit3A_47, %jit3A_45 : i32
      %rem3A_49 = arith.remsi %scan3A_27, %select_n3A_48 : i32
      %ne3A_50 = arith.constant 0 : i32
      %ne3A_51 = arith.cmpi ne, %rem3A_49, %ne3A_50 : i32
      %lt3A = arith.constant 0 : i32
      %lt3A_52 = arith.cmpi slt, %rem3A_49, %lt3A : i32
      %lt3A_53 = arith.constant 0 : i32
      %lt3A_54 = arith.cmpi slt, %select_n3A_48, %lt3A_53 : i32
      %ne3A_55 = arith.xori %lt3A_52, %lt3A_54 : i1
      %and3A_56 = arith.andi %ne3A_55, %ne3A_51 : i1
      %add3A_57 = arith.addi %rem3A_49, %select_n3A_48 : i32
      %select_n3A_58 = arith.select %and3A_56, %add3A_57, %rem3A_49 : i32
      %mul3A_59 = arith.constant 16 : i32
      %mul3A_60 = arith.muli %select_n3A_58, %mul3A_59 : i32
      %swap3A = arith.index_cast %select_n3A : i32 to index
      %swap3A_61 = arith.index_cast %mul3A_60 : i32 to index
      %swap3A_62 = tpu.vector_load %arg11[%swap3A, %swap3A_61] {strides = array<i32>} : memref<8x128xf32, #tpu.memory_space<vmem>>, vector<1x16xf32>,
      %swap3A_63 = vector.shape_cast %swap3A_62 : vector<1x16xf32> to vector<16xf32>
      %swap3A_64 = vector.shape_cast %broadcast_in_dim3A_1 : vector<16xf32> to vector<1x16xf32>
      tpu.vector_store %arg11[%swap3A, %swap3A_61], %swap3A_64 {strides = array<i32>} : memref<8x128xf32, #tpu.memory_space<vmem>>, vector<1x16xf32>,
      %scan3A_65 = arith.constant 0 : i32
      scf.yield %scan3A_65 : i32
    }
    %scan3A_7 = arith.constant 64 : i32
    %scan3A_8 = arith.constant 0 : i32
    %scan3A_9 = arith.constant 0 : i32
    %scan3A_10 = arith.constant 80 : i32
    %scan3A_11 = arith.addi %scan3A_9, %scan3A_10 : i32
    %scan3A_12 = arith.constant 1 : i32
    %scan3A_13 = scf.for %scan3A_27 = %scan3A_9 to %scan3A_11 step %scan3A_12 iter_args(%scan3A_28 = %scan3A_8) -> (i32)  : i32 {
      %mul3A_29 = arith.constant 640 : i32
      %mul3A_30 = arith.muli %arg1, %mul3A_29 : i32
      %mul3A_31 = arith.constant 8 : i32
      %mul3A_32 = arith.muli %scan3A_27, %mul3A_31 : i32
      %add3A_33 = arith.addi %mul3A_30, %mul3A_32 : i32
      "tpu.region"() ({
        %run_scoped3A = tpu.sem_alloc : memref<!tpu.dma_semaphore, #tpu.memory_space<semaphore_mem>>
        %dma_start3A = arith.constant 0 : i32
        %dma_start3A_35 = tpu.memref_slice %arg12[%add3A_33, %dma_start3A] : memref<10240x128xf32, #tpu.memory_space<vmem_shared>> -> memref<8x128xf32, #tpu.memory_space<vmem_shared>>
        %dma_start3A_36 = arith.constant 0 : i32
        %dma_start3A_37 = tpu.memref_slice %arg12[%add3A_33, %dma_start3A_36] : memref<10240x128xf32, #tpu.memory_space<vmem_shared>> -> memref<8x128xf32, #tpu.memory_space<vmem_shared>>
        tpu.enqueue_dma source(%arg11 : memref<8x128xf32, #tpu.memory_space<vmem>>) target(%dma_start3A_37 : memref<8x128xf32, #tpu.memory_space<vmem_shared>>) target_semaphore(%run_scoped3A : memref<!tpu.dma_semaphore, #tpu.memory_space<semaphore_mem>>)
        %dma_wait3A = arith.constant 0 : i32
        %dma_wait3A_38 = tpu.memref_slice %arg12[%add3A_33, %dma_wait3A] : memref<10240x128xf32, #tpu.memory_space<vmem_shared>> -> memref<8x128xf32, #tpu.memory_space<vmem_shared>>
        %dma_wait3A_39 = arith.constant 0 : i32
        %dma_wait3A_40 = tpu.memref_slice %arg12[%add3A_33, %dma_wait3A_39] : memref<10240x128xf32, #tpu.memory_space<vmem_shared>> -> memref<8x128xf32, #tpu.memory_space<vmem_shared>>
        tpu.wait_dma2 semaphore(%run_scoped3A : memref<!tpu.dma_semaphore, #tpu.memory_space<semaphore_mem>>) src(%arg11 : memref<8x128xf32, #tpu.memory_space<vmem>>) dst(%dma_wait3A_40 : memref<8x128xf32, #tpu.memory_space<vmem_shared>>)
        tpu.yield
      }) : () -> ()
      %scan3A_34 = arith.constant 0 : i32
      scf.yield %scan3A_34 : i32
    }
    %scan3A_14 = arith.constant 80 : i32
    %barrier3A = arith.constant 0 : index
    tpu.barrier barrier_id(%barrier3A)
    %scan3A_15 = arith.constant 0 : i32
    %scan3A_16 = arith.constant 0 : i32
    %scan3A_17 = arith.constant 5 : i32
    %scan3A_18 = arith.addi %scan3A_16, %scan3A_17 : i32
    %scan3A_19 = arith.constant 1 : i32
    %scan3A_20 = scf.for %scan3A_27 = %scan3A_16 to %scan3A_18 step %scan3A_19 iter_args(%scan3A_28 = %scan3A_15) -> (i32)  : i32 {
      "tpu.region"() ({
        %run_scoped3A = tpu.sem_alloc : memref<!tpu.dma_semaphore, #tpu.memory_space<semaphore_mem>>
        %dma_start3A_56 = arith.constant 0 : i32
        %dma_start3A_57 = arith.constant 0 : i32
        %dma_start3A_58 = tpu.memref_slice %arg3[%add3A, %scan3A_27, %dma_start3A_56, %dma_start3A_57] : memref<32x5x25x80xi32, #tpu.memory_space<hbm>> -> memref<1x1x25x80xi32, #tpu.memory_space<hbm>>
        %dma_start3A_59 = tpu.memref_squeeze %dma_start3A_58 : memref<1x1x25x80xi32, #tpu.memory_space<hbm>> -> memref<25x80xi32, #tpu.memory_space<hbm>>
        %dma_start3A_60 = arith.constant 0 : i32
        %dma_start3A_61 = arith.constant 0 : i32
        %dma_start3A_62 = tpu.memref_slice %arg3[%add3A, %scan3A_27, %dma_start3A_60, %dma_start3A_61] : memref<32x5x25x80xi32, #tpu.memory_space<hbm>> -> memref<1x1x25x80xi32, #tpu.memory_space<hbm>>
        %dma_start3A_63 = tpu.memref_squeeze %dma_start3A_62 : memref<1x1x25x80xi32, #tpu.memory_space<hbm>> -> memref<25x80xi32, #tpu.memory_space<hbm>>
        tpu.enqueue_dma source(%dma_start3A_63 : memref<25x80xi32, #tpu.memory_space<hbm>>) target(%arg6 : memref<25x80xi32, #tpu.memory_space<vmem>>) target_semaphore(%run_scoped3A : memref<!tpu.dma_semaphore, #tpu.memory_space<semaphore_mem>>)
        %dma_wait3A_64 = arith.constant 0 : i32
        %dma_wait3A_65 = arith.constant 0 : i32
        %dma_wait3A_66 = tpu.memref_slice %arg3[%add3A, %scan3A_27, %dma_wait3A_64, %dma_wait3A_65] : memref<32x5x25x80xi32, #tpu.memory_space<hbm>> -> memref<1x1x25x80xi32, #tpu.memory_space<hbm>>
        %dma_wait3A_67 = tpu.memref_squeeze %dma_wait3A_66 : memref<1x1x25x80xi32, #tpu.memory_space<hbm>> -> memref<25x80xi32, #tpu.memory_space<hbm>>
        %dma_wait3A_68 = arith.constant 0 : i32
        %dma_wait3A_69 = arith.constant 0 : i32
        %dma_wait3A_70 = tpu.memref_slice %arg3[%add3A, %scan3A_27, %dma_wait3A_68, %dma_wait3A_69] : memref<32x5x25x80xi32, #tpu.memory_space<hbm>> -> memref<1x1x25x80xi32, #tpu.memory_space<hbm>>
        %dma_wait3A_71 = tpu.memref_squeeze %dma_wait3A_70 : memref<1x1x25x80xi32, #tpu.memory_space<hbm>> -> memref<25x80xi32, #tpu.memory_space<hbm>>
        tpu.wait_dma2 semaphore(%run_scoped3A : memref<!tpu.dma_semaphore, #tpu.memory_space<semaphore_mem>>) src(%dma_wait3A_71 : memref<25x80xi32, #tpu.memory_space<hbm>>) dst(%arg6 : memref<25x80xi32, #tpu.memory_space<vmem>>)
        tpu.yield
      }) : () -> ()
      "tpu.region"() ({
        %run_scoped3A = tpu.sem_alloc : memref<!tpu.dma_semaphore, #tpu.memory_space<semaphore_mem>>
        %dma_start3A_56 = arith.constant 0 : i32
        %dma_start3A_57 = arith.constant 0 : i32
        %dma_start3A_58 = tpu.memref_slice %arg4[%add3A, %scan3A_27, %dma_start3A_56, %dma_start3A_57] : memref<32x5x25x80xi32, #tpu.memory_space<hbm>> -> memref<1x1x25x80xi32, #tpu.memory_space<hbm>>
        %dma_start3A_59 = tpu.memref_squeeze %dma_start3A_58 : memref<1x1x25x80xi32, #tpu.memory_space<hbm>> -> memref<25x80xi32, #tpu.memory_space<hbm>>
        %dma_start3A_60 = arith.constant 0 : i32
        %dma_start3A_61 = arith.constant 0 : i32
        %dma_start3A_62 = tpu.memref_slice %arg4[%add3A, %scan3A_27, %dma_start3A_60, %dma_start3A_61] : memref<32x5x25x80xi32, #tpu.memory_space<hbm>> -> memref<1x1x25x80xi32, #tpu.memory_space<hbm>>
        %dma_start3A_63 = tpu.memref_squeeze %dma_start3A_62 : memref<1x1x25x80xi32, #tpu.memory_space<hbm>> -> memref<25x80xi32, #tpu.memory_space<hbm>>
        tpu.enqueue_dma source(%dma_start3A_63 : memref<25x80xi32, #tpu.memory_space<hbm>>) target(%arg7 : memref<25x80xi32, #tpu.memory_space<vmem>>) target_semaphore(%run_scoped3A : memref<!tpu.dma_semaphore, #tpu.memory_space<semaphore_mem>>)
        %dma_wait3A_64 = arith.constant 0 : i32
        %dma_wait3A_65 = arith.constant 0 : i32
        %dma_wait3A_66 = tpu.memref_slice %arg4[%add3A, %scan3A_27, %dma_wait3A_64, %dma_wait3A_65] : memref<32x5x25x80xi32, #tpu.memory_space<hbm>> -> memref<1x1x25x80xi32, #tpu.memory_space<hbm>>
        %dma_wait3A_67 = tpu.memref_squeeze %dma_wait3A_66 : memref<1x1x25x80xi32, #tpu.memory_space<hbm>> -> memref<25x80xi32, #tpu.memory_space<hbm>>
        %dma_wait3A_68 = arith.constant 0 : i32
        %dma_wait3A_69 = arith.constant 0 : i32
        %dma_wait3A_70 = tpu.memref_slice %arg4[%add3A, %scan3A_27, %dma_wait3A_68, %dma_wait3A_69] : memref<32x5x25x80xi32, #tpu.memory_space<hbm>> -> memref<1x1x25x80xi32, #tpu.memory_space<hbm>>
        %dma_wait3A_71 = tpu.memref_squeeze %dma_wait3A_70 : memref<1x1x25x80xi32, #tpu.memory_space<hbm>> -> memref<25x80xi32, #tpu.memory_space<hbm>>
        tpu.wait_dma2 semaphore(%run_scoped3A : memref<!tpu.dma_semaphore, #tpu.memory_space<semaphore_mem>>) src(%dma_wait3A_71 : memref<25x80xi32, #tpu.memory_space<hbm>>) dst(%arg7 : memref<25x80xi32, #tpu.memory_space<vmem>>)
        tpu.yield
      }) : () -> ()
      %dma_start3A = arith.constant 0 : i32
      %dma_start3A_29 = arith.constant 0 : i32
      %dma_start3A_30 = tpu.memref_slice %arg6[%dma_start3A, %dma_start3A_29] : memref<25x80xi32, #tpu.memory_space<vmem>> -> memref<1x80xi32, #tpu.memory_space<vmem>>
      %dma_start3A_31 = tpu.memref_squeeze %dma_start3A_30 : memref<1x80xi32, #tpu.memory_space<vmem>> -> memref<80xi32, #tpu.memory_space<vmem>>
      %dma_start3A_32 = arith.constant 0 : i32
      %dma_start3A_33 = arith.constant 0 : i32
      %dma_start3A_34 = tpu.memref_slice %arg2[%dma_start3A_32, %dma_start3A_33] : memref<10240x128xf32, #tpu.memory_space<hbm>> -> memref<10240x128xf32, #tpu.memory_space<hbm>>
      tpu.enqueue_indirect_dma source(%dma_start3A_34 : memref<10240x128xf32, #tpu.memory_space<hbm>>) target(%arg8 : memref<80x128xf32, #tpu.memory_space<vmem>>) offsets(%dma_start3A_31 : memref<80xi32, #tpu.memory_space<vmem>>) semaphore(%arg13 : memref<!tpu.dma_semaphore, #tpu.memory_space<semaphore_mem>>)
      %dma_start3A_35 = arith.constant 1 : i32
      %dma_start3A_36 = arith.constant 0 : i32
      %dma_start3A_37 = tpu.memref_slice %arg6[%dma_start3A_35, %dma_start3A_36] : memref<25x80xi32, #tpu.memory_space<vmem>> -> memref<1x80xi32, #tpu.memory_space<vmem>>
      %dma_start3A_38 = tpu.memref_squeeze %dma_start3A_37 : memref<1x80xi32, #tpu.memory_space<vmem>> -> memref<80xi32, #tpu.memory_space<vmem>>
      %dma_start3A_39 = arith.constant 0 : i32
      %dma_start3A_40 = arith.constant 0 : i32
      %dma_start3A_41 = tpu.memref_slice %arg2[%dma_start3A_39, %dma_start3A_40] : memref<10240x128xf32, #tpu.memory_space<hbm>> -> memref<10240x128xf32, #tpu.memory_space<hbm>>
      tpu.enqueue_indirect_dma source(%dma_start3A_41 : memref<10240x128xf32, #tpu.memory_space<hbm>>) target(%arg9 : memref<80x128xf32, #tpu.memory_space<vmem>>) offsets(%dma_start3A_38 : memref<80xi32, #tpu.memory_space<vmem>>) semaphore(%arg14 : memref<!tpu.dma_semaphore, #tpu.memory_space<semaphore_mem>>)
      %scan3A_42 = arith.constant 0 : i32
      %scan3A_43 = arith.constant 0 : i32
      %scan3A_44 = arith.constant 25 : i32
      %scan3A_45 = arith.addi %scan3A_43, %scan3A_44 : i32
      %scan3A_46 = arith.constant 1 : i32
      %scan3A_47 = scf.for %scan3A_56 = %scan3A_43 to %scan3A_45 step %scan3A_46 iter_args(%scan3A_57 = %scan3A_42) -> (i32)  : i32 {
        %jit3A = arith.constant 3 : i32
        %eq3A = arith.constant 0 : i32
        %eq3A_58 = arith.cmpi eq, %jit3A, %eq3A : i32
        %jit3A_59 = arith.constant 1 : i32
        %select_n3A = arith.select %eq3A_58, %jit3A_59, %jit3A : i32
        %rem3A = arith.remsi %scan3A_56, %select_n3A : i32
        %ne3A = arith.constant 0 : i32
        %ne3A_60 = arith.cmpi ne, %rem3A, %ne3A : i32
        %lt3A = arith.constant 0 : i32
        %lt3A_61 = arith.cmpi slt, %rem3A, %lt3A : i32
        %lt3A_62 = arith.constant 0 : i32
        %lt3A_63 = arith.cmpi slt, %select_n3A, %lt3A_62 : i32
        %ne3A_64 = arith.xori %lt3A_61, %lt3A_63 : i1
        %and3A = arith.andi %ne3A_64, %ne3A_60 : i1
        %add3A_65 = arith.addi %rem3A, %select_n3A : i32
        %select_n3A_66 = arith.select %and3A, %add3A_65, %rem3A : i32
        %eq3A_67 = arith.constant 0 : i32
        %eq3A_68 = arith.cmpi eq, %select_n3A_66, %eq3A_67 : i32
        %convert_element_type3A = arith.extui %eq3A_68 : i1 to i32
        %cond3A = arith.constant 0 : i32
        %cond3A_69 = arith.cmpi ne, %convert_element_type3A, %cond3A : i32
        scf.if %cond3A_69 {
          %ge3A = arith.constant 1 : i32
          %ge3A_113 = arith.cmpi sge, %scan3A_56, %ge3A : i32
          %convert_element_type3A_114 = arith.extui %ge3A_113 : i1 to i32
          %cond3A_115 = arith.constant 0 : i32
          %cond3A_116 = arith.cmpi ne, %convert_element_type3A_114, %cond3A_115 : i32
          scf.if %cond3A_116 {
            %sub3A = arith.constant 1 : i32
            %sub3A_136 = arith.subi %scan3A_56, %sub3A : i32
            %dma_wait3A_137 = arith.constant 0 : i32
            %dma_wait3A_138 = tpu.memref_slice %arg7[%sub3A_136, %dma_wait3A_137] : memref<25x80xi32, #tpu.memory_space<vmem>> -> memref<1x80xi32, #tpu.memory_space<vmem>>
            %dma_wait3A_139 = tpu.memref_squeeze %dma_wait3A_138 : memref<1x80xi32, #tpu.memory_space<vmem>> -> memref<80xi32, #tpu.memory_space<vmem>>
            %dma_wait3A_140 = arith.constant 0 : i32
            %dma_wait3A_141 = arith.constant 0 : i32
            %dma_wait3A_142 = tpu.memref_slice %arg12[%dma_wait3A_140, %dma_wait3A_141] : memref<10240x128xf32, #tpu.memory_space<vmem_shared>> -> memref<10240x128xf32, #tpu.memory_space<vmem_shared>>
            tpu.wait_indirect_dma semaphore(%arg18 : memref<!tpu.dma_semaphore, #tpu.memory_space<semaphore_mem>>) src(%arg10 : memref<80x128xf32, #tpu.memory_space<vmem>>) dst(%dma_wait3A_142 : memref<10240x128xf32, #tpu.memory_space<vmem_shared>>)
          } else {
          }
          %add3A_117 = arith.constant 2 : i32
          %add3A_118 = arith.addi %scan3A_56, %add3A_117 : i32
          %lt3A_119 = arith.constant 25 : i32
          %lt3A_120 = arith.cmpi slt, %add3A_118, %lt3A_119 : i32
          %convert_element_type3A_121 = arith.extui %lt3A_120 : i1 to i32
          %cond3A_122 = arith.constant 0 : i32
          %cond3A_123 = arith.cmpi ne, %convert_element_type3A_121, %cond3A_122 : i32
          scf.if %cond3A_123 {
            %add3A_136 = arith.constant 2 : i32
            %add3A_137 = arith.addi %scan3A_56, %add3A_136 : i32
            %dma_start3A_138 = arith.constant 0 : i32
            %dma_start3A_139 = tpu.memref_slice %arg6[%add3A_137, %dma_start3A_138] : memref<25x80xi32, #tpu.memory_space<vmem>> -> memref<1x80xi32, #tpu.memory_space<vmem>>
            %dma_start3A_140 = tpu.memref_squeeze %dma_start3A_139 : memref<1x80xi32, #tpu.memory_space<vmem>> -> memref<80xi32, #tpu.memory_space<vmem>>
            %dma_start3A_141 = arith.constant 0 : i32
            %dma_start3A_142 = arith.constant 0 : i32
            %dma_start3A_143 = tpu.memref_slice %arg2[%dma_start3A_141, %dma_start3A_142] : memref<10240x128xf32, #tpu.memory_space<hbm>> -> memref<10240x128xf32, #tpu.memory_space<hbm>>
            tpu.enqueue_indirect_dma source(%dma_start3A_143 : memref<10240x128xf32, #tpu.memory_space<hbm>>) target(%arg10 : memref<80x128xf32, #tpu.memory_space<vmem>>) offsets(%dma_start3A_140 : memref<80xi32, #tpu.memory_space<vmem>>) semaphore(%arg15 : memref<!tpu.dma_semaphore, #tpu.memory_space<semaphore_mem>>)
          } else {
          }
          %dma_wait3A_124 = arith.constant 0 : i32
          %dma_wait3A_125 = tpu.memref_slice %arg6[%scan3A_56, %dma_wait3A_124] : memref<25x80xi32, #tpu.memory_space<vmem>> -> memref<1x80xi32, #tpu.memory_space<vmem>>
          %dma_wait3A_126 = tpu.memref_squeeze %dma_wait3A_125 : memref<1x80xi32, #tpu.memory_space<vmem>> -> memref<80xi32, #tpu.memory_space<vmem>>
          %dma_wait3A_127 = arith.constant 0 : i32
          %dma_wait3A_128 = arith.constant 0 : i32
          %dma_wait3A_129 = tpu.memref_slice %arg2[%dma_wait3A_127, %dma_wait3A_128] : memref<10240x128xf32, #tpu.memory_space<hbm>> -> memref<10240x128xf32, #tpu.memory_space<hbm>>
          tpu.wait_indirect_dma semaphore(%arg13 : memref<!tpu.dma_semaphore, #tpu.memory_space<semaphore_mem>>) src(%dma_wait3A_129 : memref<10240x128xf32, #tpu.memory_space<hbm>>) dst(%arg8 : memref<80x128xf32, #tpu.memory_space<vmem>>)
          %dma_start3A_130 = arith.constant 0 : i32
          %dma_start3A_131 = tpu.memref_slice %arg7[%scan3A_56, %dma_start3A_130] : memref<25x80xi32, #tpu.memory_space<vmem>> -> memref<1x80xi32, #tpu.memory_space<vmem>>
          %dma_start3A_132 = tpu.memref_squeeze %dma_start3A_131 : memref<1x80xi32, #tpu.memory_space<vmem>> -> memref<80xi32, #tpu.memory_space<vmem>>
          %dma_start3A_133 = arith.constant 0 : i32
          %dma_start3A_134 = arith.constant 0 : i32
          %dma_start3A_135 = tpu.memref_slice %arg12[%dma_start3A_133, %dma_start3A_134] : memref<10240x128xf32, #tpu.memory_space<vmem_shared>> -> memref<10240x128xf32, #tpu.memory_space<vmem_shared>>
          tpu.enqueue_indirect_dma source(%arg8 : memref<80x128xf32, #tpu.memory_space<vmem>>) target(%dma_start3A_135 : memref<10240x128xf32, #tpu.memory_space<vmem_shared>>) offsets(%dma_start3A_132 : memref<80xi32, #tpu.memory_space<vmem>>) semaphore(%arg16 : memref<!tpu.dma_semaphore, #tpu.memory_space<semaphore_mem>>) {add = true}
        } else {
        }
        %jit3A_70 = arith.constant 3 : i32
        %eq3A_71 = arith.constant 0 : i32
        %eq3A_72 = arith.cmpi eq, %jit3A_70, %eq3A_71 : i32
        %jit3A_73 = arith.constant 1 : i32
        %select_n3A_74 = arith.select %eq3A_72, %jit3A_73, %jit3A_70 : i32
        %rem3A_75 = arith.remsi %scan3A_56, %select_n3A_74 : i32
        %ne3A_76 = arith.constant 0 : i32
        %ne3A_77 = arith.cmpi ne, %rem3A_75, %ne3A_76 : i32
        %lt3A_78 = arith.constant 0 : i32
        %lt3A_79 = arith.cmpi slt, %rem3A_75, %lt3A_78 : i32
        %lt3A_80 = arith.constant 0 : i32
        %lt3A_81 = arith.cmpi slt, %select_n3A_74, %lt3A_80 : i32
        %ne3A_82 = arith.xori %lt3A_79, %lt3A_81 : i1
        %and3A_83 = arith.andi %ne3A_82, %ne3A_77 : i1
        %add3A_84 = arith.addi %rem3A_75, %select_n3A_74 : i32
        %select_n3A_85 = arith.select %and3A_83, %add3A_84, %rem3A_75 : i32
        %eq3A_86 = arith.constant 1 : i32
        %eq3A_87 = arith.cmpi eq, %select_n3A_85, %eq3A_86 : i32
        %convert_element_type3A_88 = arith.extui %eq3A_87 : i1 to i32
        %cond3A_89 = arith.constant 0 : i32
        %cond3A_90 = arith.cmpi ne, %convert_element_type3A_88, %cond3A_89 : i32
        scf.if %cond3A_90 {
          %ge3A = arith.constant 1 : i32
          %ge3A_113 = arith.cmpi sge, %scan3A_56, %ge3A : i32
          %convert_element_type3A_114 = arith.extui %ge3A_113 : i1 to i32
          %cond3A_115 = arith.constant 0 : i32
          %cond3A_116 = arith.cmpi ne, %convert_element_type3A_114, %cond3A_115 : i32
          scf.if %cond3A_116 {
            %sub3A = arith.constant 1 : i32
            %sub3A_136 = arith.subi %scan3A_56, %sub3A : i32
            %dma_wait3A_137 = arith.constant 0 : i32
            %dma_wait3A_138 = tpu.memref_slice %arg7[%sub3A_136, %dma_wait3A_137] : memref<25x80xi32, #tpu.memory_space<vmem>> -> memref<1x80xi32, #tpu.memory_space<vmem>>
            %dma_wait3A_139 = tpu.memref_squeeze %dma_wait3A_138 : memref<1x80xi32, #tpu.memory_space<vmem>> -> memref<80xi32, #tpu.memory_space<vmem>>
            %dma_wait3A_140 = arith.constant 0 : i32
            %dma_wait3A_141 = arith.constant 0 : i32
            %dma_wait3A_142 = tpu.memref_slice %arg12[%dma_wait3A_140, %dma_wait3A_141] : memref<10240x128xf32, #tpu.memory_space<vmem_shared>> -> memref<10240x128xf32, #tpu.memory_space<vmem_shared>>
            tpu.wait_indirect_dma semaphore(%arg16 : memref<!tpu.dma_semaphore, #tpu.memory_space<semaphore_mem>>) src(%arg8 : memref<80x128xf32, #tpu.memory_space<vmem>>) dst(%dma_wait3A_142 : memref<10240x128xf32, #tpu.memory_space<vmem_shared>>)
          } else {
          }
          %add3A_117 = arith.constant 2 : i32
          %add3A_118 = arith.addi %scan3A_56, %add3A_117 : i32
          %lt3A_119 = arith.constant 25 : i32
          %lt3A_120 = arith.cmpi slt, %add3A_118, %lt3A_119 : i32
          %convert_element_type3A_121 = arith.extui %lt3A_120 : i1 to i32
          %cond3A_122 = arith.constant 0 : i32
          %cond3A_123 = arith.cmpi ne, %convert_element_type3A_121, %cond3A_122 : i32
          scf.if %cond3A_123 {
            %add3A_136 = arith.constant 2 : i32
            %add3A_137 = arith.addi %scan3A_56, %add3A_136 : i32
            %dma_start3A_138 = arith.constant 0 : i32
            %dma_start3A_139 = tpu.memref_slice %arg6[%add3A_137, %dma_start3A_138] : memref<25x80xi32, #tpu.memory_space<vmem>> -> memref<1x80xi32, #tpu.memory_space<vmem>>
            %dma_start3A_140 = tpu.memref_squeeze %dma_start3A_139 : memref<1x80xi32, #tpu.memory_space<vmem>> -> memref<80xi32, #tpu.memory_space<vmem>>
            %dma_start3A_141 = arith.constant 0 : i32
            %dma_start3A_142 = arith.constant 0 : i32
            %dma_start3A_143 = tpu.memref_slice %arg2[%dma_start3A_141, %dma_start3A_142] : memref<10240x128xf32, #tpu.memory_space<hbm>> -> memref<10240x128xf32, #tpu.memory_space<hbm>>
            tpu.enqueue_indirect_dma source(%dma_start3A_143 : memref<10240x128xf32, #tpu.memory_space<hbm>>) target(%arg8 : memref<80x128xf32, #tpu.memory_space<vmem>>) offsets(%dma_start3A_140 : memref<80xi32, #tpu.memory_space<vmem>>) semaphore(%arg13 : memref<!tpu.dma_semaphore, #tpu.memory_space<semaphore_mem>>)
          } else {
          }
          %dma_wait3A_124 = arith.constant 0 : i32
          %dma_wait3A_125 = tpu.memref_slice %arg6[%scan3A_56, %dma_wait3A_124] : memref<25x80xi32, #tpu.memory_space<vmem>> -> memref<1x80xi32, #tpu.memory_space<vmem>>
          %dma_wait3A_126 = tpu.memref_squeeze %dma_wait3A_125 : memref<1x80xi32, #tpu.memory_space<vmem>> -> memref<80xi32, #tpu.memory_space<vmem>>
          %dma_wait3A_127 = arith.constant 0 : i32
          %dma_wait3A_128 = arith.constant 0 : i32
          %dma_wait3A_129 = tpu.memref_slice %arg2[%dma_wait3A_127, %dma_wait3A_128] : memref<10240x128xf32, #tpu.memory_space<hbm>> -> memref<10240x128xf32, #tpu.memory_space<hbm>>
          tpu.wait_indirect_dma semaphore(%arg14 : memref<!tpu.dma_semaphore, #tpu.memory_space<semaphore_mem>>) src(%dma_wait3A_129 : memref<10240x128xf32, #tpu.memory_space<hbm>>) dst(%arg9 : memref<80x128xf32, #tpu.memory_space<vmem>>)
          %dma_start3A_130 = arith.constant 0 : i32
          %dma_start3A_131 = tpu.memref_slice %arg7[%scan3A_56, %dma_start3A_130] : memref<25x80xi32, #tpu.memory_space<vmem>> -> memref<1x80xi32, #tpu.memory_space<vmem>>
          %dma_start3A_132 = tpu.memref_squeeze %dma_start3A_131 : memref<1x80xi32, #tpu.memory_space<vmem>> -> memref<80xi32, #tpu.memory_space<vmem>>
          %dma_start3A_133 = arith.constant 0 : i32
          %dma_start3A_134 = arith.constant 0 : i32
          %dma_start3A_135 = tpu.memref_slice %arg12[%dma_start3A_133, %dma_start3A_134] : memref<10240x128xf32, #tpu.memory_space<vmem_shared>> -> memref<10240x128xf32, #tpu.memory_space<vmem_shared>>
          tpu.enqueue_indirect_dma source(%arg9 : memref<80x128xf32, #tpu.memory_space<vmem>>) target(%dma_start3A_135 : memref<10240x128xf32, #tpu.memory_space<vmem_shared>>) offsets(%dma_start3A_132 : memref<80xi32, #tpu.memory_space<vmem>>) semaphore(%arg17 : memref<!tpu.dma_semaphore, #tpu.memory_space<semaphore_mem>>) {add = true}
        } else {
        }
        %jit3A_91 = arith.constant 3 : i32
        %eq3A_92 = arith.constant 0 : i32
        %eq3A_93 = arith.cmpi eq, %jit3A_91, %eq3A_92 : i32
        %jit3A_94 = arith.constant 1 : i32
        %select_n3A_95 = arith.select %eq3A_93, %jit3A_94, %jit3A_91 : i32
        %rem3A_96 = arith.remsi %scan3A_56, %select_n3A_95 : i32
        %ne3A_97 = arith.constant 0 : i32
        %ne3A_98 = arith.cmpi ne, %rem3A_96, %ne3A_97 : i32
        %lt3A_99 = arith.constant 0 : i32
        %lt3A_100 = arith.cmpi slt, %rem3A_96, %lt3A_99 : i32
        %lt3A_101 = arith.constant 0 : i32
        %lt3A_102 = arith.cmpi slt, %select_n3A_95, %lt3A_101 : i32
        %ne3A_103 = arith.xori %lt3A_100, %lt3A_102 : i1
        %and3A_104 = arith.andi %ne3A_103, %ne3A_98 : i1
        %add3A_105 = arith.addi %rem3A_96, %select_n3A_95 : i32
        %select_n3A_106 = arith.select %and3A_104, %add3A_105, %rem3A_96 : i32
        %eq3A_107 = arith.constant 2 : i32
        %eq3A_108 = arith.cmpi eq, %select_n3A_106, %eq3A_107 : i32
        %convert_element_type3A_109 = arith.extui %eq3A_108 : i1 to i32
        %cond3A_110 = arith.constant 0 : i32
        %cond3A_111 = arith.cmpi ne, %convert_element_type3A_109, %cond3A_110 : i32
        scf.if %cond3A_111 {
          %ge3A = arith.constant 1 : i32
          %ge3A_113 = arith.cmpi sge, %scan3A_56, %ge3A : i32
          %convert_element_type3A_114 = arith.extui %ge3A_113 : i1 to i32
          %cond3A_115 = arith.constant 0 : i32
          %cond3A_116 = arith.cmpi ne, %convert_element_type3A_114, %cond3A_115 : i32
          scf.if %cond3A_116 {
            %sub3A = arith.constant 1 : i32
            %sub3A_136 = arith.subi %scan3A_56, %sub3A : i32
            %dma_wait3A_137 = arith.constant 0 : i32
            %dma_wait3A_138 = tpu.memref_slice %arg7[%sub3A_136, %dma_wait3A_137] : memref<25x80xi32, #tpu.memory_space<vmem>> -> memref<1x80xi32, #tpu.memory_space<vmem>>
            %dma_wait3A_139 = tpu.memref_squeeze %dma_wait3A_138 : memref<1x80xi32, #tpu.memory_space<vmem>> -> memref<80xi32, #tpu.memory_space<vmem>>
            %dma_wait3A_140 = arith.constant 0 : i32
            %dma_wait3A_141 = arith.constant 0 : i32
            %dma_wait3A_142 = tpu.memref_slice %arg12[%dma_wait3A_140, %dma_wait3A_141] : memref<10240x128xf32, #tpu.memory_space<vmem_shared>> -> memref<10240x128xf32, #tpu.memory_space<vmem_shared>>
            tpu.wait_indirect_dma semaphore(%arg17 : memref<!tpu.dma_semaphore, #tpu.memory_space<semaphore_mem>>) src(%arg9 : memref<80x128xf32, #tpu.memory_space<vmem>>) dst(%dma_wait3A_142 : memref<10240x128xf32, #tpu.memory_space<vmem_shared>>)
          } else {
          }
          %add3A_117 = arith.constant 2 : i32
          %add3A_118 = arith.addi %scan3A_56, %add3A_117 : i32
          %lt3A_119 = arith.constant 25 : i32
          %lt3A_120 = arith.cmpi slt, %add3A_118, %lt3A_119 : i32
          %convert_element_type3A_121 = arith.extui %lt3A_120 : i1 to i32
          %cond3A_122 = arith.constant 0 : i32
          %cond3A_123 = arith.cmpi ne, %convert_element_type3A_121, %cond3A_122 : i32
          scf.if %cond3A_123 {
            %add3A_136 = arith.constant 2 : i32
            %add3A_137 = arith.addi %scan3A_56, %add3A_136 : i32
            %dma_start3A_138 = arith.constant 0 : i32
            %dma_start3A_139 = tpu.memref_slice %arg6[%add3A_137, %dma_start3A_138] : memref<25x80xi32, #tpu.memory_space<vmem>> -> memref<1x80xi32, #tpu.memory_space<vmem>>
            %dma_start3A_140 = tpu.memref_squeeze %dma_start3A_139 : memref<1x80xi32, #tpu.memory_space<vmem>> -> memref<80xi32, #tpu.memory_space<vmem>>
            %dma_start3A_141 = arith.constant 0 : i32
            %dma_start3A_142 = arith.constant 0 : i32
            %dma_start3A_143 = tpu.memref_slice %arg2[%dma_start3A_141, %dma_start3A_142] : memref<10240x128xf32, #tpu.memory_space<hbm>> -> memref<10240x128xf32, #tpu.memory_space<hbm>>
            tpu.enqueue_indirect_dma source(%dma_start3A_143 : memref<10240x128xf32, #tpu.memory_space<hbm>>) target(%arg9 : memref<80x128xf32, #tpu.memory_space<vmem>>) offsets(%dma_start3A_140 : memref<80xi32, #tpu.memory_space<vmem>>) semaphore(%arg14 : memref<!tpu.dma_semaphore, #tpu.memory_space<semaphore_mem>>)
          } else {
          }
          %dma_wait3A_124 = arith.constant 0 : i32
          %dma_wait3A_125 = tpu.memref_slice %arg6[%scan3A_56, %dma_wait3A_124] : memref<25x80xi32, #tpu.memory_space<vmem>> -> memref<1x80xi32, #tpu.memory_space<vmem>>
          %dma_wait3A_126 = tpu.memref_squeeze %dma_wait3A_125 : memref<1x80xi32, #tpu.memory_space<vmem>> -> memref<80xi32, #tpu.memory_space<vmem>>
          %dma_wait3A_127 = arith.constant 0 : i32
          %dma_wait3A_128 = arith.constant 0 : i32
          %dma_wait3A_129 = tpu.memref_slice %arg2[%dma_wait3A_127, %dma_wait3A_128] : memref<10240x128xf32, #tpu.memory_space<hbm>> -> memref<10240x128xf32, #tpu.memory_space<hbm>>
          tpu.wait_indirect_dma semaphore(%arg15 : memref<!tpu.dma_semaphore, #tpu.memory_space<semaphore_mem>>) src(%dma_wait3A_129 : memref<10240x128xf32, #tpu.memory_space<hbm>>) dst(%arg10 : memref<80x128xf32, #tpu.memory_space<vmem>>)
          %dma_start3A_130 = arith.constant 0 : i32
          %dma_start3A_131 = tpu.memref_slice %arg7[%scan3A_56, %dma_start3A_130] : memref<25x80xi32, #tpu.memory_space<vmem>> -> memref<1x80xi32, #tpu.memory_space<vmem>>
          %dma_start3A_132 = tpu.memref_squeeze %dma_start3A_131 : memref<1x80xi32, #tpu.memory_space<vmem>> -> memref<80xi32, #tpu.memory_space<vmem>>
          %dma_start3A_133 = arith.constant 0 : i32
          %dma_start3A_134 = arith.constant 0 : i32
          %dma_start3A_135 = tpu.memref_slice %arg12[%dma_start3A_133, %dma_start3A_134] : memref<10240x128xf32, #tpu.memory_space<vmem_shared>> -> memref<10240x128xf32, #tpu.memory_space<vmem_shared>>
          tpu.enqueue_indirect_dma source(%arg10 : memref<80x128xf32, #tpu.memory_space<vmem>>) target(%dma_start3A_135 : memref<10240x128xf32, #tpu.memory_space<vmem_shared>>) offsets(%dma_start3A_132 : memref<80xi32, #tpu.memory_space<vmem>>) semaphore(%arg18 : memref<!tpu.dma_semaphore, #tpu.memory_space<semaphore_mem>>) {add = true}
        } else {
        }
        %scan3A_112 = arith.constant 0 : i32
        scf.yield %scan3A_112 : i32
      }
      %scan3A_48 = arith.constant 25 : i32
      %dma_wait3A = arith.constant 24 : i32
      %dma_wait3A_49 = arith.constant 0 : i32
      %dma_wait3A_50 = tpu.memref_slice %arg7[%dma_wait3A, %dma_wait3A_49] : memref<25x80xi32, #tpu.memory_space<vmem>> -> memref<1x80xi32, #tpu.memory_space<vmem>>
      %dma_wait3A_51 = tpu.memref_squeeze %dma_wait3A_50 : memref<1x80xi32, #tpu.memory_space<vmem>> -> memref<80xi32, #tpu.memory_space<vmem>>
      %dma_wait3A_52 = arith.constant 0 : i32
      %dma_wait3A_53 = arith.constant 0 : i32
      %dma_wait3A_54 = tpu.memref_slice %arg12[%dma_wait3A_52, %dma_wait3A_53] : memref<10240x128xf32, #tpu.memory_space<vmem_shared>> -> memref<10240x128xf32, #tpu.memory_space<vmem_shared>>
      tpu.wait_indirect_dma semaphore(%arg16 : memref<!tpu.dma_semaphore, #tpu.memory_space<semaphore_mem>>) src(%arg8 : memref<80x128xf32, #tpu.memory_space<vmem>>) dst(%dma_wait3A_54 : memref<10240x128xf32, #tpu.memory_space<vmem_shared>>)
      %scan3A_55 = arith.constant 0 : i32
      scf.yield %scan3A_55 : i32
    }
    %scan3A_21 = arith.constant 5 : i32
    %barrier3A_22 = arith.constant 0 : index
    tpu.barrier barrier_id(%barrier3A_22)
    %mul3A_23 = arith.constant 640 : i32
    %mul3A_24 = arith.muli %arg1, %mul3A_23 : i32
    %mul3A_25 = arith.constant 640 : i32
    %mul3A_26 = arith.muli %arg1, %mul3A_25 : i32
    "tpu.region"() ({
      %run_scoped3A = tpu.sem_alloc : memref<!tpu.dma_semaphore, #tpu.memory_space<semaphore_mem>>
      %dma_start3A = arith.constant 0 : i32
      %dma_start3A_27 = tpu.memref_slice %arg5[%arg0, %mul3A_26, %dma_start3A] : memref<2x10240x128xf32, #tpu.memory_space<hbm>> -> memref<1x640x128xf32, #tpu.memory_space<hbm>>
      %dma_start3A_28 = tpu.memref_squeeze %dma_start3A_27 : memref<1x640x128xf32, #tpu.memory_space<hbm>> -> memref<640x128xf32, #tpu.memory_space<hbm>>
      %dma_start3A_29 = arith.constant 0 : i32
      %dma_start3A_30 = tpu.memref_slice %arg12[%mul3A_24, %dma_start3A_29] : memref<10240x128xf32, #tpu.memory_space<vmem_shared>> -> memref<640x128xf32, #tpu.memory_space<vmem_shared>>
      tpu.enqueue_dma source(%dma_start3A_30 : memref<640x128xf32, #tpu.memory_space<vmem_shared>>) target(%dma_start3A_28 : memref<640x128xf32, #tpu.memory_space<hbm>>) target_semaphore(%run_scoped3A : memref<!tpu.dma_semaphore, #tpu.memory_space<semaphore_mem>>)
      %dma_wait3A = arith.constant 0 : i32
      %dma_wait3A_31 = tpu.memref_slice %arg5[%arg0, %mul3A_26, %dma_wait3A] : memref<2x10240x128xf32, #tpu.memory_space<hbm>> -> memref<1x640x128xf32, #tpu.memory_space<hbm>>
      %dma_wait3A_32 = tpu.memref_squeeze %dma_wait3A_31 : memref<1x640x128xf32, #tpu.memory_space<hbm>> -> memref<640x128xf32, #tpu.memory_space<hbm>>
      %dma_wait3A_33 = arith.constant 0 : i32
      %dma_wait3A_34 = tpu.memref_slice %arg12[%mul3A_24, %dma_wait3A_33] : memref<10240x128xf32, #tpu.memory_space<vmem_shared>> -> memref<640x128xf32, #tpu.memory_space<vmem_shared>>
      tpu.wait_dma2 semaphore(%run_scoped3A : memref<!tpu.dma_semaphore, #tpu.memory_space<semaphore_mem>>) src(%dma_wait3A_34 : memref<640x128xf32, #tpu.memory_space<vmem_shared>>) dst(%dma_wait3A_32 : memref<640x128xf32, #tpu.memory_space<hbm>>)
      tpu.yield
    }) : () -> ()
    return
  }
}

#map = affine_map<(d0, d1) -> (0, 0)>
#map1 = affine_map<(d0, d1) -> (0, 0, 0, 0)>
#map2 = affine_map<(d0, d1) -> (0, 0, 0)>
module attributes {stable_mosaic.version = 14 : i64} {
  func.func @_sc_segsum(%arg0: i32, %arg1: i32, %arg2: memref<10240x128xf32, #tpu.memory_space<hbm>>, %arg3: memref<32x5x25x80xi32, #tpu.memory_space<hbm>>, %arg4: memref<32x5x25x80xi32, #tpu.memory_space<hbm>>, %arg5: memref<2x10240x128xf32, #tpu.memory_space<hbm>>, %arg6: memref<25x80xi32, #tpu.memory_space<vmem>>, %arg7: memref<25x80xi32, #tpu.memory_space<vmem>>, %arg8: memref<80x128xf32, #tpu.memory_space<vmem>>, %arg9: memref<80x128xf32, #tpu.memory_space<vmem>>, %arg10: memref<80x128xf32, #tpu.memory_space<vmem>>, %arg11: memref<8x128xf32, #tpu.memory_space<vmem>>, %arg12: memref<10240x128xf32, #tpu.memory_space<vmem_shared>>, %arg13: memref<!tpu.dma_semaphore, #tpu.memory_space<semaphore_mem>>, %arg14: memref<!tpu.dma_semaphore, #tpu.memory_space<semaphore_mem>>, %arg15: memref<!tpu.dma_semaphore, #tpu.memory_space<semaphore_mem>>, %arg16: memref<!tpu.dma_semaphore, #tpu.memory_space<semaphore_mem>>, %arg17: memref<!tpu.dma_semaphore, #tpu.memory_space<semaphore_mem>>, %arg18: memref<!tpu.dma_semaphore, #tpu.memory_space<semaphore_mem>>) attributes {dimension_semantics = [#tpu.dimension_semantics<core_parallel>, #tpu.dimension_semantics<subcore_parallel>], iteration_bounds = array<i64: 2, 16>, scalar_prefetch = 0 : i64, scratch_operands = 13 : i64, tpu.core_type = #tpu.core_type<sc_vector_subcore>, window_params = [{transform_indices = #map}, {transform_indices = #map1}, {transform_indices = #map1}, {transform_indices = #map2}]} {
    %mul3A = arith.constant 2 : i32
    %mul3A_0 = arith.muli %arg1, %mul3A : i32
    %add3A = arith.addi %mul3A_0, %arg0 : i32
    %broadcast_in_dim3A = arith.constant 0.000000e+00 : f32
    %broadcast_in_dim3A_1 = vector.broadcast %broadcast_in_dim3A : f32 to vector<16xf32>
    %scan3A = arith.constant 0 : i32
    %scan3A_2 = arith.constant 0 : i32
    %scan3A_3 = arith.constant 64 : i32
    %scan3A_4 = arith.addi %scan3A_2, %scan3A_3 : i32
    %scan3A_5 = arith.constant 1 : i32
    %scan3A_6 = scf.for %scan3A_27 = %scan3A_2 to %scan3A_4 step %scan3A_5 iter_args(%scan3A_28 = %scan3A) -> (i32)  : i32 {
      %jit3A = arith.constant 8 : i32
      %div3A = arith.divsi %scan3A_27, %jit3A : i32
      %sign3A = arith.constant 0 : i32
      %sign3A_29 = arith.cmpi sgt, %scan3A_27, %sign3A : i32
      %sign3A_30 = arith.extui %sign3A_29 : i1 to i32
      %sign3A_31 = arith.constant 0 : i32
      %sign3A_32 = arith.cmpi slt, %scan3A_27, %sign3A_31 : i32
      %sign3A_33 = arith.extui %sign3A_32 : i1 to i32
      %sign3A_34 = arith.subi %sign3A_30, %sign3A_33 : i32
      %sign3A_35 = arith.constant 0 : i32
      %sign3A_36 = arith.cmpi sgt, %jit3A, %sign3A_35 : i32
      %sign3A_37 = arith.extui %sign3A_36 : i1 to i32
      %sign3A_38 = arith.constant 0 : i32
      %sign3A_39 = arith.cmpi slt, %jit3A, %sign3A_38 : i32
      %sign3A_40 = arith.extui %sign3A_39 : i1 to i32
      %sign3A_41 = arith.subi %sign3A_37, %sign3A_40 : i32
      %ne3A = arith.cmpi ne, %sign3A_34, %sign3A_41 : i32
      %rem3A = arith.remsi %scan3A_27, %jit3A : i32
      %ne3A_42 = arith.constant 0 : i32
      %ne3A_43 = arith.cmpi ne, %rem3A, %ne3A_42 : i32
      %and3A = arith.andi %ne3A, %ne3A_43 : i1
      %sub3A = arith.constant 1 : i32
      %sub3A_44 = arith.subi %div3A, %sub3A : i32
      %select_n3A = arith.select %and3A, %sub3A_44, %div3A : i32
      %jit3A_45 = arith.constant 8 : i32
      %eq3A = arith.constant 0 : i32
      %eq3A_46 = arith.cmpi eq, %jit3A_45, %eq3A : i32
      %jit3A_47 = arith.constant 1 : i32
      %select_n3A_48 = arith.select %eq3A_46, %jit3A_47, %jit3A_45 : i32
      %rem3A_49 = arith.remsi %scan3A_27, %select_n3A_48 : i32
      %ne3A_50 = arith.constant 0 : i32
      %ne3A_51 = arith.cmpi ne, %rem3A_49, %ne3A_50 : i32
      %lt3A = arith.constant 0 : i32
      %lt3A_52 = arith.cmpi slt, %rem3A_49, %lt3A : i32
      %lt3A_53 = arith.constant 0 : i32
      %lt3A_54 = arith.cmpi slt, %select_n3A_48, %lt3A_53 : i32
      %ne3A_55 = arith.xori %lt3A_52, %lt3A_54 : i1
      %and3A_56 = arith.andi %ne3A_55, %ne3A_51 : i1
      %add3A_57 = arith.addi %rem3A_49, %select_n3A_48 : i32
      %select_n3A_58 = arith.select %and3A_56, %add3A_57, %rem3A_49 : i32
      %mul3A_59 = arith.constant 16 : i32
      %mul3A_60 = arith.muli %select_n3A_58, %mul3A_59 : i32
      %swap3A = arith.index_cast %select_n3A : i32 to index
      %swap3A_61 = arith.index_cast %mul3A_60 : i32 to index
      %swap3A_62 = tpu.vector_load %arg11[%swap3A, %swap3A_61] {strides = array<i32>} : memref<8x128xf32, #tpu.memory_space<vmem>>, vector<1x16xf32>,
      %swap3A_63 = vector.shape_cast %swap3A_62 : vector<1x16xf32> to vector<16xf32>
      %swap3A_64 = vector.shape_cast %broadcast_in_dim3A_1 : vector<16xf32> to vector<1x16xf32>
      tpu.vector_store %arg11[%swap3A, %swap3A_61], %swap3A_64 {strides = array<i32>} : memref<8x128xf32, #tpu.memory_space<vmem>>, vector<1x16xf32>,
      %scan3A_65 = arith.constant 0 : i32
      scf.yield %scan3A_65 : i32
    }
    %scan3A_7 = arith.constant 64 : i32
    %scan3A_8 = arith.constant 0 : i32
    %scan3A_9 = arith.constant 0 : i32
    %scan3A_10 = arith.constant 80 : i32
    %scan3A_11 = arith.addi %scan3A_9, %scan3A_10 : i32
    %scan3A_12 = arith.constant 1 : i32
    %scan3A_13 = scf.for %scan3A_27 = %scan3A_9 to %scan3A_11 step %scan3A_12 iter_args(%scan3A_28 = %scan3A_8) -> (i32)  : i32 {
      %mul3A_29 = arith.constant 640 : i32
      %mul3A_30 = arith.muli %arg1, %mul3A_29 : i32
      %mul3A_31 = arith.constant 8 : i32
      %mul3A_32 = arith.muli %scan3A_27, %mul3A_31 : i32
      %add3A_33 = arith.addi %mul3A_30, %mul3A_32 : i32
      "tpu.region"() ({
        %run_scoped3A = tpu.sem_alloc : memref<!tpu.dma_semaphore, #tpu.memory_space<semaphore_mem>>
        %dma_start3A = arith.constant 0 : i32
        %dma_start3A_35 = tpu.memref_slice %arg12[%add3A_33, %dma_start3A] : memref<10240x128xf32, #tpu.memory_space<vmem_shared>> -> memref<8x128xf32, #tpu.memory_space<vmem_shared>>
        %dma_start3A_36 = arith.constant 0 : i32
        %dma_start3A_37 = tpu.memref_slice %arg12[%add3A_33, %dma_start3A_36] : memref<10240x128xf32, #tpu.memory_space<vmem_shared>> -> memref<8x128xf32, #tpu.memory_space<vmem_shared>>
        tpu.enqueue_dma source(%arg11 : memref<8x128xf32, #tpu.memory_space<vmem>>) target(%dma_start3A_37 : memref<8x128xf32, #tpu.memory_space<vmem_shared>>) target_semaphore(%run_scoped3A : memref<!tpu.dma_semaphore, #tpu.memory_space<semaphore_mem>>)
        %dma_wait3A = arith.constant 0 : i32
        %dma_wait3A_38 = tpu.memref_slice %arg12[%add3A_33, %dma_wait3A] : memref<10240x128xf32, #tpu.memory_space<vmem_shared>> -> memref<8x128xf32, #tpu.memory_space<vmem_shared>>
        %dma_wait3A_39 = arith.constant 0 : i32
        %dma_wait3A_40 = tpu.memref_slice %arg12[%add3A_33, %dma_wait3A_39] : memref<10240x128xf32, #tpu.memory_space<vmem_shared>> -> memref<8x128xf32, #tpu.memory_space<vmem_shared>>
        tpu.wait_dma2 semaphore(%run_scoped3A : memref<!tpu.dma_semaphore, #tpu.memory_space<semaphore_mem>>) src(%arg11 : memref<8x128xf32, #tpu.memory_space<vmem>>) dst(%dma_wait3A_40 : memref<8x128xf32, #tpu.memory_space<vmem_shared>>)
        tpu.yield
      }) : () -> ()
      %scan3A_34 = arith.constant 0 : i32
      scf.yield %scan3A_34 : i32
    }
    %scan3A_14 = arith.constant 80 : i32
    %barrier3A = arith.constant 0 : index
    tpu.barrier barrier_id(%barrier3A)
    %scan3A_15 = arith.constant 0 : i32
    %scan3A_16 = arith.constant 0 : i32
    %scan3A_17 = arith.constant 5 : i32
    %scan3A_18 = arith.addi %scan3A_16, %scan3A_17 : i32
    %scan3A_19 = arith.constant 1 : i32
    %scan3A_20 = scf.for %scan3A_27 = %scan3A_16 to %scan3A_18 step %scan3A_19 iter_args(%scan3A_28 = %scan3A_15) -> (i32)  : i32 {
      "tpu.region"() ({
        %run_scoped3A = tpu.sem_alloc : memref<!tpu.dma_semaphore, #tpu.memory_space<semaphore_mem>>
        %dma_start3A_56 = arith.constant 0 : i32
        %dma_start3A_57 = arith.constant 0 : i32
        %dma_start3A_58 = tpu.memref_slice %arg3[%add3A, %scan3A_27, %dma_start3A_56, %dma_start3A_57] : memref<32x5x25x80xi32, #tpu.memory_space<hbm>> -> memref<1x1x25x80xi32, #tpu.memory_space<hbm>>
        %dma_start3A_59 = tpu.memref_squeeze %dma_start3A_58 : memref<1x1x25x80xi32, #tpu.memory_space<hbm>> -> memref<25x80xi32, #tpu.memory_space<hbm>>
        %dma_start3A_60 = arith.constant 0 : i32
        %dma_start3A_61 = arith.constant 0 : i32
        %dma_start3A_62 = tpu.memref_slice %arg3[%add3A, %scan3A_27, %dma_start3A_60, %dma_start3A_61] : memref<32x5x25x80xi32, #tpu.memory_space<hbm>> -> memref<1x1x25x80xi32, #tpu.memory_space<hbm>>
        %dma_start3A_63 = tpu.memref_squeeze %dma_start3A_62 : memref<1x1x25x80xi32, #tpu.memory_space<hbm>> -> memref<25x80xi32, #tpu.memory_space<hbm>>
        tpu.enqueue_dma source(%dma_start3A_63 : memref<25x80xi32, #tpu.memory_space<hbm>>) target(%arg6 : memref<25x80xi32, #tpu.memory_space<vmem>>) target_semaphore(%run_scoped3A : memref<!tpu.dma_semaphore, #tpu.memory_space<semaphore_mem>>)
        %dma_wait3A_64 = arith.constant 0 : i32
        %dma_wait3A_65 = arith.constant 0 : i32
        %dma_wait3A_66 = tpu.memref_slice %arg3[%add3A, %scan3A_27, %dma_wait3A_64, %dma_wait3A_65] : memref<32x5x25x80xi32, #tpu.memory_space<hbm>> -> memref<1x1x25x80xi32, #tpu.memory_space<hbm>>
        %dma_wait3A_67 = tpu.memref_squeeze %dma_wait3A_66 : memref<1x1x25x80xi32, #tpu.memory_space<hbm>> -> memref<25x80xi32, #tpu.memory_space<hbm>>
        %dma_wait3A_68 = arith.constant 0 : i32
        %dma_wait3A_69 = arith.constant 0 : i32
        %dma_wait3A_70 = tpu.memref_slice %arg3[%add3A, %scan3A_27, %dma_wait3A_68, %dma_wait3A_69] : memref<32x5x25x80xi32, #tpu.memory_space<hbm>> -> memref<1x1x25x80xi32, #tpu.memory_space<hbm>>
        %dma_wait3A_71 = tpu.memref_squeeze %dma_wait3A_70 : memref<1x1x25x80xi32, #tpu.memory_space<hbm>> -> memref<25x80xi32, #tpu.memory_space<hbm>>
        tpu.wait_dma2 semaphore(%run_scoped3A : memref<!tpu.dma_semaphore, #tpu.memory_space<semaphore_mem>>) src(%dma_wait3A_71 : memref<25x80xi32, #tpu.memory_space<hbm>>) dst(%arg6 : memref<25x80xi32, #tpu.memory_space<vmem>>)
        tpu.yield
      }) : () -> ()
      "tpu.region"() ({
        %run_scoped3A = tpu.sem_alloc : memref<!tpu.dma_semaphore, #tpu.memory_space<semaphore_mem>>
        %dma_start3A_56 = arith.constant 0 : i32
        %dma_start3A_57 = arith.constant 0 : i32
        %dma_start3A_58 = tpu.memref_slice %arg4[%add3A, %scan3A_27, %dma_start3A_56, %dma_start3A_57] : memref<32x5x25x80xi32, #tpu.memory_space<hbm>> -> memref<1x1x25x80xi32, #tpu.memory_space<hbm>>
        %dma_start3A_59 = tpu.memref_squeeze %dma_start3A_58 : memref<1x1x25x80xi32, #tpu.memory_space<hbm>> -> memref<25x80xi32, #tpu.memory_space<hbm>>
        %dma_start3A_60 = arith.constant 0 : i32
        %dma_start3A_61 = arith.constant 0 : i32
        %dma_start3A_62 = tpu.memref_slice %arg4[%add3A, %scan3A_27, %dma_start3A_60, %dma_start3A_61] : memref<32x5x25x80xi32, #tpu.memory_space<hbm>> -> memref<1x1x25x80xi32, #tpu.memory_space<hbm>>
        %dma_start3A_63 = tpu.memref_squeeze %dma_start3A_62 : memref<1x1x25x80xi32, #tpu.memory_space<hbm>> -> memref<25x80xi32, #tpu.memory_space<hbm>>
        tpu.enqueue_dma source(%dma_start3A_63 : memref<25x80xi32, #tpu.memory_space<hbm>>) target(%arg7 : memref<25x80xi32, #tpu.memory_space<vmem>>) target_semaphore(%run_scoped3A : memref<!tpu.dma_semaphore, #tpu.memory_space<semaphore_mem>>)
        %dma_wait3A_64 = arith.constant 0 : i32
        %dma_wait3A_65 = arith.constant 0 : i32
        %dma_wait3A_66 = tpu.memref_slice %arg4[%add3A, %scan3A_27, %dma_wait3A_64, %dma_wait3A_65] : memref<32x5x25x80xi32, #tpu.memory_space<hbm>> -> memref<1x1x25x80xi32, #tpu.memory_space<hbm>>
        %dma_wait3A_67 = tpu.memref_squeeze %dma_wait3A_66 : memref<1x1x25x80xi32, #tpu.memory_space<hbm>> -> memref<25x80xi32, #tpu.memory_space<hbm>>
        %dma_wait3A_68 = arith.constant 0 : i32
        %dma_wait3A_69 = arith.constant 0 : i32
        %dma_wait3A_70 = tpu.memref_slice %arg4[%add3A, %scan3A_27, %dma_wait3A_68, %dma_wait3A_69] : memref<32x5x25x80xi32, #tpu.memory_space<hbm>> -> memref<1x1x25x80xi32, #tpu.memory_space<hbm>>
        %dma_wait3A_71 = tpu.memref_squeeze %dma_wait3A_70 : memref<1x1x25x80xi32, #tpu.memory_space<hbm>> -> memref<25x80xi32, #tpu.memory_space<hbm>>
        tpu.wait_dma2 semaphore(%run_scoped3A : memref<!tpu.dma_semaphore, #tpu.memory_space<semaphore_mem>>) src(%dma_wait3A_71 : memref<25x80xi32, #tpu.memory_space<hbm>>) dst(%arg7 : memref<25x80xi32, #tpu.memory_space<vmem>>)
        tpu.yield
      }) : () -> ()
      %dma_start3A = arith.constant 0 : i32
      %dma_start3A_29 = arith.constant 0 : i32
      %dma_start3A_30 = tpu.memref_slice %arg6[%dma_start3A, %dma_start3A_29] : memref<25x80xi32, #tpu.memory_space<vmem>> -> memref<1x80xi32, #tpu.memory_space<vmem>>
      %dma_start3A_31 = tpu.memref_squeeze %dma_start3A_30 : memref<1x80xi32, #tpu.memory_space<vmem>> -> memref<80xi32, #tpu.memory_space<vmem>>
      %dma_start3A_32 = arith.constant 0 : i32
      %dma_start3A_33 = arith.constant 0 : i32
      %dma_start3A_34 = tpu.memref_slice %arg2[%dma_start3A_32, %dma_start3A_33] : memref<10240x128xf32, #tpu.memory_space<hbm>> -> memref<10240x128xf32, #tpu.memory_space<hbm>>
      tpu.enqueue_indirect_dma source(%dma_start3A_34 : memref<10240x128xf32, #tpu.memory_space<hbm>>) target(%arg8 : memref<80x128xf32, #tpu.memory_space<vmem>>) offsets(%dma_start3A_31 : memref<80xi32, #tpu.memory_space<vmem>>) semaphore(%arg13 : memref<!tpu.dma_semaphore, #tpu.memory_space<semaphore_mem>>)
      %dma_start3A_35 = arith.constant 1 : i32
      %dma_start3A_36 = arith.constant 0 : i32
      %dma_start3A_37 = tpu.memref_slice %arg6[%dma_start3A_35, %dma_start3A_36] : memref<25x80xi32, #tpu.memory_space<vmem>> -> memref<1x80xi32, #tpu.memory_space<vmem>>
      %dma_start3A_38 = tpu.memref_squeeze %dma_start3A_37 : memref<1x80xi32, #tpu.memory_space<vmem>> -> memref<80xi32, #tpu.memory_space<vmem>>
      %dma_start3A_39 = arith.constant 0 : i32
      %dma_start3A_40 = arith.constant 0 : i32
      %dma_start3A_41 = tpu.memref_slice %arg2[%dma_start3A_39, %dma_start3A_40] : memref<10240x128xf32, #tpu.memory_space<hbm>> -> memref<10240x128xf32, #tpu.memory_space<hbm>>
      tpu.enqueue_indirect_dma source(%dma_start3A_41 : memref<10240x128xf32, #tpu.memory_space<hbm>>) target(%arg9 : memref<80x128xf32, #tpu.memory_space<vmem>>) offsets(%dma_start3A_38 : memref<80xi32, #tpu.memory_space<vmem>>) semaphore(%arg14 : memref<!tpu.dma_semaphore, #tpu.memory_space<semaphore_mem>>)
      %scan3A_42 = arith.constant 0 : i32
      %scan3A_43 = arith.constant 0 : i32
      %scan3A_44 = arith.constant 25 : i32
      %scan3A_45 = arith.addi %scan3A_43, %scan3A_44 : i32
      %scan3A_46 = arith.constant 1 : i32
      %scan3A_47 = scf.for %scan3A_56 = %scan3A_43 to %scan3A_45 step %scan3A_46 iter_args(%scan3A_57 = %scan3A_42) -> (i32)  : i32 {
        %jit3A = arith.constant 3 : i32
        %eq3A = arith.constant 0 : i32
        %eq3A_58 = arith.cmpi eq, %jit3A, %eq3A : i32
        %jit3A_59 = arith.constant 1 : i32
        %select_n3A = arith.select %eq3A_58, %jit3A_59, %jit3A : i32
        %rem3A = arith.remsi %scan3A_56, %select_n3A : i32
        %ne3A = arith.constant 0 : i32
        %ne3A_60 = arith.cmpi ne, %rem3A, %ne3A : i32
        %lt3A = arith.constant 0 : i32
        %lt3A_61 = arith.cmpi slt, %rem3A, %lt3A : i32
        %lt3A_62 = arith.constant 0 : i32
        %lt3A_63 = arith.cmpi slt, %select_n3A, %lt3A_62 : i32
        %ne3A_64 = arith.xori %lt3A_61, %lt3A_63 : i1
        %and3A = arith.andi %ne3A_64, %ne3A_60 : i1
        %add3A_65 = arith.addi %rem3A, %select_n3A : i32
        %select_n3A_66 = arith.select %and3A, %add3A_65, %rem3A : i32
        %eq3A_67 = arith.constant 0 : i32
        %eq3A_68 = arith.cmpi eq, %select_n3A_66, %eq3A_67 : i32
        %convert_element_type3A = arith.extui %eq3A_68 : i1 to i32
        %cond3A = arith.constant 0 : i32
        %cond3A_69 = arith.cmpi ne, %convert_element_type3A, %cond3A : i32
        scf.if %cond3A_69 {
          %ge3A = arith.constant 1 : i32
          %ge3A_113 = arith.cmpi sge, %scan3A_56, %ge3A : i32
          %convert_element_type3A_114 = arith.extui %ge3A_113 : i1 to i32
          %cond3A_115 = arith.constant 0 : i32
          %cond3A_116 = arith.cmpi ne, %convert_element_type3A_114, %cond3A_115 : i32
          scf.if %cond3A_116 {
            %sub3A = arith.constant 1 : i32
            %sub3A_136 = arith.subi %scan3A_56, %sub3A : i32
            %dma_wait3A_137 = arith.constant 0 : i32
            %dma_wait3A_138 = tpu.memref_slice %arg7[%sub3A_136, %dma_wait3A_137] : memref<25x80xi32, #tpu.memory_space<vmem>> -> memref<1x80xi32, #tpu.memory_space<vmem>>
            %dma_wait3A_139 = tpu.memref_squeeze %dma_wait3A_138 : memref<1x80xi32, #tpu.memory_space<vmem>> -> memref<80xi32, #tpu.memory_space<vmem>>
            %dma_wait3A_140 = arith.constant 0 : i32
            %dma_wait3A_141 = arith.constant 0 : i32
            %dma_wait3A_142 = tpu.memref_slice %arg12[%dma_wait3A_140, %dma_wait3A_141] : memref<10240x128xf32, #tpu.memory_space<vmem_shared>> -> memref<10240x128xf32, #tpu.memory_space<vmem_shared>>
            tpu.wait_indirect_dma semaphore(%arg18 : memref<!tpu.dma_semaphore, #tpu.memory_space<semaphore_mem>>) src(%arg10 : memref<80x128xf32, #tpu.memory_space<vmem>>) dst(%dma_wait3A_142 : memref<10240x128xf32, #tpu.memory_space<vmem_shared>>)
          } else {
          }
          %add3A_117 = arith.constant 2 : i32
          %add3A_118 = arith.addi %scan3A_56, %add3A_117 : i32
          %lt3A_119 = arith.constant 25 : i32
          %lt3A_120 = arith.cmpi slt, %add3A_118, %lt3A_119 : i32
          %convert_element_type3A_121 = arith.extui %lt3A_120 : i1 to i32
          %cond3A_122 = arith.constant 0 : i32
          %cond3A_123 = arith.cmpi ne, %convert_element_type3A_121, %cond3A_122 : i32
          scf.if %cond3A_123 {
            %add3A_136 = arith.constant 2 : i32
            %add3A_137 = arith.addi %scan3A_56, %add3A_136 : i32
            %dma_start3A_138 = arith.constant 0 : i32
            %dma_start3A_139 = tpu.memref_slice %arg6[%add3A_137, %dma_start3A_138] : memref<25x80xi32, #tpu.memory_space<vmem>> -> memref<1x80xi32, #tpu.memory_space<vmem>>
            %dma_start3A_140 = tpu.memref_squeeze %dma_start3A_139 : memref<1x80xi32, #tpu.memory_space<vmem>> -> memref<80xi32, #tpu.memory_space<vmem>>
            %dma_start3A_141 = arith.constant 0 : i32
            %dma_start3A_142 = arith.constant 0 : i32
            %dma_start3A_143 = tpu.memref_slice %arg2[%dma_start3A_141, %dma_start3A_142] : memref<10240x128xf32, #tpu.memory_space<hbm>> -> memref<10240x128xf32, #tpu.memory_space<hbm>>
            tpu.enqueue_indirect_dma source(%dma_start3A_143 : memref<10240x128xf32, #tpu.memory_space<hbm>>) target(%arg10 : memref<80x128xf32, #tpu.memory_space<vmem>>) offsets(%dma_start3A_140 : memref<80xi32, #tpu.memory_space<vmem>>) semaphore(%arg15 : memref<!tpu.dma_semaphore, #tpu.memory_space<semaphore_mem>>)
          } else {
          }
          %dma_wait3A_124 = arith.constant 0 : i32
          %dma_wait3A_125 = tpu.memref_slice %arg6[%scan3A_56, %dma_wait3A_124] : memref<25x80xi32, #tpu.memory_space<vmem>> -> memref<1x80xi32, #tpu.memory_space<vmem>>
          %dma_wait3A_126 = tpu.memref_squeeze %dma_wait3A_125 : memref<1x80xi32, #tpu.memory_space<vmem>> -> memref<80xi32, #tpu.memory_space<vmem>>
          %dma_wait3A_127 = arith.constant 0 : i32
          %dma_wait3A_128 = arith.constant 0 : i32
          %dma_wait3A_129 = tpu.memref_slice %arg2[%dma_wait3A_127, %dma_wait3A_128] : memref<10240x128xf32, #tpu.memory_space<hbm>> -> memref<10240x128xf32, #tpu.memory_space<hbm>>
          tpu.wait_indirect_dma semaphore(%arg13 : memref<!tpu.dma_semaphore, #tpu.memory_space<semaphore_mem>>) src(%dma_wait3A_129 : memref<10240x128xf32, #tpu.memory_space<hbm>>) dst(%arg8 : memref<80x128xf32, #tpu.memory_space<vmem>>)
          %dma_start3A_130 = arith.constant 0 : i32
          %dma_start3A_131 = tpu.memref_slice %arg7[%scan3A_56, %dma_start3A_130] : memref<25x80xi32, #tpu.memory_space<vmem>> -> memref<1x80xi32, #tpu.memory_space<vmem>>
          %dma_start3A_132 = tpu.memref_squeeze %dma_start3A_131 : memref<1x80xi32, #tpu.memory_space<vmem>> -> memref<80xi32, #tpu.memory_space<vmem>>
          %dma_start3A_133 = arith.constant 0 : i32
          %dma_start3A_134 = arith.constant 0 : i32
          %dma_start3A_135 = tpu.memref_slice %arg12[%dma_start3A_133, %dma_start3A_134] : memref<10240x128xf32, #tpu.memory_space<vmem_shared>> -> memref<10240x128xf32, #tpu.memory_space<vmem_shared>>
          tpu.enqueue_indirect_dma source(%arg8 : memref<80x128xf32, #tpu.memory_space<vmem>>) target(%dma_start3A_135 : memref<10240x128xf32, #tpu.memory_space<vmem_shared>>) offsets(%dma_start3A_132 : memref<80xi32, #tpu.memory_space<vmem>>) semaphore(%arg16 : memref<!tpu.dma_semaphore, #tpu.memory_space<semaphore_mem>>) {add = true}
        } else {
        }
        %jit3A_70 = arith.constant 3 : i32
        %eq3A_71 = arith.constant 0 : i32
        %eq3A_72 = arith.cmpi eq, %jit3A_70, %eq3A_71 : i32
        %jit3A_73 = arith.constant 1 : i32
        %select_n3A_74 = arith.select %eq3A_72, %jit3A_73, %jit3A_70 : i32
        %rem3A_75 = arith.remsi %scan3A_56, %select_n3A_74 : i32
        %ne3A_76 = arith.constant 0 : i32
        %ne3A_77 = arith.cmpi ne, %rem3A_75, %ne3A_76 : i32
        %lt3A_78 = arith.constant 0 : i32
        %lt3A_79 = arith.cmpi slt, %rem3A_75, %lt3A_78 : i32
        %lt3A_80 = arith.constant 0 : i32
        %lt3A_81 = arith.cmpi slt, %select_n3A_74, %lt3A_80 : i32
        %ne3A_82 = arith.xori %lt3A_79, %lt3A_81 : i1
        %and3A_83 = arith.andi %ne3A_82, %ne3A_77 : i1
        %add3A_84 = arith.addi %rem3A_75, %select_n3A_74 : i32
        %select_n3A_85 = arith.select %and3A_83, %add3A_84, %rem3A_75 : i32
        %eq3A_86 = arith.constant 1 : i32
        %eq3A_87 = arith.cmpi eq, %select_n3A_85, %eq3A_86 : i32
        %convert_element_type3A_88 = arith.extui %eq3A_87 : i1 to i32
        %cond3A_89 = arith.constant 0 : i32
        %cond3A_90 = arith.cmpi ne, %convert_element_type3A_88, %cond3A_89 : i32
        scf.if %cond3A_90 {
          %ge3A = arith.constant 1 : i32
          %ge3A_113 = arith.cmpi sge, %scan3A_56, %ge3A : i32
          %convert_element_type3A_114 = arith.extui %ge3A_113 : i1 to i32
          %cond3A_115 = arith.constant 0 : i32
          %cond3A_116 = arith.cmpi ne, %convert_element_type3A_114, %cond3A_115 : i32
          scf.if %cond3A_116 {
            %sub3A = arith.constant 1 : i32
            %sub3A_136 = arith.subi %scan3A_56, %sub3A : i32
            %dma_wait3A_137 = arith.constant 0 : i32
            %dma_wait3A_138 = tpu.memref_slice %arg7[%sub3A_136, %dma_wait3A_137] : memref<25x80xi32, #tpu.memory_space<vmem>> -> memref<1x80xi32, #tpu.memory_space<vmem>>
            %dma_wait3A_139 = tpu.memref_squeeze %dma_wait3A_138 : memref<1x80xi32, #tpu.memory_space<vmem>> -> memref<80xi32, #tpu.memory_space<vmem>>
            %dma_wait3A_140 = arith.constant 0 : i32
            %dma_wait3A_141 = arith.constant 0 : i32
            %dma_wait3A_142 = tpu.memref_slice %arg12[%dma_wait3A_140, %dma_wait3A_141] : memref<10240x128xf32, #tpu.memory_space<vmem_shared>> -> memref<10240x128xf32, #tpu.memory_space<vmem_shared>>
            tpu.wait_indirect_dma semaphore(%arg16 : memref<!tpu.dma_semaphore, #tpu.memory_space<semaphore_mem>>) src(%arg8 : memref<80x128xf32, #tpu.memory_space<vmem>>) dst(%dma_wait3A_142 : memref<10240x128xf32, #tpu.memory_space<vmem_shared>>)
          } else {
          }
          %add3A_117 = arith.constant 2 : i32
          %add3A_118 = arith.addi %scan3A_56, %add3A_117 : i32
          %lt3A_119 = arith.constant 25 : i32
          %lt3A_120 = arith.cmpi slt, %add3A_118, %lt3A_119 : i32
          %convert_element_type3A_121 = arith.extui %lt3A_120 : i1 to i32
          %cond3A_122 = arith.constant 0 : i32
          %cond3A_123 = arith.cmpi ne, %convert_element_type3A_121, %cond3A_122 : i32
          scf.if %cond3A_123 {
            %add3A_136 = arith.constant 2 : i32
            %add3A_137 = arith.addi %scan3A_56, %add3A_136 : i32
            %dma_start3A_138 = arith.constant 0 : i32
            %dma_start3A_139 = tpu.memref_slice %arg6[%add3A_137, %dma_start3A_138] : memref<25x80xi32, #tpu.memory_space<vmem>> -> memref<1x80xi32, #tpu.memory_space<vmem>>
            %dma_start3A_140 = tpu.memref_squeeze %dma_start3A_139 : memref<1x80xi32, #tpu.memory_space<vmem>> -> memref<80xi32, #tpu.memory_space<vmem>>
            %dma_start3A_141 = arith.constant 0 : i32
            %dma_start3A_142 = arith.constant 0 : i32
            %dma_start3A_143 = tpu.memref_slice %arg2[%dma_start3A_141, %dma_start3A_142] : memref<10240x128xf32, #tpu.memory_space<hbm>> -> memref<10240x128xf32, #tpu.memory_space<hbm>>
            tpu.enqueue_indirect_dma source(%dma_start3A_143 : memref<10240x128xf32, #tpu.memory_space<hbm>>) target(%arg8 : memref<80x128xf32, #tpu.memory_space<vmem>>) offsets(%dma_start3A_140 : memref<80xi32, #tpu.memory_space<vmem>>) semaphore(%arg13 : memref<!tpu.dma_semaphore, #tpu.memory_space<semaphore_mem>>)
          } else {
          }
          %dma_wait3A_124 = arith.constant 0 : i32
          %dma_wait3A_125 = tpu.memref_slice %arg6[%scan3A_56, %dma_wait3A_124] : memref<25x80xi32, #tpu.memory_space<vmem>> -> memref<1x80xi32, #tpu.memory_space<vmem>>
          %dma_wait3A_126 = tpu.memref_squeeze %dma_wait3A_125 : memref<1x80xi32, #tpu.memory_space<vmem>> -> memref<80xi32, #tpu.memory_space<vmem>>
          %dma_wait3A_127 = arith.constant 0 : i32
          %dma_wait3A_128 = arith.constant 0 : i32
          %dma_wait3A_129 = tpu.memref_slice %arg2[%dma_wait3A_127, %dma_wait3A_128] : memref<10240x128xf32, #tpu.memory_space<hbm>> -> memref<10240x128xf32, #tpu.memory_space<hbm>>
          tpu.wait_indirect_dma semaphore(%arg14 : memref<!tpu.dma_semaphore, #tpu.memory_space<semaphore_mem>>) src(%dma_wait3A_129 : memref<10240x128xf32, #tpu.memory_space<hbm>>) dst(%arg9 : memref<80x128xf32, #tpu.memory_space<vmem>>)
          %dma_start3A_130 = arith.constant 0 : i32
          %dma_start3A_131 = tpu.memref_slice %arg7[%scan3A_56, %dma_start3A_130] : memref<25x80xi32, #tpu.memory_space<vmem>> -> memref<1x80xi32, #tpu.memory_space<vmem>>
          %dma_start3A_132 = tpu.memref_squeeze %dma_start3A_131 : memref<1x80xi32, #tpu.memory_space<vmem>> -> memref<80xi32, #tpu.memory_space<vmem>>
          %dma_start3A_133 = arith.constant 0 : i32
          %dma_start3A_134 = arith.constant 0 : i32
          %dma_start3A_135 = tpu.memref_slice %arg12[%dma_start3A_133, %dma_start3A_134] : memref<10240x128xf32, #tpu.memory_space<vmem_shared>> -> memref<10240x128xf32, #tpu.memory_space<vmem_shared>>
          tpu.enqueue_indirect_dma source(%arg9 : memref<80x128xf32, #tpu.memory_space<vmem>>) target(%dma_start3A_135 : memref<10240x128xf32, #tpu.memory_space<vmem_shared>>) offsets(%dma_start3A_132 : memref<80xi32, #tpu.memory_space<vmem>>) semaphore(%arg17 : memref<!tpu.dma_semaphore, #tpu.memory_space<semaphore_mem>>) {add = true}
        } else {
        }
        %jit3A_91 = arith.constant 3 : i32
        %eq3A_92 = arith.constant 0 : i32
        %eq3A_93 = arith.cmpi eq, %jit3A_91, %eq3A_92 : i32
        %jit3A_94 = arith.constant 1 : i32
        %select_n3A_95 = arith.select %eq3A_93, %jit3A_94, %jit3A_91 : i32
        %rem3A_96 = arith.remsi %scan3A_56, %select_n3A_95 : i32
        %ne3A_97 = arith.constant 0 : i32
        %ne3A_98 = arith.cmpi ne, %rem3A_96, %ne3A_97 : i32
        %lt3A_99 = arith.constant 0 : i32
        %lt3A_100 = arith.cmpi slt, %rem3A_96, %lt3A_99 : i32
        %lt3A_101 = arith.constant 0 : i32
        %lt3A_102 = arith.cmpi slt, %select_n3A_95, %lt3A_101 : i32
        %ne3A_103 = arith.xori %lt3A_100, %lt3A_102 : i1
        %and3A_104 = arith.andi %ne3A_103, %ne3A_98 : i1
        %add3A_105 = arith.addi %rem3A_96, %select_n3A_95 : i32
        %select_n3A_106 = arith.select %and3A_104, %add3A_105, %rem3A_96 : i32
        %eq3A_107 = arith.constant 2 : i32
        %eq3A_108 = arith.cmpi eq, %select_n3A_106, %eq3A_107 : i32
        %convert_element_type3A_109 = arith.extui %eq3A_108 : i1 to i32
        %cond3A_110 = arith.constant 0 : i32
        %cond3A_111 = arith.cmpi ne, %convert_element_type3A_109, %cond3A_110 : i32
        scf.if %cond3A_111 {
          %ge3A = arith.constant 1 : i32
          %ge3A_113 = arith.cmpi sge, %scan3A_56, %ge3A : i32
          %convert_element_type3A_114 = arith.extui %ge3A_113 : i1 to i32
          %cond3A_115 = arith.constant 0 : i32
          %cond3A_116 = arith.cmpi ne, %convert_element_type3A_114, %cond3A_115 : i32
          scf.if %cond3A_116 {
            %sub3A = arith.constant 1 : i32
            %sub3A_136 = arith.subi %scan3A_56, %sub3A : i32
            %dma_wait3A_137 = arith.constant 0 : i32
            %dma_wait3A_138 = tpu.memref_slice %arg7[%sub3A_136, %dma_wait3A_137] : memref<25x80xi32, #tpu.memory_space<vmem>> -> memref<1x80xi32, #tpu.memory_space<vmem>>
            %dma_wait3A_139 = tpu.memref_squeeze %dma_wait3A_138 : memref<1x80xi32, #tpu.memory_space<vmem>> -> memref<80xi32, #tpu.memory_space<vmem>>
            %dma_wait3A_140 = arith.constant 0 : i32
            %dma_wait3A_141 = arith.constant 0 : i32
            %dma_wait3A_142 = tpu.memref_slice %arg12[%dma_wait3A_140, %dma_wait3A_141] : memref<10240x128xf32, #tpu.memory_space<vmem_shared>> -> memref<10240x128xf32, #tpu.memory_space<vmem_shared>>
            tpu.wait_indirect_dma semaphore(%arg17 : memref<!tpu.dma_semaphore, #tpu.memory_space<semaphore_mem>>) src(%arg9 : memref<80x128xf32, #tpu.memory_space<vmem>>) dst(%dma_wait3A_142 : memref<10240x128xf32, #tpu.memory_space<vmem_shared>>)
          } else {
          }
          %add3A_117 = arith.constant 2 : i32
          %add3A_118 = arith.addi %scan3A_56, %add3A_117 : i32
          %lt3A_119 = arith.constant 25 : i32
          %lt3A_120 = arith.cmpi slt, %add3A_118, %lt3A_119 : i32
          %convert_element_type3A_121 = arith.extui %lt3A_120 : i1 to i32
          %cond3A_122 = arith.constant 0 : i32
          %cond3A_123 = arith.cmpi ne, %convert_element_type3A_121, %cond3A_122 : i32
          scf.if %cond3A_123 {
            %add3A_136 = arith.constant 2 : i32
            %add3A_137 = arith.addi %scan3A_56, %add3A_136 : i32
            %dma_start3A_138 = arith.constant 0 : i32
            %dma_start3A_139 = tpu.memref_slice %arg6[%add3A_137, %dma_start3A_138] : memref<25x80xi32, #tpu.memory_space<vmem>> -> memref<1x80xi32, #tpu.memory_space<vmem>>
            %dma_start3A_140 = tpu.memref_squeeze %dma_start3A_139 : memref<1x80xi32, #tpu.memory_space<vmem>> -> memref<80xi32, #tpu.memory_space<vmem>>
            %dma_start3A_141 = arith.constant 0 : i32
            %dma_start3A_142 = arith.constant 0 : i32
            %dma_start3A_143 = tpu.memref_slice %arg2[%dma_start3A_141, %dma_start3A_142] : memref<10240x128xf32, #tpu.memory_space<hbm>> -> memref<10240x128xf32, #tpu.memory_space<hbm>>
            tpu.enqueue_indirect_dma source(%dma_start3A_143 : memref<10240x128xf32, #tpu.memory_space<hbm>>) target(%arg9 : memref<80x128xf32, #tpu.memory_space<vmem>>) offsets(%dma_start3A_140 : memref<80xi32, #tpu.memory_space<vmem>>) semaphore(%arg14 : memref<!tpu.dma_semaphore, #tpu.memory_space<semaphore_mem>>)
          } else {
          }
          %dma_wait3A_124 = arith.constant 0 : i32
          %dma_wait3A_125 = tpu.memref_slice %arg6[%scan3A_56, %dma_wait3A_124] : memref<25x80xi32, #tpu.memory_space<vmem>> -> memref<1x80xi32, #tpu.memory_space<vmem>>
          %dma_wait3A_126 = tpu.memref_squeeze %dma_wait3A_125 : memref<1x80xi32, #tpu.memory_space<vmem>> -> memref<80xi32, #tpu.memory_space<vmem>>
          %dma_wait3A_127 = arith.constant 0 : i32
          %dma_wait3A_128 = arith.constant 0 : i32
          %dma_wait3A_129 = tpu.memref_slice %arg2[%dma_wait3A_127, %dma_wait3A_128] : memref<10240x128xf32, #tpu.memory_space<hbm>> -> memref<10240x128xf32, #tpu.memory_space<hbm>>
          tpu.wait_indirect_dma semaphore(%arg15 : memref<!tpu.dma_semaphore, #tpu.memory_space<semaphore_mem>>) src(%dma_wait3A_129 : memref<10240x128xf32, #tpu.memory_space<hbm>>) dst(%arg10 : memref<80x128xf32, #tpu.memory_space<vmem>>)
          %dma_start3A_130 = arith.constant 0 : i32
          %dma_start3A_131 = tpu.memref_slice %arg7[%scan3A_56, %dma_start3A_130] : memref<25x80xi32, #tpu.memory_space<vmem>> -> memref<1x80xi32, #tpu.memory_space<vmem>>
          %dma_start3A_132 = tpu.memref_squeeze %dma_start3A_131 : memref<1x80xi32, #tpu.memory_space<vmem>> -> memref<80xi32, #tpu.memory_space<vmem>>
          %dma_start3A_133 = arith.constant 0 : i32
          %dma_start3A_134 = arith.constant 0 : i32
          %dma_start3A_135 = tpu.memref_slice %arg12[%dma_start3A_133, %dma_start3A_134] : memref<10240x128xf32, #tpu.memory_space<vmem_shared>> -> memref<10240x128xf32, #tpu.memory_space<vmem_shared>>
          tpu.enqueue_indirect_dma source(%arg10 : memref<80x128xf32, #tpu.memory_space<vmem>>) target(%dma_start3A_135 : memref<10240x128xf32, #tpu.memory_space<vmem_shared>>) offsets(%dma_start3A_132 : memref<80xi32, #tpu.memory_space<vmem>>) semaphore(%arg18 : memref<!tpu.dma_semaphore, #tpu.memory_space<semaphore_mem>>) {add = true}
        } else {
        }
        %scan3A_112 = arith.constant 0 : i32
        scf.yield %scan3A_112 : i32
      }
      %scan3A_48 = arith.constant 25 : i32
      %dma_wait3A = arith.constant 24 : i32
      %dma_wait3A_49 = arith.constant 0 : i32
      %dma_wait3A_50 = tpu.memref_slice %arg7[%dma_wait3A, %dma_wait3A_49] : memref<25x80xi32, #tpu.memory_space<vmem>> -> memref<1x80xi32, #tpu.memory_space<vmem>>
      %dma_wait3A_51 = tpu.memref_squeeze %dma_wait3A_50 : memref<1x80xi32, #tpu.memory_space<vmem>> -> memref<80xi32, #tpu.memory_space<vmem>>
      %dma_wait3A_52 = arith.constant 0 : i32
      %dma_wait3A_53 = arith.constant 0 : i32
      %dma_wait3A_54 = tpu.memref_slice %arg12[%dma_wait3A_52, %dma_wait3A_53] : memref<10240x128xf32, #tpu.memory_space<vmem_shared>> -> memref<10240x128xf32, #tpu.memory_space<vmem_shared>>
      tpu.wait_indirect_dma semaphore(%arg16 : memref<!tpu.dma_semaphore, #tpu.memory_space<semaphore_mem>>) src(%arg8 : memref<80x128xf32, #tpu.memory_space<vmem>>) dst(%dma_wait3A_54 : memref<10240x128xf32, #tpu.memory_space<vmem_shared>>)
      %scan3A_55 = arith.constant 0 : i32
      scf.yield %scan3A_55 : i32
    }
    %scan3A_21 = arith.constant 5 : i32
    %barrier3A_22 = arith.constant 0 : index
    tpu.barrier barrier_id(%barrier3A_22)
    %mul3A_23 = arith.constant 640 : i32
    %mul3A_24 = arith.muli %arg1, %mul3A_23 : i32
    %mul3A_25 = arith.constant 640 : i32
    %mul3A_26 = arith.muli %arg1, %mul3A_25 : i32
    "tpu.region"() ({
      %run_scoped3A = tpu.sem_alloc : memref<!tpu.dma_semaphore, #tpu.memory_space<semaphore_mem>>
      %dma_start3A = arith.constant 0 : i32
      %dma_start3A_27 = tpu.memref_slice %arg5[%arg0, %mul3A_26, %dma_start3A] : memref<2x10240x128xf32, #tpu.memory_space<hbm>> -> memref<1x640x128xf32, #tpu.memory_space<hbm>>
      %dma_start3A_28 = tpu.memref_squeeze %dma_start3A_27 : memref<1x640x128xf32, #tpu.memory_space<hbm>> -> memref<640x128xf32, #tpu.memory_space<hbm>>
      %dma_start3A_29 = arith.constant 0 : i32
      %dma_start3A_30 = tpu.memref_slice %arg12[%mul3A_24, %dma_start3A_29] : memref<10240x128xf32, #tpu.memory_space<vmem_shared>> -> memref<640x128xf32, #tpu.memory_space<vmem_shared>>
      tpu.enqueue_dma source(%dma_start3A_30 : memref<640x128xf32, #tpu.memory_space<vmem_shared>>) target(%dma_start3A_28 : memref<640x128xf32, #tpu.memory_space<hbm>>) target_semaphore(%run_scoped3A : memref<!tpu.dma_semaphore, #tpu.memory_space<semaphore_mem>>)
      %dma_wait3A = arith.constant 0 : i32
      %dma_wait3A_31 = tpu.memref_slice %arg5[%arg0, %mul3A_26, %dma_wait3A] : memref<2x10240x128xf32, #tpu.memory_space<hbm>> -> memref<1x640x128xf32, #tpu.memory_space<hbm>>
      %dma_wait3A_32 = tpu.memref_squeeze %dma_wait3A_31 : memref<1x640x128xf32, #tpu.memory_space<hbm>> -> memref<640x128xf32, #tpu.memory_space<hbm>>
      %dma_wait3A_33 = arith.constant 0 : i32
      %dma_wait3A_34 = tpu.memref_slice %arg12[%mul3A_24, %dma_wait3A_33] : memref<10240x128xf32, #tpu.memory_space<vmem_shared>> -> memref<640x128xf32, #tpu.memory_space<vmem_shared>>
      tpu.wait_dma2 semaphore(%run_scoped3A : memref<!tpu.dma_semaphore, #tpu.memory_space<semaphore_mem>>) src(%dma_wait3A_34 : memref<640x128xf32, #tpu.memory_space<vmem_shared>>) dst(%dma_wait3A_32 : memref<640x128xf32, #tpu.memory_space<hbm>>)
      tpu.yield
    }) : () -> ()
    return
  }
}

#map = affine_map<(d0, d1) -> (0, 0, 0)>
#map1 = affine_map<(d0, d1) -> (0, 0)>
#map2 = affine_map<(d0, d1) -> (0, 0, 0, 0)>
module attributes {stable_mosaic.version = 14 : i64} {
  func.func @_sc_prep(%arg0: i32, %arg1: i32, %arg2: memref<32x4x80xi32, #tpu.memory_space<hbm>>, %arg3: memref<10000x128xf32, #tpu.memory_space<hbm>>, %arg4: memref<32x5x25x80xi32, #tpu.memory_space<hbm>>, %arg5: memref<10240x128xf32, #tpu.memory_space<hbm>>, %arg6: memref<2x10240x128xf32, #tpu.memory_space<hbm>>, %arg7: memref<4x80xi32, #tpu.memory_space<vmem>>, %arg8: memref<80x128xf32, #tpu.memory_space<vmem>>, %arg9: memref<80x128xf32, #tpu.memory_space<vmem>>, %arg10: memref<80x128xf32, #tpu.memory_space<vmem>>, %arg11: memref<25x80xi32, #tpu.memory_space<vmem>>, %arg12: memref<10240x128xf32, #tpu.memory_space<vmem_shared>>, %arg13: memref<!tpu.dma_semaphore, #tpu.memory_space<semaphore_mem>>, %arg14: memref<!tpu.dma_semaphore, #tpu.memory_space<semaphore_mem>>, %arg15: memref<!tpu.dma_semaphore, #tpu.memory_space<semaphore_mem>>, %arg16: memref<!tpu.dma_semaphore, #tpu.memory_space<semaphore_mem>>, %arg17: memref<!tpu.dma_semaphore, #tpu.memory_space<semaphore_mem>>) attributes {dimension_semantics = [#tpu.dimension_semantics<core_parallel>, #tpu.dimension_semantics<subcore_parallel>], iteration_bounds = array<i64: 2, 16>, scalar_prefetch = 0 : i64, scratch_operands = 11 : i64, tpu.core_type = #tpu.core_type<sc_vector_subcore>, window_params = [{transform_indices = #map}, {transform_indices = #map1}, {transform_indices = #map2}, {transform_indices = #map1}, {transform_indices = #map}]} {
    %mul3A = arith.constant 2 : i32
    %mul3A_0 = arith.muli %arg1, %mul3A : i32
    %add3A = arith.addi %mul3A_0, %arg0 : i32
    %broadcast_in_dim3A = arith.constant 0.000000e+00 : f32
    %broadcast_in_dim3A_1 = vector.broadcast %broadcast_in_dim3A : f32 to vector<16xf32>
    %scan3A = arith.constant 0 : i32
    %scan3A_2 = arith.constant 0 : i32
    %scan3A_3 = arith.constant 640 : i32
    %scan3A_4 = arith.addi %scan3A_2, %scan3A_3 : i32
    %scan3A_5 = arith.constant 1 : i32
    %scan3A_6 = scf.for %scan3A_177 = %scan3A_2 to %scan3A_4 step %scan3A_5 iter_args(%scan3A_178 = %scan3A) -> (i32)  : i32 {
      %jit3A = arith.constant 8 : i32
      %div3A = arith.divsi %scan3A_177, %jit3A : i32
      %sign3A = arith.constant 0 : i32
      %sign3A_179 = arith.cmpi sgt, %scan3A_177, %sign3A : i32
      %sign3A_180 = arith.extui %sign3A_179 : i1 to i32
      %sign3A_181 = arith.constant 0 : i32
      %sign3A_182 = arith.cmpi slt, %scan3A_177, %sign3A_181 : i32
      %sign3A_183 = arith.extui %sign3A_182 : i1 to i32
      %sign3A_184 = arith.subi %sign3A_180, %sign3A_183 : i32
      %sign3A_185 = arith.constant 0 : i32
      %sign3A_186 = arith.cmpi sgt, %jit3A, %sign3A_185 : i32
      %sign3A_187 = arith.extui %sign3A_186 : i1 to i32
      %sign3A_188 = arith.constant 0 : i32
      %sign3A_189 = arith.cmpi slt, %jit3A, %sign3A_188 : i32
      %sign3A_190 = arith.extui %sign3A_189 : i1 to i32
      %sign3A_191 = arith.subi %sign3A_187, %sign3A_190 : i32
      %ne3A = arith.cmpi ne, %sign3A_184, %sign3A_191 : i32
      %rem3A = arith.remsi %scan3A_177, %jit3A : i32
      %ne3A_192 = arith.constant 0 : i32
      %ne3A_193 = arith.cmpi ne, %rem3A, %ne3A_192 : i32
      %and3A = arith.andi %ne3A, %ne3A_193 : i1
      %sub3A_194 = arith.constant 1 : i32
      %sub3A_195 = arith.subi %div3A, %sub3A_194 : i32
      %select_n3A = arith.select %and3A, %sub3A_195, %div3A : i32
      %jit3A_196 = arith.constant 8 : i32
      %eq3A = arith.constant 0 : i32
      %eq3A_197 = arith.cmpi eq, %jit3A_196, %eq3A : i32
      %jit3A_198 = arith.constant 1 : i32
      %select_n3A_199 = arith.select %eq3A_197, %jit3A_198, %jit3A_196 : i32
      %rem3A_200 = arith.remsi %scan3A_177, %select_n3A_199 : i32
      %ne3A_201 = arith.constant 0 : i32
      %ne3A_202 = arith.cmpi ne, %rem3A_200, %ne3A_201 : i32
      %lt3A = arith.constant 0 : i32
      %lt3A_203 = arith.cmpi slt, %rem3A_200, %lt3A : i32
      %lt3A_204 = arith.constant 0 : i32
      %lt3A_205 = arith.cmpi slt, %select_n3A_199, %lt3A_204 : i32
      %ne3A_206 = arith.xori %lt3A_203, %lt3A_205 : i1
      %and3A_207 = arith.andi %ne3A_206, %ne3A_202 : i1
      %add3A_208 = arith.addi %rem3A_200, %select_n3A_199 : i32
      %select_n3A_209 = arith.select %and3A_207, %add3A_208, %rem3A_200 : i32
      %mul3A_210 = arith.constant 16 : i32
      %mul3A_211 = arith.muli %select_n3A_209, %mul3A_210 : i32
      %swap3A = arith.index_cast %select_n3A : i32 to index
      %swap3A_212 = arith.index_cast %mul3A_211 : i32 to index
      %swap3A_213 = tpu.vector_load %arg10[%swap3A, %swap3A_212] {strides = array<i32>} : memref<80x128xf32, #tpu.memory_space<vmem>>, vector<1x16xf32>,
      %swap3A_214 = vector.shape_cast %swap3A_213 : vector<1x16xf32> to vector<16xf32>
      %swap3A_215 = vector.shape_cast %broadcast_in_dim3A_1 : vector<16xf32> to vector<1x16xf32>
      tpu.vector_store %arg10[%swap3A, %swap3A_212], %swap3A_215 {strides = array<i32>} : memref<80x128xf32, #tpu.memory_space<vmem>>, vector<1x16xf32>,
      %scan3A_216 = arith.constant 0 : i32
      scf.yield %scan3A_216 : i32
    }
    %scan3A_7 = arith.constant 640 : i32
    %scan3A_8 = arith.constant 0 : i32
    %scan3A_9 = arith.constant 0 : i32
    %scan3A_10 = arith.constant 8 : i32
    %scan3A_11 = arith.addi %scan3A_9, %scan3A_10 : i32
    %scan3A_12 = arith.constant 1 : i32
    %scan3A_13 = scf.for %scan3A_177 = %scan3A_9 to %scan3A_11 step %scan3A_12 iter_args(%scan3A_178 = %scan3A_8) -> (i32)  : i32 {
      %mul3A_179 = arith.constant 640 : i32
      %mul3A_180 = arith.muli %arg1, %mul3A_179 : i32
      %mul3A_181 = arith.constant 80 : i32
      %mul3A_182 = arith.muli %scan3A_177, %mul3A_181 : i32
      %add3A_183 = arith.addi %mul3A_180, %mul3A_182 : i32
      "tpu.region"() ({
        %run_scoped3A = tpu.sem_alloc : memref<!tpu.dma_semaphore, #tpu.memory_space<semaphore_mem>>
        %dma_start3A_185 = arith.constant 0 : i32
        %dma_start3A_186 = tpu.memref_slice %arg12[%add3A_183, %dma_start3A_185] : memref<10240x128xf32, #tpu.memory_space<vmem_shared>> -> memref<80x128xf32, #tpu.memory_space<vmem_shared>>
        %dma_start3A_187 = arith.constant 0 : i32
        %dma_start3A_188 = tpu.memref_slice %arg12[%add3A_183, %dma_start3A_187] : memref<10240x128xf32, #tpu.memory_space<vmem_shared>> -> memref<80x128xf32, #tpu.memory_space<vmem_shared>>
        tpu.enqueue_dma source(%arg10 : memref<80x128xf32, #tpu.memory_space<vmem>>) target(%dma_start3A_188 : memref<80x128xf32, #tpu.memory_space<vmem_shared>>) target_semaphore(%run_scoped3A : memref<!tpu.dma_semaphore, #tpu.memory_space<semaphore_mem>>)
        %dma_wait3A_189 = arith.constant 0 : i32
        %dma_wait3A_190 = tpu.memref_slice %arg12[%add3A_183, %dma_wait3A_189] : memref<10240x128xf32, #tpu.memory_space<vmem_shared>> -> memref<80x128xf32, #tpu.memory_space<vmem_shared>>
        %dma_wait3A_191 = arith.constant 0 : i32
        %dma_wait3A_192 = tpu.memref_slice %arg12[%add3A_183, %dma_wait3A_191] : memref<10240x128xf32, #tpu.memory_space<vmem_shared>> -> memref<80x128xf32, #tpu.memory_space<vmem_shared>>
        tpu.wait_dma2 semaphore(%run_scoped3A : memref<!tpu.dma_semaphore, #tpu.memory_space<semaphore_mem>>) src(%arg10 : memref<80x128xf32, #tpu.memory_space<vmem>>) dst(%dma_wait3A_192 : memref<80x128xf32, #tpu.memory_space<vmem_shared>>)
        tpu.yield
      }) : () -> ()
      %scan3A_184 = arith.constant 0 : i32
      scf.yield %scan3A_184 : i32
    }
    %scan3A_14 = arith.constant 8 : i32
    "tpu.region"() ({
      %run_scoped3A = tpu.sem_alloc : memref<!tpu.dma_semaphore, #tpu.memory_space<semaphore_mem>>
      %dma_start3A_177 = arith.constant 0 : i32
      %dma_start3A_178 = arith.constant 0 : i32
      %dma_start3A_179 = tpu.memref_slice %arg2[%add3A, %dma_start3A_177, %dma_start3A_178] : memref<32x4x80xi32, #tpu.memory_space<hbm>> -> memref<1x4x80xi32, #tpu.memory_space<hbm>>
      %dma_start3A_180 = tpu.memref_squeeze %dma_start3A_179 : memref<1x4x80xi32, #tpu.memory_space<hbm>> -> memref<4x80xi32, #tpu.memory_space<hbm>>
      %dma_start3A_181 = arith.constant 0 : i32
      %dma_start3A_182 = arith.constant 0 : i32
      %dma_start3A_183 = tpu.memref_slice %arg2[%add3A, %dma_start3A_181, %dma_start3A_182] : memref<32x4x80xi32, #tpu.memory_space<hbm>> -> memref<1x4x80xi32, #tpu.memory_space<hbm>>
      %dma_start3A_184 = tpu.memref_squeeze %dma_start3A_183 : memref<1x4x80xi32, #tpu.memory_space<hbm>> -> memref<4x80xi32, #tpu.memory_space<hbm>>
      tpu.enqueue_dma source(%dma_start3A_184 : memref<4x80xi32, #tpu.memory_space<hbm>>) target(%arg7 : memref<4x80xi32, #tpu.memory_space<vmem>>) target_semaphore(%run_scoped3A : memref<!tpu.dma_semaphore, #tpu.memory_space<semaphore_mem>>)
      %dma_wait3A_185 = arith.constant 0 : i32
      %dma_wait3A_186 = arith.constant 0 : i32
      %dma_wait3A_187 = tpu.memref_slice %arg2[%add3A, %dma_wait3A_185, %dma_wait3A_186] : memref<32x4x80xi32, #tpu.memory_space<hbm>> -> memref<1x4x80xi32, #tpu.memory_space<hbm>>
      %dma_wait3A_188 = tpu.memref_squeeze %dma_wait3A_187 : memref<1x4x80xi32, #tpu.memory_space<hbm>> -> memref<4x80xi32, #tpu.memory_space<hbm>>
      %dma_wait3A_189 = arith.constant 0 : i32
      %dma_wait3A_190 = arith.constant 0 : i32
      %dma_wait3A_191 = tpu.memref_slice %arg2[%add3A, %dma_wait3A_189, %dma_wait3A_190] : memref<32x4x80xi32, #tpu.memory_space<hbm>> -> memref<1x4x80xi32, #tpu.memory_space<hbm>>
      %dma_wait3A_192 = tpu.memref_squeeze %dma_wait3A_191 : memref<1x4x80xi32, #tpu.memory_space<hbm>> -> memref<4x80xi32, #tpu.memory_space<hbm>>
      tpu.wait_dma2 semaphore(%run_scoped3A : memref<!tpu.dma_semaphore, #tpu.memory_space<semaphore_mem>>) src(%dma_wait3A_192 : memref<4x80xi32, #tpu.memory_space<hbm>>) dst(%arg7 : memref<4x80xi32, #tpu.memory_space<vmem>>)
      tpu.yield
    }) : () -> ()
    %dma_start3A = arith.constant 0 : i32
    %dma_start3A_15 = arith.constant 0 : i32
    %dma_start3A_16 = tpu.memref_slice %arg7[%dma_start3A, %dma_start3A_15] : memref<4x80xi32, #tpu.memory_space<vmem>> -> memref<1x80xi32, #tpu.memory_space<vmem>>
    %dma_start3A_17 = tpu.memref_squeeze %dma_start3A_16 : memref<1x80xi32, #tpu.memory_space<vmem>> -> memref<80xi32, #tpu.memory_space<vmem>>
    %dma_start3A_18 = arith.constant 0 : i32
    %dma_start3A_19 = arith.constant 0 : i32
    %dma_start3A_20 = tpu.memref_slice %arg3[%dma_start3A_18, %dma_start3A_19] : memref<10000x128xf32, #tpu.memory_space<hbm>> -> memref<10000x128xf32, #tpu.memory_space<hbm>>
    tpu.enqueue_indirect_dma source(%dma_start3A_20 : memref<10000x128xf32, #tpu.memory_space<hbm>>) target(%arg8 : memref<80x128xf32, #tpu.memory_space<vmem>>) offsets(%dma_start3A_17 : memref<80xi32, #tpu.memory_space<vmem>>) semaphore(%arg13 : memref<!tpu.dma_semaphore, #tpu.memory_space<semaphore_mem>>)
    %dma_start3A_21 = arith.constant 1 : i32
    %dma_start3A_22 = arith.constant 0 : i32
    %dma_start3A_23 = tpu.memref_slice %arg7[%dma_start3A_21, %dma_start3A_22] : memref<4x80xi32, #tpu.memory_space<vmem>> -> memref<1x80xi32, #tpu.memory_space<vmem>>
    %dma_start3A_24 = tpu.memref_squeeze %dma_start3A_23 : memref<1x80xi32, #tpu.memory_space<vmem>> -> memref<80xi32, #tpu.memory_space<vmem>>
    %dma_start3A_25 = arith.constant 0 : i32
    %dma_start3A_26 = arith.constant 0 : i32
    %dma_start3A_27 = tpu.memref_slice %arg3[%dma_start3A_25, %dma_start3A_26] : memref<10000x128xf32, #tpu.memory_space<hbm>> -> memref<10000x128xf32, #tpu.memory_space<hbm>>
    tpu.enqueue_indirect_dma source(%dma_start3A_27 : memref<10000x128xf32, #tpu.memory_space<hbm>>) target(%arg9 : memref<80x128xf32, #tpu.memory_space<vmem>>) offsets(%dma_start3A_24 : memref<80xi32, #tpu.memory_space<vmem>>) semaphore(%arg14 : memref<!tpu.dma_semaphore, #tpu.memory_space<semaphore_mem>>)
    %dma_wait3A = arith.constant 0 : i32
    %dma_wait3A_28 = arith.constant 0 : i32
    %dma_wait3A_29 = tpu.memref_slice %arg7[%dma_wait3A, %dma_wait3A_28] : memref<4x80xi32, #tpu.memory_space<vmem>> -> memref<1x80xi32, #tpu.memory_space<vmem>>
    %dma_wait3A_30 = tpu.memref_squeeze %dma_wait3A_29 : memref<1x80xi32, #tpu.memory_space<vmem>> -> memref<80xi32, #tpu.memory_space<vmem>>
    %dma_wait3A_31 = arith.constant 0 : i32
    %dma_wait3A_32 = arith.constant 0 : i32
    %dma_wait3A_33 = tpu.memref_slice %arg3[%dma_wait3A_31, %dma_wait3A_32] : memref<10000x128xf32, #tpu.memory_space<hbm>> -> memref<10000x128xf32, #tpu.memory_space<hbm>>
    tpu.wait_indirect_dma semaphore(%arg13 : memref<!tpu.dma_semaphore, #tpu.memory_space<semaphore_mem>>) src(%dma_wait3A_33 : memref<10000x128xf32, #tpu.memory_space<hbm>>) dst(%arg8 : memref<80x128xf32, #tpu.memory_space<vmem>>)
    %mul3A_34 = arith.constant 4 : i32
    %mul3A_35 = arith.muli %add3A, %mul3A_34 : i32
    %add3A_36 = arith.constant 0 : i32
    %add3A_37 = arith.addi %mul3A_35, %add3A_36 : i32
    %mul3A_38 = arith.constant 80 : i32
    %mul3A_39 = arith.muli %add3A_37, %mul3A_38 : i32
    %dma_start3A_40 = arith.constant 0 : i32
    %dma_start3A_41 = tpu.memref_slice %arg5[%mul3A_39, %dma_start3A_40] : memref<10240x128xf32, #tpu.memory_space<hbm>> -> memref<80x128xf32, #tpu.memory_space<hbm>>
    %dma_start3A_42 = arith.constant 0 : i32
    %dma_start3A_43 = tpu.memref_slice %arg5[%mul3A_39, %dma_start3A_42] : memref<10240x128xf32, #tpu.memory_space<hbm>> -> memref<80x128xf32, #tpu.memory_space<hbm>>
    tpu.enqueue_dma source(%arg8 : memref<80x128xf32, #tpu.memory_space<vmem>>) target(%dma_start3A_43 : memref<80x128xf32, #tpu.memory_space<hbm>>) target_semaphore(%arg15 : memref<!tpu.dma_semaphore, #tpu.memory_space<semaphore_mem>>)
    %mul3A_44 = arith.constant 4 : i32
    %mul3A_45 = arith.muli %add3A, %mul3A_44 : i32
    %add3A_46 = arith.constant 1 : i32
    %add3A_47 = arith.addi %mul3A_45, %add3A_46 : i32
    %sub3A = arith.constant 1 : i32
    %sub3A_48 = arith.subi %add3A_47, %sub3A : i32
    %mul3A_49 = arith.constant 80 : i32
    %mul3A_50 = arith.muli %sub3A_48, %mul3A_49 : i32
    %dma_wait3A_51 = arith.constant 0 : i32
    %dma_wait3A_52 = tpu.memref_slice %arg5[%mul3A_50, %dma_wait3A_51] : memref<10240x128xf32, #tpu.memory_space<hbm>> -> memref<80x128xf32, #tpu.memory_space<hbm>>
    %dma_wait3A_53 = arith.constant 0 : i32
    %dma_wait3A_54 = tpu.memref_slice %arg5[%mul3A_50, %dma_wait3A_53] : memref<10240x128xf32, #tpu.memory_space<hbm>> -> memref<80x128xf32, #tpu.memory_space<hbm>>
    tpu.wait_dma2 semaphore(%arg15 : memref<!tpu.dma_semaphore, #tpu.memory_space<semaphore_mem>>) src(%arg8 : memref<80x128xf32, #tpu.memory_space<vmem>>) dst(%dma_wait3A_54 : memref<80x128xf32, #tpu.memory_space<hbm>>)
    %dma_start3A_55 = arith.constant 2 : i32
    %dma_start3A_56 = arith.constant 0 : i32
    %dma_start3A_57 = tpu.memref_slice %arg7[%dma_start3A_55, %dma_start3A_56] : memref<4x80xi32, #tpu.memory_space<vmem>> -> memref<1x80xi32, #tpu.memory_space<vmem>>
    %dma_start3A_58 = tpu.memref_squeeze %dma_start3A_57 : memref<1x80xi32, #tpu.memory_space<vmem>> -> memref<80xi32, #tpu.memory_space<vmem>>
    %dma_start3A_59 = arith.constant 0 : i32
    %dma_start3A_60 = arith.constant 0 : i32
    %dma_start3A_61 = tpu.memref_slice %arg3[%dma_start3A_59, %dma_start3A_60] : memref<10000x128xf32, #tpu.memory_space<hbm>> -> memref<10000x128xf32, #tpu.memory_space<hbm>>
    tpu.enqueue_indirect_dma source(%dma_start3A_61 : memref<10000x128xf32, #tpu.memory_space<hbm>>) target(%arg8 : memref<80x128xf32, #tpu.memory_space<vmem>>) offsets(%dma_start3A_58 : memref<80xi32, #tpu.memory_space<vmem>>) semaphore(%arg13 : memref<!tpu.dma_semaphore, #tpu.memory_space<semaphore_mem>>)
    %dma_wait3A_62 = arith.constant 1 : i32
    %dma_wait3A_63 = arith.constant 0 : i32
    %dma_wait3A_64 = tpu.memref_slice %arg7[%dma_wait3A_62, %dma_wait3A_63] : memref<4x80xi32, #tpu.memory_space<vmem>> -> memref<1x80xi32, #tpu.memory_space<vmem>>
    %dma_wait3A_65 = tpu.memref_squeeze %dma_wait3A_64 : memref<1x80xi32, #tpu.memory_space<vmem>> -> memref<80xi32, #tpu.memory_space<vmem>>
    %dma_wait3A_66 = arith.constant 0 : i32
    %dma_wait3A_67 = arith.constant 0 : i32
    %dma_wait3A_68 = tpu.memref_slice %arg3[%dma_wait3A_66, %dma_wait3A_67] : memref<10000x128xf32, #tpu.memory_space<hbm>> -> memref<10000x128xf32, #tpu.memory_space<hbm>>
    tpu.wait_indirect_dma semaphore(%arg14 : memref<!tpu.dma_semaphore, #tpu.memory_space<semaphore_mem>>) src(%dma_wait3A_68 : memref<10000x128xf32, #tpu.memory_space<hbm>>) dst(%arg9 : memref<80x128xf32, #tpu.memory_space<vmem>>)
    %mul3A_69 = arith.constant 4 : i32
    %mul3A_70 = arith.muli %add3A, %mul3A_69 : i32
    %add3A_71 = arith.constant 1 : i32
    %add3A_72 = arith.addi %mul3A_70, %add3A_71 : i32
    %mul3A_73 = arith.constant 80 : i32
    %mul3A_74 = arith.muli %add3A_72, %mul3A_73 : i32
    %dma_start3A_75 = arith.constant 0 : i32
    %dma_start3A_76 = tpu.memref_slice %arg5[%mul3A_74, %dma_start3A_75] : memref<10240x128xf32, #tpu.memory_space<hbm>> -> memref<80x128xf32, #tpu.memory_space<hbm>>
    %dma_start3A_77 = arith.constant 0 : i32
    %dma_start3A_78 = tpu.memref_slice %arg5[%mul3A_74, %dma_start3A_77] : memref<10240x128xf32, #tpu.memory_space<hbm>> -> memref<80x128xf32, #tpu.memory_space<hbm>>
    tpu.enqueue_dma source(%arg9 : memref<80x128xf32, #tpu.memory_space<vmem>>) target(%dma_start3A_78 : memref<80x128xf32, #tpu.memory_space<hbm>>) target_semaphore(%arg15 : memref<!tpu.dma_semaphore, #tpu.memory_space<semaphore_mem>>)
    %mul3A_79 = arith.constant 4 : i32
    %mul3A_80 = arith.muli %add3A, %mul3A_79 : i32
    %add3A_81 = arith.constant 2 : i32
    %add3A_82 = arith.addi %mul3A_80, %add3A_81 : i32
    %sub3A_83 = arith.constant 1 : i32
    %sub3A_84 = arith.subi %add3A_82, %sub3A_83 : i32
    %mul3A_85 = arith.constant 80 : i32
    %mul3A_86 = arith.muli %sub3A_84, %mul3A_85 : i32
    %dma_wait3A_87 = arith.constant 0 : i32
    %dma_wait3A_88 = tpu.memref_slice %arg5[%mul3A_86, %dma_wait3A_87] : memref<10240x128xf32, #tpu.memory_space<hbm>> -> memref<80x128xf32, #tpu.memory_space<hbm>>
    %dma_wait3A_89 = arith.constant 0 : i32
    %dma_wait3A_90 = tpu.memref_slice %arg5[%mul3A_86, %dma_wait3A_89] : memref<10240x128xf32, #tpu.memory_space<hbm>> -> memref<80x128xf32, #tpu.memory_space<hbm>>
    tpu.wait_dma2 semaphore(%arg15 : memref<!tpu.dma_semaphore, #tpu.memory_space<semaphore_mem>>) src(%arg9 : memref<80x128xf32, #tpu.memory_space<vmem>>) dst(%dma_wait3A_90 : memref<80x128xf32, #tpu.memory_space<hbm>>)
    %dma_start3A_91 = arith.constant 3 : i32
    %dma_start3A_92 = arith.constant 0 : i32
    %dma_start3A_93 = tpu.memref_slice %arg7[%dma_start3A_91, %dma_start3A_92] : memref<4x80xi32, #tpu.memory_space<vmem>> -> memref<1x80xi32, #tpu.memory_space<vmem>>
    %dma_start3A_94 = tpu.memref_squeeze %dma_start3A_93 : memref<1x80xi32, #tpu.memory_space<vmem>> -> memref<80xi32, #tpu.memory_space<vmem>>
    %dma_start3A_95 = arith.constant 0 : i32
    %dma_start3A_96 = arith.constant 0 : i32
    %dma_start3A_97 = tpu.memref_slice %arg3[%dma_start3A_95, %dma_start3A_96] : memref<10000x128xf32, #tpu.memory_space<hbm>> -> memref<10000x128xf32, #tpu.memory_space<hbm>>
    tpu.enqueue_indirect_dma source(%dma_start3A_97 : memref<10000x128xf32, #tpu.memory_space<hbm>>) target(%arg9 : memref<80x128xf32, #tpu.memory_space<vmem>>) offsets(%dma_start3A_94 : memref<80xi32, #tpu.memory_space<vmem>>) semaphore(%arg14 : memref<!tpu.dma_semaphore, #tpu.memory_space<semaphore_mem>>)
    %dma_wait3A_98 = arith.constant 2 : i32
    %dma_wait3A_99 = arith.constant 0 : i32
    %dma_wait3A_100 = tpu.memref_slice %arg7[%dma_wait3A_98, %dma_wait3A_99] : memref<4x80xi32, #tpu.memory_space<vmem>> -> memref<1x80xi32, #tpu.memory_space<vmem>>
    %dma_wait3A_101 = tpu.memref_squeeze %dma_wait3A_100 : memref<1x80xi32, #tpu.memory_space<vmem>> -> memref<80xi32, #tpu.memory_space<vmem>>
    %dma_wait3A_102 = arith.constant 0 : i32
    %dma_wait3A_103 = arith.constant 0 : i32
    %dma_wait3A_104 = tpu.memref_slice %arg3[%dma_wait3A_102, %dma_wait3A_103] : memref<10000x128xf32, #tpu.memory_space<hbm>> -> memref<10000x128xf32, #tpu.memory_space<hbm>>
    tpu.wait_indirect_dma semaphore(%arg13 : memref<!tpu.dma_semaphore, #tpu.memory_space<semaphore_mem>>) src(%dma_wait3A_104 : memref<10000x128xf32, #tpu.memory_space<hbm>>) dst(%arg8 : memref<80x128xf32, #tpu.memory_space<vmem>>)
    %mul3A_105 = arith.constant 4 : i32
    %mul3A_106 = arith.muli %add3A, %mul3A_105 : i32
    %add3A_107 = arith.constant 2 : i32
    %add3A_108 = arith.addi %mul3A_106, %add3A_107 : i32
    %mul3A_109 = arith.constant 80 : i32
    %mul3A_110 = arith.muli %add3A_108, %mul3A_109 : i32
    %dma_start3A_111 = arith.constant 0 : i32
    %dma_start3A_112 = tpu.memref_slice %arg5[%mul3A_110, %dma_start3A_111] : memref<10240x128xf32, #tpu.memory_space<hbm>> -> memref<80x128xf32, #tpu.memory_space<hbm>>
    %dma_start3A_113 = arith.constant 0 : i32
    %dma_start3A_114 = tpu.memref_slice %arg5[%mul3A_110, %dma_start3A_113] : memref<10240x128xf32, #tpu.memory_space<hbm>> -> memref<80x128xf32, #tpu.memory_space<hbm>>
    tpu.enqueue_dma source(%arg8 : memref<80x128xf32, #tpu.memory_space<vmem>>) target(%dma_start3A_114 : memref<80x128xf32, #tpu.memory_space<hbm>>) target_semaphore(%arg15 : memref<!tpu.dma_semaphore, #tpu.memory_space<semaphore_mem>>)
    %dma_wait3A_115 = arith.constant 3 : i32
    %dma_wait3A_116 = arith.constant 0 : i32
    %dma_wait3A_117 = tpu.memref_slice %arg7[%dma_wait3A_115, %dma_wait3A_116] : memref<4x80xi32, #tpu.memory_space<vmem>> -> memref<1x80xi32, #tpu.memory_space<vmem>>
    %dma_wait3A_118 = tpu.memref_squeeze %dma_wait3A_117 : memref<1x80xi32, #tpu.memory_space<vmem>> -> memref<80xi32, #tpu.memory_space<vmem>>
    %dma_wait3A_119 = arith.constant 0 : i32
    %dma_wait3A_120 = arith.constant 0 : i32
    %dma_wait3A_121 = tpu.memref_slice %arg3[%dma_wait3A_119, %dma_wait3A_120] : memref<10000x128xf32, #tpu.memory_space<hbm>> -> memref<10000x128xf32, #tpu.memory_space<hbm>>
    tpu.wait_indirect_dma semaphore(%arg14 : memref<!tpu.dma_semaphore, #tpu.memory_space<semaphore_mem>>) src(%dma_wait3A_121 : memref<10000x128xf32, #tpu.memory_space<hbm>>) dst(%arg9 : memref<80x128xf32, #tpu.memory_space<vmem>>)
    %mul3A_122 = arith.constant 4 : i32
    %mul3A_123 = arith.muli %add3A, %mul3A_122 : i32
    %add3A_124 = arith.constant 3 : i32
    %add3A_125 = arith.addi %mul3A_123, %add3A_124 : i32
    %mul3A_126 = arith.constant 80 : i32
    %mul3A_127 = arith.muli %add3A_125, %mul3A_126 : i32
    %dma_start3A_128 = arith.constant 0 : i32
    %dma_start3A_129 = tpu.memref_slice %arg5[%mul3A_127, %dma_start3A_128] : memref<10240x128xf32, #tpu.memory_space<hbm>> -> memref<80x128xf32, #tpu.memory_space<hbm>>
    %dma_start3A_130 = arith.constant 0 : i32
    %dma_start3A_131 = tpu.memref_slice %arg5[%mul3A_127, %dma_start3A_130] : memref<10240x128xf32, #tpu.memory_space<hbm>> -> memref<80x128xf32, #tpu.memory_space<hbm>>
    tpu.enqueue_dma source(%arg9 : memref<80x128xf32, #tpu.memory_space<vmem>>) target(%dma_start3A_131 : memref<80x128xf32, #tpu.memory_space<hbm>>) target_semaphore(%arg15 : memref<!tpu.dma_semaphore, #tpu.memory_space<semaphore_mem>>)
    %mul3A_132 = arith.constant 4 : i32
    %mul3A_133 = arith.muli %add3A, %mul3A_132 : i32
    %add3A_134 = arith.constant 4 : i32
    %add3A_135 = arith.addi %mul3A_133, %add3A_134 : i32
    %sub3A_136 = arith.constant 2 : i32
    %sub3A_137 = arith.subi %add3A_135, %sub3A_136 : i32
    %mul3A_138 = arith.constant 80 : i32
    %mul3A_139 = arith.muli %sub3A_137, %mul3A_138 : i32
    %dma_wait3A_140 = arith.constant 0 : i32
    %dma_wait3A_141 = tpu.memref_slice %arg5[%mul3A_139, %dma_wait3A_140] : memref<10240x128xf32, #tpu.memory_space<hbm>> -> memref<80x128xf32, #tpu.memory_space<hbm>>
    %dma_wait3A_142 = arith.constant 0 : i32
    %dma_wait3A_143 = tpu.memref_slice %arg5[%mul3A_139, %dma_wait3A_142] : memref<10240x128xf32, #tpu.memory_space<hbm>> -> memref<80x128xf32, #tpu.memory_space<hbm>>
    tpu.wait_dma2 semaphore(%arg15 : memref<!tpu.dma_semaphore, #tpu.memory_space<semaphore_mem>>) src(%arg8 : memref<80x128xf32, #tpu.memory_space<vmem>>) dst(%dma_wait3A_143 : memref<80x128xf32, #tpu.memory_space<hbm>>)
    %mul3A_144 = arith.constant 4 : i32
    %mul3A_145 = arith.muli %add3A, %mul3A_144 : i32
    %add3A_146 = arith.constant 4 : i32
    %add3A_147 = arith.addi %mul3A_145, %add3A_146 : i32
    %sub3A_148 = arith.constant 1 : i32
    %sub3A_149 = arith.subi %add3A_147, %sub3A_148 : i32
    %mul3A_150 = arith.constant 80 : i32
    %mul3A_151 = arith.muli %sub3A_149, %mul3A_150 : i32
    %dma_wait3A_152 = arith.constant 0 : i32
    %dma_wait3A_153 = tpu.memref_slice %arg5[%mul3A_151, %dma_wait3A_152] : memref<10240x128xf32, #tpu.memory_space<hbm>> -> memref<80x128xf32, #tpu.memory_space<hbm>>
    %dma_wait3A_154 = arith.constant 0 : i32
    %dma_wait3A_155 = tpu.memref_slice %arg5[%mul3A_151, %dma_wait3A_154] : memref<10240x128xf32, #tpu.memory_space<hbm>> -> memref<80x128xf32, #tpu.memory_space<hbm>>
    tpu.wait_dma2 semaphore(%arg15 : memref<!tpu.dma_semaphore, #tpu.memory_space<semaphore_mem>>) src(%arg9 : memref<80x128xf32, #tpu.memory_space<vmem>>) dst(%dma_wait3A_155 : memref<80x128xf32, #tpu.memory_space<hbm>>)
    %broadcast_in_dim3A_156 = arith.constant 1.000000e+00 : f32
    %broadcast_in_dim3A_157 = vector.broadcast %broadcast_in_dim3A_156 : f32 to vector<16xf32>
    %scan3A_158 = arith.constant 0 : i32
    %scan3A_159 = arith.constant 0 : i32
    %scan3A_160 = arith.constant 640 : i32
    %scan3A_161 = arith.addi %scan3A_159, %scan3A_160 : i32
    %scan3A_162 = arith.constant 1 : i32
    %scan3A_163 = scf.for %scan3A_177 = %scan3A_159 to %scan3A_161 step %scan3A_162 iter_args(%scan3A_178 = %scan3A_158) -> (i32)  : i32 {
      %jit3A = arith.constant 8 : i32
      %div3A = arith.divsi %scan3A_177, %jit3A : i32
      %sign3A = arith.constant 0 : i32
      %sign3A_179 = arith.cmpi sgt, %scan3A_177, %sign3A : i32
      %sign3A_180 = arith.extui %sign3A_179 : i1 to i32
      %sign3A_181 = arith.constant 0 : i32
      %sign3A_182 = arith.cmpi slt, %scan3A_177, %sign3A_181 : i32
      %sign3A_183 = arith.extui %sign3A_182 : i1 to i32
      %sign3A_184 = arith.subi %sign3A_180, %sign3A_183 : i32
      %sign3A_185 = arith.constant 0 : i32
      %sign3A_186 = arith.cmpi sgt, %jit3A, %sign3A_185 : i32
      %sign3A_187 = arith.extui %sign3A_186 : i1 to i32
      %sign3A_188 = arith.constant 0 : i32
      %sign3A_189 = arith.cmpi slt, %jit3A, %sign3A_188 : i32
      %sign3A_190 = arith.extui %sign3A_189 : i1 to i32
      %sign3A_191 = arith.subi %sign3A_187, %sign3A_190 : i32
      %ne3A = arith.cmpi ne, %sign3A_184, %sign3A_191 : i32
      %rem3A = arith.remsi %scan3A_177, %jit3A : i32
      %ne3A_192 = arith.constant 0 : i32
      %ne3A_193 = arith.cmpi ne, %rem3A, %ne3A_192 : i32
      %and3A = arith.andi %ne3A, %ne3A_193 : i1
      %sub3A_194 = arith.constant 1 : i32
      %sub3A_195 = arith.subi %div3A, %sub3A_194 : i32
      %select_n3A = arith.select %and3A, %sub3A_195, %div3A : i32
      %jit3A_196 = arith.constant 8 : i32
      %eq3A = arith.constant 0 : i32
      %eq3A_197 = arith.cmpi eq, %jit3A_196, %eq3A : i32
      %jit3A_198 = arith.constant 1 : i32
      %select_n3A_199 = arith.select %eq3A_197, %jit3A_198, %jit3A_196 : i32
      %rem3A_200 = arith.remsi %scan3A_177, %select_n3A_199 : i32
      %ne3A_201 = arith.constant 0 : i32
      %ne3A_202 = arith.cmpi ne, %rem3A_200, %ne3A_201 : i32
      %lt3A = arith.constant 0 : i32
      %lt3A_203 = arith.cmpi slt, %rem3A_200, %lt3A : i32
      %lt3A_204 = arith.constant 0 : i32
      %lt3A_205 = arith.cmpi slt, %select_n3A_199, %lt3A_204 : i32
      %ne3A_206 = arith.xori %lt3A_203, %lt3A_205 : i1
      %and3A_207 = arith.andi %ne3A_206, %ne3A_202 : i1
      %add3A_208 = arith.addi %rem3A_200, %select_n3A_199 : i32
      %select_n3A_209 = arith.select %and3A_207, %add3A_208, %rem3A_200 : i32
      %mul3A_210 = arith.constant 16 : i32
      %mul3A_211 = arith.muli %select_n3A_209, %mul3A_210 : i32
      %swap3A = arith.index_cast %select_n3A : i32 to index
      %swap3A_212 = arith.index_cast %mul3A_211 : i32 to index
      %swap3A_213 = tpu.vector_load %arg10[%swap3A, %swap3A_212] {strides = array<i32>} : memref<80x128xf32, #tpu.memory_space<vmem>>, vector<1x16xf32>,
      %swap3A_214 = vector.shape_cast %swap3A_213 : vector<1x16xf32> to vector<16xf32>
      %swap3A_215 = vector.shape_cast %broadcast_in_dim3A_157 : vector<16xf32> to vector<1x16xf32>
      tpu.vector_store %arg10[%swap3A, %swap3A_212], %swap3A_215 {strides = array<i32>} : memref<80x128xf32, #tpu.memory_space<vmem>>, vector<1x16xf32>,
      %scan3A_216 = arith.constant 0 : i32
      scf.yield %scan3A_216 : i32
    }
    %scan3A_164 = arith.constant 640 : i32
    %barrier3A = arith.constant 0 : index
    tpu.barrier barrier_id(%barrier3A)
    %scan3A_165 = arith.constant 0 : i32
    %scan3A_166 = arith.constant 0 : i32
    %scan3A_167 = arith.constant 5 : i32
    %scan3A_168 = arith.addi %scan3A_166, %scan3A_167 : i32
    %scan3A_169 = arith.constant 1 : i32
    %scan3A_170 = scf.for %scan3A_177 = %scan3A_166 to %scan3A_168 step %scan3A_169 iter_args(%scan3A_178 = %scan3A_165) -> (i32)  : i32 {
      "tpu.region"() ({
        %run_scoped3A = tpu.sem_alloc : memref<!tpu.dma_semaphore, #tpu.memory_space<semaphore_mem>>
        %dma_start3A_201 = arith.constant 0 : i32
        %dma_start3A_202 = arith.constant 0 : i32
        %dma_start3A_203 = tpu.memref_slice %arg4[%add3A, %scan3A_177, %dma_start3A_201, %dma_start3A_202] : memref<32x5x25x80xi32, #tpu.memory_space<hbm>> -> memref<1x1x25x80xi32, #tpu.memory_space<hbm>>
        %dma_start3A_204 = tpu.memref_squeeze %dma_start3A_203 : memref<1x1x25x80xi32, #tpu.memory_space<hbm>> -> memref<25x80xi32, #tpu.memory_space<hbm>>
        %dma_start3A_205 = arith.constant 0 : i32
        %dma_start3A_206 = arith.constant 0 : i32
        %dma_start3A_207 = tpu.memref_slice %arg4[%add3A, %scan3A_177, %dma_start3A_205, %dma_start3A_206] : memref<32x5x25x80xi32, #tpu.memory_space<hbm>> -> memref<1x1x25x80xi32, #tpu.memory_space<hbm>>
        %dma_start3A_208 = tpu.memref_squeeze %dma_start3A_207 : memref<1x1x25x80xi32, #tpu.memory_space<hbm>> -> memref<25x80xi32, #tpu.memory_space<hbm>>
        tpu.enqueue_dma source(%dma_start3A_208 : memref<25x80xi32, #tpu.memory_space<hbm>>) target(%arg11 : memref<25x80xi32, #tpu.memory_space<vmem>>) target_semaphore(%run_scoped3A : memref<!tpu.dma_semaphore, #tpu.memory_space<semaphore_mem>>)
        %dma_wait3A_209 = arith.constant 0 : i32
        %dma_wait3A_210 = arith.constant 0 : i32
        %dma_wait3A_211 = tpu.memref_slice %arg4[%add3A, %scan3A_177, %dma_wait3A_209, %dma_wait3A_210] : memref<32x5x25x80xi32, #tpu.memory_space<hbm>> -> memref<1x1x25x80xi32, #tpu.memory_space<hbm>>
        %dma_wait3A_212 = tpu.memref_squeeze %dma_wait3A_211 : memref<1x1x25x80xi32, #tpu.memory_space<hbm>> -> memref<25x80xi32, #tpu.memory_space<hbm>>
        %dma_wait3A_213 = arith.constant 0 : i32
        %dma_wait3A_214 = arith.constant 0 : i32
        %dma_wait3A_215 = tpu.memref_slice %arg4[%add3A, %scan3A_177, %dma_wait3A_213, %dma_wait3A_214] : memref<32x5x25x80xi32, #tpu.memory_space<hbm>> -> memref<1x1x25x80xi32, #tpu.memory_space<hbm>>
        %dma_wait3A_216 = tpu.memref_squeeze %dma_wait3A_215 : memref<1x1x25x80xi32, #tpu.memory_space<hbm>> -> memref<25x80xi32, #tpu.memory_space<hbm>>
        tpu.wait_dma2 semaphore(%run_scoped3A : memref<!tpu.dma_semaphore, #tpu.memory_space<semaphore_mem>>) src(%dma_wait3A_216 : memref<25x80xi32, #tpu.memory_space<hbm>>) dst(%arg11 : memref<25x80xi32, #tpu.memory_space<vmem>>)
        tpu.yield
      }) : () -> ()
      %scan3A_179 = arith.constant 0 : i32
      %scan3A_180 = arith.constant 0 : i32
      %scan3A_181 = arith.constant 25 : i32
      %scan3A_182 = arith.addi %scan3A_180, %scan3A_181 : i32
      %scan3A_183 = arith.constant 1 : i32
      %scan3A_184 = scf.for %scan3A_201 = %scan3A_180 to %scan3A_182 step %scan3A_183 iter_args(%scan3A_202 = %scan3A_179) -> (i32)  : i32 {
        %jit3A = arith.constant 2 : i32
        %eq3A = arith.constant 0 : i32
        %eq3A_203 = arith.cmpi eq, %jit3A, %eq3A : i32
        %jit3A_204 = arith.constant 1 : i32
        %select_n3A = arith.select %eq3A_203, %jit3A_204, %jit3A : i32
        %rem3A = arith.remsi %scan3A_201, %select_n3A : i32
        %ne3A = arith.constant 0 : i32
        %ne3A_205 = arith.cmpi ne, %rem3A, %ne3A : i32
        %lt3A = arith.constant 0 : i32
        %lt3A_206 = arith.cmpi slt, %rem3A, %lt3A : i32
        %lt3A_207 = arith.constant 0 : i32
        %lt3A_208 = arith.cmpi slt, %select_n3A, %lt3A_207 : i32
        %ne3A_209 = arith.xori %lt3A_206, %lt3A_208 : i1
        %and3A = arith.andi %ne3A_209, %ne3A_205 : i1
        %add3A_210 = arith.addi %rem3A, %select_n3A : i32
        %select_n3A_211 = arith.select %and3A, %add3A_210, %rem3A : i32
        %eq3A_212 = arith.constant 0 : i32
        %eq3A_213 = arith.cmpi eq, %select_n3A_211, %eq3A_212 : i32
        %convert_element_type3A = arith.extui %eq3A_213 : i1 to i32
        %cond3A = arith.constant 0 : i32
        %cond3A_214 = arith.cmpi ne, %convert_element_type3A, %cond3A : i32
        scf.if %cond3A_214 {
          %ge3A = arith.constant 2 : i32
          %ge3A_237 = arith.cmpi sge, %scan3A_201, %ge3A : i32
          %convert_element_type3A_238 = arith.extui %ge3A_237 : i1 to i32
          %cond3A_239 = arith.constant 0 : i32
          %cond3A_240 = arith.cmpi ne, %convert_element_type3A_238, %cond3A_239 : i32
          scf.if %cond3A_240 {
            %sub3A_247 = arith.constant 2 : i32
            %sub3A_248 = arith.subi %scan3A_201, %sub3A_247 : i32
            %dma_wait3A_249 = arith.constant 0 : i32
            %dma_wait3A_250 = tpu.memref_slice %arg11[%sub3A_248, %dma_wait3A_249] : memref<25x80xi32, #tpu.memory_space<vmem>> -> memref<1x80xi32, #tpu.memory_space<vmem>>
            %dma_wait3A_251 = tpu.memref_squeeze %dma_wait3A_250 : memref<1x80xi32, #tpu.memory_space<vmem>> -> memref<80xi32, #tpu.memory_space<vmem>>
            %dma_wait3A_252 = arith.constant 0 : i32
            %dma_wait3A_253 = arith.constant 0 : i32
            %dma_wait3A_254 = tpu.memref_slice %arg12[%dma_wait3A_252, %dma_wait3A_253] : memref<10240x128xf32, #tpu.memory_space<vmem_shared>> -> memref<10240x128xf32, #tpu.memory_space<vmem_shared>>
            tpu.wait_indirect_dma semaphore(%arg16 : memref<!tpu.dma_semaphore, #tpu.memory_space<semaphore_mem>>) src(%arg10 : memref<80x128xf32, #tpu.memory_space<vmem>>) dst(%dma_wait3A_254 : memref<10240x128xf32, #tpu.memory_space<vmem_shared>>)
          } else {
          }
          %dma_start3A_241 = arith.constant 0 : i32
          %dma_start3A_242 = tpu.memref_slice %arg11[%scan3A_201, %dma_start3A_241] : memref<25x80xi32, #tpu.memory_space<vmem>> -> memref<1x80xi32, #tpu.memory_space<vmem>>
          %dma_start3A_243 = tpu.memref_squeeze %dma_start3A_242 : memref<1x80xi32, #tpu.memory_space<vmem>> -> memref<80xi32, #tpu.memory_space<vmem>>
          %dma_start3A_244 = arith.constant 0 : i32
          %dma_start3A_245 = arith.constant 0 : i32
          %dma_start3A_246 = tpu.memref_slice %arg12[%dma_start3A_244, %dma_start3A_245] : memref<10240x128xf32, #tpu.memory_space<vmem_shared>> -> memref<10240x128xf32, #tpu.memory_space<vmem_shared>>
          tpu.enqueue_indirect_dma source(%arg10 : memref<80x128xf32, #tpu.memory_space<vmem>>) target(%dma_start3A_246 : memref<10240x128xf32, #tpu.memory_space<vmem_shared>>) offsets(%dma_start3A_243 : memref<80xi32, #tpu.memory_space<vmem>>) semaphore(%arg16 : memref<!tpu.dma_semaphore, #tpu.memory_space<semaphore_mem>>) {add = true}
        } else {
        }
        %jit3A_215 = arith.constant 2 : i32
        %eq3A_216 = arith.constant 0 : i32
        %eq3A_217 = arith.cmpi eq, %jit3A_215, %eq3A_216 : i32
        %jit3A_218 = arith.constant 1 : i32
        %select_n3A_219 = arith.select %eq3A_217, %jit3A_218, %jit3A_215 : i32
        %rem3A_220 = arith.remsi %scan3A_201, %select_n3A_219 : i32
        %ne3A_221 = arith.constant 0 : i32
        %ne3A_222 = arith.cmpi ne, %rem3A_220, %ne3A_221 : i32
        %lt3A_223 = arith.constant 0 : i32
        %lt3A_224 = arith.cmpi slt, %rem3A_220, %lt3A_223 : i32
        %lt3A_225 = arith.constant 0 : i32
        %lt3A_226 = arith.cmpi slt, %select_n3A_219, %lt3A_225 : i32
        %ne3A_227 = arith.xori %lt3A_224, %lt3A_226 : i1
        %and3A_228 = arith.andi %ne3A_227, %ne3A_222 : i1
        %add3A_229 = arith.addi %rem3A_220, %select_n3A_219 : i32
        %select_n3A_230 = arith.select %and3A_228, %add3A_229, %rem3A_220 : i32
        %eq3A_231 = arith.constant 1 : i32
        %eq3A_232 = arith.cmpi eq, %select_n3A_230, %eq3A_231 : i32
        %convert_element_type3A_233 = arith.extui %eq3A_232 : i1 to i32
        %cond3A_234 = arith.constant 0 : i32
        %cond3A_235 = arith.cmpi ne, %convert_element_type3A_233, %cond3A_234 : i32
        scf.if %cond3A_235 {
          %ge3A = arith.constant 2 : i32
          %ge3A_237 = arith.cmpi sge, %scan3A_201, %ge3A : i32
          %convert_element_type3A_238 = arith.extui %ge3A_237 : i1 to i32
          %cond3A_239 = arith.constant 0 : i32
          %cond3A_240 = arith.cmpi ne, %convert_element_type3A_238, %cond3A_239 : i32
          scf.if %cond3A_240 {
            %sub3A_247 = arith.constant 2 : i32
            %sub3A_248 = arith.subi %scan3A_201, %sub3A_247 : i32
            %dma_wait3A_249 = arith.constant 0 : i32
            %dma_wait3A_250 = tpu.memref_slice %arg11[%sub3A_248, %dma_wait3A_249] : memref<25x80xi32, #tpu.memory_space<vmem>> -> memref<1x80xi32, #tpu.memory_space<vmem>>
            %dma_wait3A_251 = tpu.memref_squeeze %dma_wait3A_250 : memref<1x80xi32, #tpu.memory_space<vmem>> -> memref<80xi32, #tpu.memory_space<vmem>>
            %dma_wait3A_252 = arith.constant 0 : i32
            %dma_wait3A_253 = arith.constant 0 : i32
            %dma_wait3A_254 = tpu.memref_slice %arg12[%dma_wait3A_252, %dma_wait3A_253] : memref<10240x128xf32, #tpu.memory_space<vmem_shared>> -> memref<10240x128xf32, #tpu.memory_space<vmem_shared>>
            tpu.wait_indirect_dma semaphore(%arg17 : memref<!tpu.dma_semaphore, #tpu.memory_space<semaphore_mem>>) src(%arg10 : memref<80x128xf32, #tpu.memory_space<vmem>>) dst(%dma_wait3A_254 : memref<10240x128xf32, #tpu.memory_space<vmem_shared>>)
          } else {
          }
          %dma_start3A_241 = arith.constant 0 : i32
          %dma_start3A_242 = tpu.memref_slice %arg11[%scan3A_201, %dma_start3A_241] : memref<25x80xi32, #tpu.memory_space<vmem>> -> memref<1x80xi32, #tpu.memory_space<vmem>>
          %dma_start3A_243 = tpu.memref_squeeze %dma_start3A_242 : memref<1x80xi32, #tpu.memory_space<vmem>> -> memref<80xi32, #tpu.memory_space<vmem>>
          %dma_start3A_244 = arith.constant 0 : i32
          %dma_start3A_245 = arith.constant 0 : i32
          %dma_start3A_246 = tpu.memref_slice %arg12[%dma_start3A_244, %dma_start3A_245] : memref<10240x128xf32, #tpu.memory_space<vmem_shared>> -> memref<10240x128xf32, #tpu.memory_space<vmem_shared>>
          tpu.enqueue_indirect_dma source(%arg10 : memref<80x128xf32, #tpu.memory_space<vmem>>) target(%dma_start3A_246 : memref<10240x128xf32, #tpu.memory_space<vmem_shared>>) offsets(%dma_start3A_243 : memref<80xi32, #tpu.memory_space<vmem>>) semaphore(%arg17 : memref<!tpu.dma_semaphore, #tpu.memory_space<semaphore_mem>>) {add = true}
        } else {
        }
        %scan3A_236 = arith.constant 0 : i32
        scf.yield %scan3A_236 : i32
      }
      %scan3A_185 = arith.constant 25 : i32
      %dma_wait3A_186 = arith.constant 23 : i32
      %dma_wait3A_187 = arith.constant 0 : i32
      %dma_wait3A_188 = tpu.memref_slice %arg11[%dma_wait3A_186, %dma_wait3A_187] : memref<25x80xi32, #tpu.memory_space<vmem>> -> memref<1x80xi32, #tpu.memory_space<vmem>>
      %dma_wait3A_189 = tpu.memref_squeeze %dma_wait3A_188 : memref<1x80xi32, #tpu.memory_space<vmem>> -> memref<80xi32, #tpu.memory_space<vmem>>
      %dma_wait3A_190 = arith.constant 0 : i32
      %dma_wait3A_191 = arith.constant 0 : i32
      %dma_wait3A_192 = tpu.memref_slice %arg12[%dma_wait3A_190, %dma_wait3A_191] : memref<10240x128xf32, #tpu.memory_space<vmem_shared>> -> memref<10240x128xf32, #tpu.memory_space<vmem_shared>>
      tpu.wait_indirect_dma semaphore(%arg17 : memref<!tpu.dma_semaphore, #tpu.memory_space<semaphore_mem>>) src(%arg10 : memref<80x128xf32, #tpu.memory_space<vmem>>) dst(%dma_wait3A_192 : memref<10240x128xf32, #tpu.memory_space<vmem_shared>>)
      %dma_wait3A_193 = arith.constant 24 : i32
      %dma_wait3A_194 = arith.constant 0 : i32
      %dma_wait3A_195 = tpu.memref_slice %arg11[%dma_wait3A_193, %dma_wait3A_194] : memref<25x80xi32, #tpu.memory_space<vmem>> -> memref<1x80xi32, #tpu.memory_space<vmem>>
      %dma_wait3A_196 = tpu.memref_squeeze %dma_wait3A_195 : memref<1x80xi32, #tpu.memory_space<vmem>> -> memref<80xi32, #tpu.memory_space<vmem>>
      %dma_wait3A_197 = arith.constant 0 : i32
      %dma_wait3A_198 = arith.constant 0 : i32
      %dma_wait3A_199 = tpu.memref_slice %arg12[%dma_wait3A_197, %dma_wait3A_198] : memref<10240x128xf32, #tpu.memory_space<vmem_shared>> -> memref<10240x128xf32, #tpu.memory_space<vmem_shared>>
      tpu.wait_indirect_dma semaphore(%arg16 : memref<!tpu.dma_semaphore, #tpu.memory_space<semaphore_mem>>) src(%arg10 : memref<80x128xf32, #tpu.memory_space<vmem>>) dst(%dma_wait3A_199 : memref<10240x128xf32, #tpu.memory_space<vmem_shared>>)
      %scan3A_200 = arith.constant 0 : i32
      scf.yield %scan3A_200 : i32
    }
    %scan3A_171 = arith.constant 5 : i32
    %barrier3A_172 = arith.constant 0 : index
    tpu.barrier barrier_id(%barrier3A_172)
    %mul3A_173 = arith.constant 640 : i32
    %mul3A_174 = arith.muli %arg1, %mul3A_173 : i32
    %mul3A_175 = arith.constant 640 : i32
    %mul3A_176 = arith.muli %arg1, %mul3A_175 : i32
    "tpu.region"() ({
      %run_scoped3A = tpu.sem_alloc : memref<!tpu.dma_semaphore, #tpu.memory_space<semaphore_mem>>
      %dma_start3A_177 = arith.constant 0 : i32
      %dma_start3A_178 = tpu.memref_slice %arg6[%arg0, %mul3A_176, %dma_start3A_177] : memref<2x10240x128xf32, #tpu.memory_space<hbm>> -> memref<1x640x128xf32, #tpu.memory_space<hbm>>
      %dma_start3A_179 = tpu.memref_squeeze %dma_start3A_178 : memref<1x640x128xf32, #tpu.memory_space<hbm>> -> memref<640x128xf32, #tpu.memory_space<hbm>>
      %dma_start3A_180 = arith.constant 0 : i32
      %dma_start3A_181 = tpu.memref_slice %arg12[%mul3A_174, %dma_start3A_180] : memref<10240x128xf32, #tpu.memory_space<vmem_shared>> -> memref<640x128xf32, #tpu.memory_space<vmem_shared>>
      tpu.enqueue_dma source(%dma_start3A_181 : memref<640x128xf32, #tpu.memory_space<vmem_shared>>) target(%dma_start3A_179 : memref<640x128xf32, #tpu.memory_space<hbm>>) target_semaphore(%run_scoped3A : memref<!tpu.dma_semaphore, #tpu.memory_space<semaphore_mem>>)
      %dma_wait3A_182 = arith.constant 0 : i32
      %dma_wait3A_183 = tpu.memref_slice %arg6[%arg0, %mul3A_176, %dma_wait3A_182] : memref<2x10240x128xf32, #tpu.memory_space<hbm>> -> memref<1x640x128xf32, #tpu.memory_space<hbm>>
      %dma_wait3A_184 = tpu.memref_squeeze %dma_wait3A_183 : memref<1x640x128xf32, #tpu.memory_space<hbm>> -> memref<640x128xf32, #tpu.memory_space<hbm>>
      %dma_wait3A_185 = arith.constant 0 : i32
      %dma_wait3A_186 = tpu.memref_slice %arg12[%mul3A_174, %dma_wait3A_185] : memref<10240x128xf32, #tpu.memory_space<vmem_shared>> -> memref<640x128xf32, #tpu.memory_space<vmem_shared>>
      tpu.wait_dma2 semaphore(%run_scoped3A : memref<!tpu.dma_semaphore, #tpu.memory_space<semaphore_mem>>) src(%dma_wait3A_186 : memref<640x128xf32, #tpu.memory_space<vmem_shared>>) dst(%dma_wait3A_184 : memref<640x128xf32, #tpu.memory_space<hbm>>)
      tpu.yield
    }) : () -> ()
    return
  }
}

#map = affine_map<(d0, d1) -> (0, 0)>
#map1 = affine_map<(d0, d1) -> (0, 0, 0, 0)>
#map2 = affine_map<(d0, d1) -> (0, 0, 0)>
module attributes {stable_mosaic.version = 14 : i64} {
  func.func @_sc_segsum(%arg0: i32, %arg1: i32, %arg2: memref<10240x128xf32, #tpu.memory_space<hbm>>, %arg3: memref<32x5x25x80xi32, #tpu.memory_space<hbm>>, %arg4: memref<32x5x25x80xi32, #tpu.memory_space<hbm>>, %arg5: memref<2x10240x128xf32, #tpu.memory_space<hbm>>, %arg6: memref<25x80xi32, #tpu.memory_space<vmem>>, %arg7: memref<25x80xi32, #tpu.memory_space<vmem>>, %arg8: memref<80x128xf32, #tpu.memory_space<vmem>>, %arg9: memref<80x128xf32, #tpu.memory_space<vmem>>, %arg10: memref<80x128xf32, #tpu.memory_space<vmem>>, %arg11: memref<8x128xf32, #tpu.memory_space<vmem>>, %arg12: memref<10240x128xf32, #tpu.memory_space<vmem_shared>>, %arg13: memref<!tpu.dma_semaphore, #tpu.memory_space<semaphore_mem>>, %arg14: memref<!tpu.dma_semaphore, #tpu.memory_space<semaphore_mem>>, %arg15: memref<!tpu.dma_semaphore, #tpu.memory_space<semaphore_mem>>, %arg16: memref<!tpu.dma_semaphore, #tpu.memory_space<semaphore_mem>>, %arg17: memref<!tpu.dma_semaphore, #tpu.memory_space<semaphore_mem>>, %arg18: memref<!tpu.dma_semaphore, #tpu.memory_space<semaphore_mem>>) attributes {dimension_semantics = [#tpu.dimension_semantics<core_parallel>, #tpu.dimension_semantics<subcore_parallel>], iteration_bounds = array<i64: 2, 16>, scalar_prefetch = 0 : i64, scratch_operands = 13 : i64, tpu.core_type = #tpu.core_type<sc_vector_subcore>, window_params = [{transform_indices = #map}, {transform_indices = #map1}, {transform_indices = #map1}, {transform_indices = #map2}]} {
    %mul3A = arith.constant 2 : i32
    %mul3A_0 = arith.muli %arg1, %mul3A : i32
    %add3A = arith.addi %mul3A_0, %arg0 : i32
    %broadcast_in_dim3A = arith.constant 0.000000e+00 : f32
    %broadcast_in_dim3A_1 = vector.broadcast %broadcast_in_dim3A : f32 to vector<16xf32>
    %scan3A = arith.constant 0 : i32
    %scan3A_2 = arith.constant 0 : i32
    %scan3A_3 = arith.constant 64 : i32
    %scan3A_4 = arith.addi %scan3A_2, %scan3A_3 : i32
    %scan3A_5 = arith.constant 1 : i32
    %scan3A_6 = scf.for %scan3A_27 = %scan3A_2 to %scan3A_4 step %scan3A_5 iter_args(%scan3A_28 = %scan3A) -> (i32)  : i32 {
      %jit3A = arith.constant 8 : i32
      %div3A = arith.divsi %scan3A_27, %jit3A : i32
      %sign3A = arith.constant 0 : i32
      %sign3A_29 = arith.cmpi sgt, %scan3A_27, %sign3A : i32
      %sign3A_30 = arith.extui %sign3A_29 : i1 to i32
      %sign3A_31 = arith.constant 0 : i32
      %sign3A_32 = arith.cmpi slt, %scan3A_27, %sign3A_31 : i32
      %sign3A_33 = arith.extui %sign3A_32 : i1 to i32
      %sign3A_34 = arith.subi %sign3A_30, %sign3A_33 : i32
      %sign3A_35 = arith.constant 0 : i32
      %sign3A_36 = arith.cmpi sgt, %jit3A, %sign3A_35 : i32
      %sign3A_37 = arith.extui %sign3A_36 : i1 to i32
      %sign3A_38 = arith.constant 0 : i32
      %sign3A_39 = arith.cmpi slt, %jit3A, %sign3A_38 : i32
      %sign3A_40 = arith.extui %sign3A_39 : i1 to i32
      %sign3A_41 = arith.subi %sign3A_37, %sign3A_40 : i32
      %ne3A = arith.cmpi ne, %sign3A_34, %sign3A_41 : i32
      %rem3A = arith.remsi %scan3A_27, %jit3A : i32
      %ne3A_42 = arith.constant 0 : i32
      %ne3A_43 = arith.cmpi ne, %rem3A, %ne3A_42 : i32
      %and3A = arith.andi %ne3A, %ne3A_43 : i1
      %sub3A = arith.constant 1 : i32
      %sub3A_44 = arith.subi %div3A, %sub3A : i32
      %select_n3A = arith.select %and3A, %sub3A_44, %div3A : i32
      %jit3A_45 = arith.constant 8 : i32
      %eq3A = arith.constant 0 : i32
      %eq3A_46 = arith.cmpi eq, %jit3A_45, %eq3A : i32
      %jit3A_47 = arith.constant 1 : i32
      %select_n3A_48 = arith.select %eq3A_46, %jit3A_47, %jit3A_45 : i32
      %rem3A_49 = arith.remsi %scan3A_27, %select_n3A_48 : i32
      %ne3A_50 = arith.constant 0 : i32
      %ne3A_51 = arith.cmpi ne, %rem3A_49, %ne3A_50 : i32
      %lt3A = arith.constant 0 : i32
      %lt3A_52 = arith.cmpi slt, %rem3A_49, %lt3A : i32
      %lt3A_53 = arith.constant 0 : i32
      %lt3A_54 = arith.cmpi slt, %select_n3A_48, %lt3A_53 : i32
      %ne3A_55 = arith.xori %lt3A_52, %lt3A_54 : i1
      %and3A_56 = arith.andi %ne3A_55, %ne3A_51 : i1
      %add3A_57 = arith.addi %rem3A_49, %select_n3A_48 : i32
      %select_n3A_58 = arith.select %and3A_56, %add3A_57, %rem3A_49 : i32
      %mul3A_59 = arith.constant 16 : i32
      %mul3A_60 = arith.muli %select_n3A_58, %mul3A_59 : i32
      %swap3A = arith.index_cast %select_n3A : i32 to index
      %swap3A_61 = arith.index_cast %mul3A_60 : i32 to index
      %swap3A_62 = tpu.vector_load %arg11[%swap3A, %swap3A_61] {strides = array<i32>} : memref<8x128xf32, #tpu.memory_space<vmem>>, vector<1x16xf32>,
      %swap3A_63 = vector.shape_cast %swap3A_62 : vector<1x16xf32> to vector<16xf32>
      %swap3A_64 = vector.shape_cast %broadcast_in_dim3A_1 : vector<16xf32> to vector<1x16xf32>
      tpu.vector_store %arg11[%swap3A, %swap3A_61], %swap3A_64 {strides = array<i32>} : memref<8x128xf32, #tpu.memory_space<vmem>>, vector<1x16xf32>,
      %scan3A_65 = arith.constant 0 : i32
      scf.yield %scan3A_65 : i32
    }
    %scan3A_7 = arith.constant 64 : i32
    %scan3A_8 = arith.constant 0 : i32
    %scan3A_9 = arith.constant 0 : i32
    %scan3A_10 = arith.constant 80 : i32
    %scan3A_11 = arith.addi %scan3A_9, %scan3A_10 : i32
    %scan3A_12 = arith.constant 1 : i32
    %scan3A_13 = scf.for %scan3A_27 = %scan3A_9 to %scan3A_11 step %scan3A_12 iter_args(%scan3A_28 = %scan3A_8) -> (i32)  : i32 {
      %mul3A_29 = arith.constant 640 : i32
      %mul3A_30 = arith.muli %arg1, %mul3A_29 : i32
      %mul3A_31 = arith.constant 8 : i32
      %mul3A_32 = arith.muli %scan3A_27, %mul3A_31 : i32
      %add3A_33 = arith.addi %mul3A_30, %mul3A_32 : i32
      "tpu.region"() ({
        %run_scoped3A = tpu.sem_alloc : memref<!tpu.dma_semaphore, #tpu.memory_space<semaphore_mem>>
        %dma_start3A = arith.constant 0 : i32
        %dma_start3A_35 = tpu.memref_slice %arg12[%add3A_33, %dma_start3A] : memref<10240x128xf32, #tpu.memory_space<vmem_shared>> -> memref<8x128xf32, #tpu.memory_space<vmem_shared>>
        %dma_start3A_36 = arith.constant 0 : i32
        %dma_start3A_37 = tpu.memref_slice %arg12[%add3A_33, %dma_start3A_36] : memref<10240x128xf32, #tpu.memory_space<vmem_shared>> -> memref<8x128xf32, #tpu.memory_space<vmem_shared>>
        tpu.enqueue_dma source(%arg11 : memref<8x128xf32, #tpu.memory_space<vmem>>) target(%dma_start3A_37 : memref<8x128xf32, #tpu.memory_space<vmem_shared>>) target_semaphore(%run_scoped3A : memref<!tpu.dma_semaphore, #tpu.memory_space<semaphore_mem>>)
        %dma_wait3A = arith.constant 0 : i32
        %dma_wait3A_38 = tpu.memref_slice %arg12[%add3A_33, %dma_wait3A] : memref<10240x128xf32, #tpu.memory_space<vmem_shared>> -> memref<8x128xf32, #tpu.memory_space<vmem_shared>>
        %dma_wait3A_39 = arith.constant 0 : i32
        %dma_wait3A_40 = tpu.memref_slice %arg12[%add3A_33, %dma_wait3A_39] : memref<10240x128xf32, #tpu.memory_space<vmem_shared>> -> memref<8x128xf32, #tpu.memory_space<vmem_shared>>
        tpu.wait_dma2 semaphore(%run_scoped3A : memref<!tpu.dma_semaphore, #tpu.memory_space<semaphore_mem>>) src(%arg11 : memref<8x128xf32, #tpu.memory_space<vmem>>) dst(%dma_wait3A_40 : memref<8x128xf32, #tpu.memory_space<vmem_shared>>)
        tpu.yield
      }) : () -> ()
      %scan3A_34 = arith.constant 0 : i32
      scf.yield %scan3A_34 : i32
    }
    %scan3A_14 = arith.constant 80 : i32
    %barrier3A = arith.constant 0 : index
    tpu.barrier barrier_id(%barrier3A)
    %scan3A_15 = arith.constant 0 : i32
    %scan3A_16 = arith.constant 0 : i32
    %scan3A_17 = arith.constant 5 : i32
    %scan3A_18 = arith.addi %scan3A_16, %scan3A_17 : i32
    %scan3A_19 = arith.constant 1 : i32
    %scan3A_20 = scf.for %scan3A_27 = %scan3A_16 to %scan3A_18 step %scan3A_19 iter_args(%scan3A_28 = %scan3A_15) -> (i32)  : i32 {
      "tpu.region"() ({
        %run_scoped3A = tpu.sem_alloc : memref<!tpu.dma_semaphore, #tpu.memory_space<semaphore_mem>>
        %dma_start3A_56 = arith.constant 0 : i32
        %dma_start3A_57 = arith.constant 0 : i32
        %dma_start3A_58 = tpu.memref_slice %arg3[%add3A, %scan3A_27, %dma_start3A_56, %dma_start3A_57] : memref<32x5x25x80xi32, #tpu.memory_space<hbm>> -> memref<1x1x25x80xi32, #tpu.memory_space<hbm>>
        %dma_start3A_59 = tpu.memref_squeeze %dma_start3A_58 : memref<1x1x25x80xi32, #tpu.memory_space<hbm>> -> memref<25x80xi32, #tpu.memory_space<hbm>>
        %dma_start3A_60 = arith.constant 0 : i32
        %dma_start3A_61 = arith.constant 0 : i32
        %dma_start3A_62 = tpu.memref_slice %arg3[%add3A, %scan3A_27, %dma_start3A_60, %dma_start3A_61] : memref<32x5x25x80xi32, #tpu.memory_space<hbm>> -> memref<1x1x25x80xi32, #tpu.memory_space<hbm>>
        %dma_start3A_63 = tpu.memref_squeeze %dma_start3A_62 : memref<1x1x25x80xi32, #tpu.memory_space<hbm>> -> memref<25x80xi32, #tpu.memory_space<hbm>>
        tpu.enqueue_dma source(%dma_start3A_63 : memref<25x80xi32, #tpu.memory_space<hbm>>) target(%arg6 : memref<25x80xi32, #tpu.memory_space<vmem>>) target_semaphore(%run_scoped3A : memref<!tpu.dma_semaphore, #tpu.memory_space<semaphore_mem>>)
        %dma_wait3A_64 = arith.constant 0 : i32
        %dma_wait3A_65 = arith.constant 0 : i32
        %dma_wait3A_66 = tpu.memref_slice %arg3[%add3A, %scan3A_27, %dma_wait3A_64, %dma_wait3A_65] : memref<32x5x25x80xi32, #tpu.memory_space<hbm>> -> memref<1x1x25x80xi32, #tpu.memory_space<hbm>>
        %dma_wait3A_67 = tpu.memref_squeeze %dma_wait3A_66 : memref<1x1x25x80xi32, #tpu.memory_space<hbm>> -> memref<25x80xi32, #tpu.memory_space<hbm>>
        %dma_wait3A_68 = arith.constant 0 : i32
        %dma_wait3A_69 = arith.constant 0 : i32
        %dma_wait3A_70 = tpu.memref_slice %arg3[%add3A, %scan3A_27, %dma_wait3A_68, %dma_wait3A_69] : memref<32x5x25x80xi32, #tpu.memory_space<hbm>> -> memref<1x1x25x80xi32, #tpu.memory_space<hbm>>
        %dma_wait3A_71 = tpu.memref_squeeze %dma_wait3A_70 : memref<1x1x25x80xi32, #tpu.memory_space<hbm>> -> memref<25x80xi32, #tpu.memory_space<hbm>>
        tpu.wait_dma2 semaphore(%run_scoped3A : memref<!tpu.dma_semaphore, #tpu.memory_space<semaphore_mem>>) src(%dma_wait3A_71 : memref<25x80xi32, #tpu.memory_space<hbm>>) dst(%arg6 : memref<25x80xi32, #tpu.memory_space<vmem>>)
        tpu.yield
      }) : () -> ()
      "tpu.region"() ({
        %run_scoped3A = tpu.sem_alloc : memref<!tpu.dma_semaphore, #tpu.memory_space<semaphore_mem>>
        %dma_start3A_56 = arith.constant 0 : i32
        %dma_start3A_57 = arith.constant 0 : i32
        %dma_start3A_58 = tpu.memref_slice %arg4[%add3A, %scan3A_27, %dma_start3A_56, %dma_start3A_57] : memref<32x5x25x80xi32, #tpu.memory_space<hbm>> -> memref<1x1x25x80xi32, #tpu.memory_space<hbm>>
        %dma_start3A_59 = tpu.memref_squeeze %dma_start3A_58 : memref<1x1x25x80xi32, #tpu.memory_space<hbm>> -> memref<25x80xi32, #tpu.memory_space<hbm>>
        %dma_start3A_60 = arith.constant 0 : i32
        %dma_start3A_61 = arith.constant 0 : i32
        %dma_start3A_62 = tpu.memref_slice %arg4[%add3A, %scan3A_27, %dma_start3A_60, %dma_start3A_61] : memref<32x5x25x80xi32, #tpu.memory_space<hbm>> -> memref<1x1x25x80xi32, #tpu.memory_space<hbm>>
        %dma_start3A_63 = tpu.memref_squeeze %dma_start3A_62 : memref<1x1x25x80xi32, #tpu.memory_space<hbm>> -> memref<25x80xi32, #tpu.memory_space<hbm>>
        tpu.enqueue_dma source(%dma_start3A_63 : memref<25x80xi32, #tpu.memory_space<hbm>>) target(%arg7 : memref<25x80xi32, #tpu.memory_space<vmem>>) target_semaphore(%run_scoped3A : memref<!tpu.dma_semaphore, #tpu.memory_space<semaphore_mem>>)
        %dma_wait3A_64 = arith.constant 0 : i32
        %dma_wait3A_65 = arith.constant 0 : i32
        %dma_wait3A_66 = tpu.memref_slice %arg4[%add3A, %scan3A_27, %dma_wait3A_64, %dma_wait3A_65] : memref<32x5x25x80xi32, #tpu.memory_space<hbm>> -> memref<1x1x25x80xi32, #tpu.memory_space<hbm>>
        %dma_wait3A_67 = tpu.memref_squeeze %dma_wait3A_66 : memref<1x1x25x80xi32, #tpu.memory_space<hbm>> -> memref<25x80xi32, #tpu.memory_space<hbm>>
        %dma_wait3A_68 = arith.constant 0 : i32
        %dma_wait3A_69 = arith.constant 0 : i32
        %dma_wait3A_70 = tpu.memref_slice %arg4[%add3A, %scan3A_27, %dma_wait3A_68, %dma_wait3A_69] : memref<32x5x25x80xi32, #tpu.memory_space<hbm>> -> memref<1x1x25x80xi32, #tpu.memory_space<hbm>>
        %dma_wait3A_71 = tpu.memref_squeeze %dma_wait3A_70 : memref<1x1x25x80xi32, #tpu.memory_space<hbm>> -> memref<25x80xi32, #tpu.memory_space<hbm>>
        tpu.wait_dma2 semaphore(%run_scoped3A : memref<!tpu.dma_semaphore, #tpu.memory_space<semaphore_mem>>) src(%dma_wait3A_71 : memref<25x80xi32, #tpu.memory_space<hbm>>) dst(%arg7 : memref<25x80xi32, #tpu.memory_space<vmem>>)
        tpu.yield
      }) : () -> ()
      %dma_start3A = arith.constant 0 : i32
      %dma_start3A_29 = arith.constant 0 : i32
      %dma_start3A_30 = tpu.memref_slice %arg6[%dma_start3A, %dma_start3A_29] : memref<25x80xi32, #tpu.memory_space<vmem>> -> memref<1x80xi32, #tpu.memory_space<vmem>>
      %dma_start3A_31 = tpu.memref_squeeze %dma_start3A_30 : memref<1x80xi32, #tpu.memory_space<vmem>> -> memref<80xi32, #tpu.memory_space<vmem>>
      %dma_start3A_32 = arith.constant 0 : i32
      %dma_start3A_33 = arith.constant 0 : i32
      %dma_start3A_34 = tpu.memref_slice %arg2[%dma_start3A_32, %dma_start3A_33] : memref<10240x128xf32, #tpu.memory_space<hbm>> -> memref<10240x128xf32, #tpu.memory_space<hbm>>
      tpu.enqueue_indirect_dma source(%dma_start3A_34 : memref<10240x128xf32, #tpu.memory_space<hbm>>) target(%arg8 : memref<80x128xf32, #tpu.memory_space<vmem>>) offsets(%dma_start3A_31 : memref<80xi32, #tpu.memory_space<vmem>>) semaphore(%arg13 : memref<!tpu.dma_semaphore, #tpu.memory_space<semaphore_mem>>)
      %dma_start3A_35 = arith.constant 1 : i32
      %dma_start3A_36 = arith.constant 0 : i32
      %dma_start3A_37 = tpu.memref_slice %arg6[%dma_start3A_35, %dma_start3A_36] : memref<25x80xi32, #tpu.memory_space<vmem>> -> memref<1x80xi32, #tpu.memory_space<vmem>>
      %dma_start3A_38 = tpu.memref_squeeze %dma_start3A_37 : memref<1x80xi32, #tpu.memory_space<vmem>> -> memref<80xi32, #tpu.memory_space<vmem>>
      %dma_start3A_39 = arith.constant 0 : i32
      %dma_start3A_40 = arith.constant 0 : i32
      %dma_start3A_41 = tpu.memref_slice %arg2[%dma_start3A_39, %dma_start3A_40] : memref<10240x128xf32, #tpu.memory_space<hbm>> -> memref<10240x128xf32, #tpu.memory_space<hbm>>
      tpu.enqueue_indirect_dma source(%dma_start3A_41 : memref<10240x128xf32, #tpu.memory_space<hbm>>) target(%arg9 : memref<80x128xf32, #tpu.memory_space<vmem>>) offsets(%dma_start3A_38 : memref<80xi32, #tpu.memory_space<vmem>>) semaphore(%arg14 : memref<!tpu.dma_semaphore, #tpu.memory_space<semaphore_mem>>)
      %scan3A_42 = arith.constant 0 : i32
      %scan3A_43 = arith.constant 0 : i32
      %scan3A_44 = arith.constant 25 : i32
      %scan3A_45 = arith.addi %scan3A_43, %scan3A_44 : i32
      %scan3A_46 = arith.constant 1 : i32
      %scan3A_47 = scf.for %scan3A_56 = %scan3A_43 to %scan3A_45 step %scan3A_46 iter_args(%scan3A_57 = %scan3A_42) -> (i32)  : i32 {
        %jit3A = arith.constant 3 : i32
        %eq3A = arith.constant 0 : i32
        %eq3A_58 = arith.cmpi eq, %jit3A, %eq3A : i32
        %jit3A_59 = arith.constant 1 : i32
        %select_n3A = arith.select %eq3A_58, %jit3A_59, %jit3A : i32
        %rem3A = arith.remsi %scan3A_56, %select_n3A : i32
        %ne3A = arith.constant 0 : i32
        %ne3A_60 = arith.cmpi ne, %rem3A, %ne3A : i32
        %lt3A = arith.constant 0 : i32
        %lt3A_61 = arith.cmpi slt, %rem3A, %lt3A : i32
        %lt3A_62 = arith.constant 0 : i32
        %lt3A_63 = arith.cmpi slt, %select_n3A, %lt3A_62 : i32
        %ne3A_64 = arith.xori %lt3A_61, %lt3A_63 : i1
        %and3A = arith.andi %ne3A_64, %ne3A_60 : i1
        %add3A_65 = arith.addi %rem3A, %select_n3A : i32
        %select_n3A_66 = arith.select %and3A, %add3A_65, %rem3A : i32
        %eq3A_67 = arith.constant 0 : i32
        %eq3A_68 = arith.cmpi eq, %select_n3A_66, %eq3A_67 : i32
        %convert_element_type3A = arith.extui %eq3A_68 : i1 to i32
        %cond3A = arith.constant 0 : i32
        %cond3A_69 = arith.cmpi ne, %convert_element_type3A, %cond3A : i32
        scf.if %cond3A_69 {
          %ge3A = arith.constant 1 : i32
          %ge3A_113 = arith.cmpi sge, %scan3A_56, %ge3A : i32
          %convert_element_type3A_114 = arith.extui %ge3A_113 : i1 to i32
          %cond3A_115 = arith.constant 0 : i32
          %cond3A_116 = arith.cmpi ne, %convert_element_type3A_114, %cond3A_115 : i32
          scf.if %cond3A_116 {
            %sub3A = arith.constant 1 : i32
            %sub3A_136 = arith.subi %scan3A_56, %sub3A : i32
            %dma_wait3A_137 = arith.constant 0 : i32
            %dma_wait3A_138 = tpu.memref_slice %arg7[%sub3A_136, %dma_wait3A_137] : memref<25x80xi32, #tpu.memory_space<vmem>> -> memref<1x80xi32, #tpu.memory_space<vmem>>
            %dma_wait3A_139 = tpu.memref_squeeze %dma_wait3A_138 : memref<1x80xi32, #tpu.memory_space<vmem>> -> memref<80xi32, #tpu.memory_space<vmem>>
            %dma_wait3A_140 = arith.constant 0 : i32
            %dma_wait3A_141 = arith.constant 0 : i32
            %dma_wait3A_142 = tpu.memref_slice %arg12[%dma_wait3A_140, %dma_wait3A_141] : memref<10240x128xf32, #tpu.memory_space<vmem_shared>> -> memref<10240x128xf32, #tpu.memory_space<vmem_shared>>
            tpu.wait_indirect_dma semaphore(%arg18 : memref<!tpu.dma_semaphore, #tpu.memory_space<semaphore_mem>>) src(%arg10 : memref<80x128xf32, #tpu.memory_space<vmem>>) dst(%dma_wait3A_142 : memref<10240x128xf32, #tpu.memory_space<vmem_shared>>)
          } else {
          }
          %add3A_117 = arith.constant 2 : i32
          %add3A_118 = arith.addi %scan3A_56, %add3A_117 : i32
          %lt3A_119 = arith.constant 25 : i32
          %lt3A_120 = arith.cmpi slt, %add3A_118, %lt3A_119 : i32
          %convert_element_type3A_121 = arith.extui %lt3A_120 : i1 to i32
          %cond3A_122 = arith.constant 0 : i32
          %cond3A_123 = arith.cmpi ne, %convert_element_type3A_121, %cond3A_122 : i32
          scf.if %cond3A_123 {
            %add3A_136 = arith.constant 2 : i32
            %add3A_137 = arith.addi %scan3A_56, %add3A_136 : i32
            %dma_start3A_138 = arith.constant 0 : i32
            %dma_start3A_139 = tpu.memref_slice %arg6[%add3A_137, %dma_start3A_138] : memref<25x80xi32, #tpu.memory_space<vmem>> -> memref<1x80xi32, #tpu.memory_space<vmem>>
            %dma_start3A_140 = tpu.memref_squeeze %dma_start3A_139 : memref<1x80xi32, #tpu.memory_space<vmem>> -> memref<80xi32, #tpu.memory_space<vmem>>
            %dma_start3A_141 = arith.constant 0 : i32
            %dma_start3A_142 = arith.constant 0 : i32
            %dma_start3A_143 = tpu.memref_slice %arg2[%dma_start3A_141, %dma_start3A_142] : memref<10240x128xf32, #tpu.memory_space<hbm>> -> memref<10240x128xf32, #tpu.memory_space<hbm>>
            tpu.enqueue_indirect_dma source(%dma_start3A_143 : memref<10240x128xf32, #tpu.memory_space<hbm>>) target(%arg10 : memref<80x128xf32, #tpu.memory_space<vmem>>) offsets(%dma_start3A_140 : memref<80xi32, #tpu.memory_space<vmem>>) semaphore(%arg15 : memref<!tpu.dma_semaphore, #tpu.memory_space<semaphore_mem>>)
          } else {
          }
          %dma_wait3A_124 = arith.constant 0 : i32
          %dma_wait3A_125 = tpu.memref_slice %arg6[%scan3A_56, %dma_wait3A_124] : memref<25x80xi32, #tpu.memory_space<vmem>> -> memref<1x80xi32, #tpu.memory_space<vmem>>
          %dma_wait3A_126 = tpu.memref_squeeze %dma_wait3A_125 : memref<1x80xi32, #tpu.memory_space<vmem>> -> memref<80xi32, #tpu.memory_space<vmem>>
          %dma_wait3A_127 = arith.constant 0 : i32
          %dma_wait3A_128 = arith.constant 0 : i32
          %dma_wait3A_129 = tpu.memref_slice %arg2[%dma_wait3A_127, %dma_wait3A_128] : memref<10240x128xf32, #tpu.memory_space<hbm>> -> memref<10240x128xf32, #tpu.memory_space<hbm>>
          tpu.wait_indirect_dma semaphore(%arg13 : memref<!tpu.dma_semaphore, #tpu.memory_space<semaphore_mem>>) src(%dma_wait3A_129 : memref<10240x128xf32, #tpu.memory_space<hbm>>) dst(%arg8 : memref<80x128xf32, #tpu.memory_space<vmem>>)
          %dma_start3A_130 = arith.constant 0 : i32
          %dma_start3A_131 = tpu.memref_slice %arg7[%scan3A_56, %dma_start3A_130] : memref<25x80xi32, #tpu.memory_space<vmem>> -> memref<1x80xi32, #tpu.memory_space<vmem>>
          %dma_start3A_132 = tpu.memref_squeeze %dma_start3A_131 : memref<1x80xi32, #tpu.memory_space<vmem>> -> memref<80xi32, #tpu.memory_space<vmem>>
          %dma_start3A_133 = arith.constant 0 : i32
          %dma_start3A_134 = arith.constant 0 : i32
          %dma_start3A_135 = tpu.memref_slice %arg12[%dma_start3A_133, %dma_start3A_134] : memref<10240x128xf32, #tpu.memory_space<vmem_shared>> -> memref<10240x128xf32, #tpu.memory_space<vmem_shared>>
          tpu.enqueue_indirect_dma source(%arg8 : memref<80x128xf32, #tpu.memory_space<vmem>>) target(%dma_start3A_135 : memref<10240x128xf32, #tpu.memory_space<vmem_shared>>) offsets(%dma_start3A_132 : memref<80xi32, #tpu.memory_space<vmem>>) semaphore(%arg16 : memref<!tpu.dma_semaphore, #tpu.memory_space<semaphore_mem>>) {add = true}
        } else {
        }
        %jit3A_70 = arith.constant 3 : i32
        %eq3A_71 = arith.constant 0 : i32
        %eq3A_72 = arith.cmpi eq, %jit3A_70, %eq3A_71 : i32
        %jit3A_73 = arith.constant 1 : i32
        %select_n3A_74 = arith.select %eq3A_72, %jit3A_73, %jit3A_70 : i32
        %rem3A_75 = arith.remsi %scan3A_56, %select_n3A_74 : i32
        %ne3A_76 = arith.constant 0 : i32
        %ne3A_77 = arith.cmpi ne, %rem3A_75, %ne3A_76 : i32
        %lt3A_78 = arith.constant 0 : i32
        %lt3A_79 = arith.cmpi slt, %rem3A_75, %lt3A_78 : i32
        %lt3A_80 = arith.constant 0 : i32
        %lt3A_81 = arith.cmpi slt, %select_n3A_74, %lt3A_80 : i32
        %ne3A_82 = arith.xori %lt3A_79, %lt3A_81 : i1
        %and3A_83 = arith.andi %ne3A_82, %ne3A_77 : i1
        %add3A_84 = arith.addi %rem3A_75, %select_n3A_74 : i32
        %select_n3A_85 = arith.select %and3A_83, %add3A_84, %rem3A_75 : i32
        %eq3A_86 = arith.constant 1 : i32
        %eq3A_87 = arith.cmpi eq, %select_n3A_85, %eq3A_86 : i32
        %convert_element_type3A_88 = arith.extui %eq3A_87 : i1 to i32
        %cond3A_89 = arith.constant 0 : i32
        %cond3A_90 = arith.cmpi ne, %convert_element_type3A_88, %cond3A_89 : i32
        scf.if %cond3A_90 {
          %ge3A = arith.constant 1 : i32
          %ge3A_113 = arith.cmpi sge, %scan3A_56, %ge3A : i32
          %convert_element_type3A_114 = arith.extui %ge3A_113 : i1 to i32
          %cond3A_115 = arith.constant 0 : i32
          %cond3A_116 = arith.cmpi ne, %convert_element_type3A_114, %cond3A_115 : i32
          scf.if %cond3A_116 {
            %sub3A = arith.constant 1 : i32
            %sub3A_136 = arith.subi %scan3A_56, %sub3A : i32
            %dma_wait3A_137 = arith.constant 0 : i32
            %dma_wait3A_138 = tpu.memref_slice %arg7[%sub3A_136, %dma_wait3A_137] : memref<25x80xi32, #tpu.memory_space<vmem>> -> memref<1x80xi32, #tpu.memory_space<vmem>>
            %dma_wait3A_139 = tpu.memref_squeeze %dma_wait3A_138 : memref<1x80xi32, #tpu.memory_space<vmem>> -> memref<80xi32, #tpu.memory_space<vmem>>
            %dma_wait3A_140 = arith.constant 0 : i32
            %dma_wait3A_141 = arith.constant 0 : i32
            %dma_wait3A_142 = tpu.memref_slice %arg12[%dma_wait3A_140, %dma_wait3A_141] : memref<10240x128xf32, #tpu.memory_space<vmem_shared>> -> memref<10240x128xf32, #tpu.memory_space<vmem_shared>>
            tpu.wait_indirect_dma semaphore(%arg16 : memref<!tpu.dma_semaphore, #tpu.memory_space<semaphore_mem>>) src(%arg8 : memref<80x128xf32, #tpu.memory_space<vmem>>) dst(%dma_wait3A_142 : memref<10240x128xf32, #tpu.memory_space<vmem_shared>>)
          } else {
          }
          %add3A_117 = arith.constant 2 : i32
          %add3A_118 = arith.addi %scan3A_56, %add3A_117 : i32
          %lt3A_119 = arith.constant 25 : i32
          %lt3A_120 = arith.cmpi slt, %add3A_118, %lt3A_119 : i32
          %convert_element_type3A_121 = arith.extui %lt3A_120 : i1 to i32
          %cond3A_122 = arith.constant 0 : i32
          %cond3A_123 = arith.cmpi ne, %convert_element_type3A_121, %cond3A_122 : i32
          scf.if %cond3A_123 {
            %add3A_136 = arith.constant 2 : i32
            %add3A_137 = arith.addi %scan3A_56, %add3A_136 : i32
            %dma_start3A_138 = arith.constant 0 : i32
            %dma_start3A_139 = tpu.memref_slice %arg6[%add3A_137, %dma_start3A_138] : memref<25x80xi32, #tpu.memory_space<vmem>> -> memref<1x80xi32, #tpu.memory_space<vmem>>
            %dma_start3A_140 = tpu.memref_squeeze %dma_start3A_139 : memref<1x80xi32, #tpu.memory_space<vmem>> -> memref<80xi32, #tpu.memory_space<vmem>>
            %dma_start3A_141 = arith.constant 0 : i32
            %dma_start3A_142 = arith.constant 0 : i32
            %dma_start3A_143 = tpu.memref_slice %arg2[%dma_start3A_141, %dma_start3A_142] : memref<10240x128xf32, #tpu.memory_space<hbm>> -> memref<10240x128xf32, #tpu.memory_space<hbm>>
            tpu.enqueue_indirect_dma source(%dma_start3A_143 : memref<10240x128xf32, #tpu.memory_space<hbm>>) target(%arg8 : memref<80x128xf32, #tpu.memory_space<vmem>>) offsets(%dma_start3A_140 : memref<80xi32, #tpu.memory_space<vmem>>) semaphore(%arg13 : memref<!tpu.dma_semaphore, #tpu.memory_space<semaphore_mem>>)
          } else {
          }
          %dma_wait3A_124 = arith.constant 0 : i32
          %dma_wait3A_125 = tpu.memref_slice %arg6[%scan3A_56, %dma_wait3A_124] : memref<25x80xi32, #tpu.memory_space<vmem>> -> memref<1x80xi32, #tpu.memory_space<vmem>>
          %dma_wait3A_126 = tpu.memref_squeeze %dma_wait3A_125 : memref<1x80xi32, #tpu.memory_space<vmem>> -> memref<80xi32, #tpu.memory_space<vmem>>
          %dma_wait3A_127 = arith.constant 0 : i32
          %dma_wait3A_128 = arith.constant 0 : i32
          %dma_wait3A_129 = tpu.memref_slice %arg2[%dma_wait3A_127, %dma_wait3A_128] : memref<10240x128xf32, #tpu.memory_space<hbm>> -> memref<10240x128xf32, #tpu.memory_space<hbm>>
          tpu.wait_indirect_dma semaphore(%arg14 : memref<!tpu.dma_semaphore, #tpu.memory_space<semaphore_mem>>) src(%dma_wait3A_129 : memref<10240x128xf32, #tpu.memory_space<hbm>>) dst(%arg9 : memref<80x128xf32, #tpu.memory_space<vmem>>)
          %dma_start3A_130 = arith.constant 0 : i32
          %dma_start3A_131 = tpu.memref_slice %arg7[%scan3A_56, %dma_start3A_130] : memref<25x80xi32, #tpu.memory_space<vmem>> -> memref<1x80xi32, #tpu.memory_space<vmem>>
          %dma_start3A_132 = tpu.memref_squeeze %dma_start3A_131 : memref<1x80xi32, #tpu.memory_space<vmem>> -> memref<80xi32, #tpu.memory_space<vmem>>
          %dma_start3A_133 = arith.constant 0 : i32
          %dma_start3A_134 = arith.constant 0 : i32
          %dma_start3A_135 = tpu.memref_slice %arg12[%dma_start3A_133, %dma_start3A_134] : memref<10240x128xf32, #tpu.memory_space<vmem_shared>> -> memref<10240x128xf32, #tpu.memory_space<vmem_shared>>
          tpu.enqueue_indirect_dma source(%arg9 : memref<80x128xf32, #tpu.memory_space<vmem>>) target(%dma_start3A_135 : memref<10240x128xf32, #tpu.memory_space<vmem_shared>>) offsets(%dma_start3A_132 : memref<80xi32, #tpu.memory_space<vmem>>) semaphore(%arg17 : memref<!tpu.dma_semaphore, #tpu.memory_space<semaphore_mem>>) {add = true}
        } else {
        }
        %jit3A_91 = arith.constant 3 : i32
        %eq3A_92 = arith.constant 0 : i32
        %eq3A_93 = arith.cmpi eq, %jit3A_91, %eq3A_92 : i32
        %jit3A_94 = arith.constant 1 : i32
        %select_n3A_95 = arith.select %eq3A_93, %jit3A_94, %jit3A_91 : i32
        %rem3A_96 = arith.remsi %scan3A_56, %select_n3A_95 : i32
        %ne3A_97 = arith.constant 0 : i32
        %ne3A_98 = arith.cmpi ne, %rem3A_96, %ne3A_97 : i32
        %lt3A_99 = arith.constant 0 : i32
        %lt3A_100 = arith.cmpi slt, %rem3A_96, %lt3A_99 : i32
        %lt3A_101 = arith.constant 0 : i32
        %lt3A_102 = arith.cmpi slt, %select_n3A_95, %lt3A_101 : i32
        %ne3A_103 = arith.xori %lt3A_100, %lt3A_102 : i1
        %and3A_104 = arith.andi %ne3A_103, %ne3A_98 : i1
        %add3A_105 = arith.addi %rem3A_96, %select_n3A_95 : i32
        %select_n3A_106 = arith.select %and3A_104, %add3A_105, %rem3A_96 : i32
        %eq3A_107 = arith.constant 2 : i32
        %eq3A_108 = arith.cmpi eq, %select_n3A_106, %eq3A_107 : i32
        %convert_element_type3A_109 = arith.extui %eq3A_108 : i1 to i32
        %cond3A_110 = arith.constant 0 : i32
        %cond3A_111 = arith.cmpi ne, %convert_element_type3A_109, %cond3A_110 : i32
        scf.if %cond3A_111 {
          %ge3A = arith.constant 1 : i32
          %ge3A_113 = arith.cmpi sge, %scan3A_56, %ge3A : i32
          %convert_element_type3A_114 = arith.extui %ge3A_113 : i1 to i32
          %cond3A_115 = arith.constant 0 : i32
          %cond3A_116 = arith.cmpi ne, %convert_element_type3A_114, %cond3A_115 : i32
          scf.if %cond3A_116 {
            %sub3A = arith.constant 1 : i32
            %sub3A_136 = arith.subi %scan3A_56, %sub3A : i32
            %dma_wait3A_137 = arith.constant 0 : i32
            %dma_wait3A_138 = tpu.memref_slice %arg7[%sub3A_136, %dma_wait3A_137] : memref<25x80xi32, #tpu.memory_space<vmem>> -> memref<1x80xi32, #tpu.memory_space<vmem>>
            %dma_wait3A_139 = tpu.memref_squeeze %dma_wait3A_138 : memref<1x80xi32, #tpu.memory_space<vmem>> -> memref<80xi32, #tpu.memory_space<vmem>>
            %dma_wait3A_140 = arith.constant 0 : i32
            %dma_wait3A_141 = arith.constant 0 : i32
            %dma_wait3A_142 = tpu.memref_slice %arg12[%dma_wait3A_140, %dma_wait3A_141] : memref<10240x128xf32, #tpu.memory_space<vmem_shared>> -> memref<10240x128xf32, #tpu.memory_space<vmem_shared>>
            tpu.wait_indirect_dma semaphore(%arg17 : memref<!tpu.dma_semaphore, #tpu.memory_space<semaphore_mem>>) src(%arg9 : memref<80x128xf32, #tpu.memory_space<vmem>>) dst(%dma_wait3A_142 : memref<10240x128xf32, #tpu.memory_space<vmem_shared>>)
          } else {
          }
          %add3A_117 = arith.constant 2 : i32
          %add3A_118 = arith.addi %scan3A_56, %add3A_117 : i32
          %lt3A_119 = arith.constant 25 : i32
          %lt3A_120 = arith.cmpi slt, %add3A_118, %lt3A_119 : i32
          %convert_element_type3A_121 = arith.extui %lt3A_120 : i1 to i32
          %cond3A_122 = arith.constant 0 : i32
          %cond3A_123 = arith.cmpi ne, %convert_element_type3A_121, %cond3A_122 : i32
          scf.if %cond3A_123 {
            %add3A_136 = arith.constant 2 : i32
            %add3A_137 = arith.addi %scan3A_56, %add3A_136 : i32
            %dma_start3A_138 = arith.constant 0 : i32
            %dma_start3A_139 = tpu.memref_slice %arg6[%add3A_137, %dma_start3A_138] : memref<25x80xi32, #tpu.memory_space<vmem>> -> memref<1x80xi32, #tpu.memory_space<vmem>>
            %dma_start3A_140 = tpu.memref_squeeze %dma_start3A_139 : memref<1x80xi32, #tpu.memory_space<vmem>> -> memref<80xi32, #tpu.memory_space<vmem>>
            %dma_start3A_141 = arith.constant 0 : i32
            %dma_start3A_142 = arith.constant 0 : i32
            %dma_start3A_143 = tpu.memref_slice %arg2[%dma_start3A_141, %dma_start3A_142] : memref<10240x128xf32, #tpu.memory_space<hbm>> -> memref<10240x128xf32, #tpu.memory_space<hbm>>
            tpu.enqueue_indirect_dma source(%dma_start3A_143 : memref<10240x128xf32, #tpu.memory_space<hbm>>) target(%arg9 : memref<80x128xf32, #tpu.memory_space<vmem>>) offsets(%dma_start3A_140 : memref<80xi32, #tpu.memory_space<vmem>>) semaphore(%arg14 : memref<!tpu.dma_semaphore, #tpu.memory_space<semaphore_mem>>)
          } else {
          }
          %dma_wait3A_124 = arith.constant 0 : i32
          %dma_wait3A_125 = tpu.memref_slice %arg6[%scan3A_56, %dma_wait3A_124] : memref<25x80xi32, #tpu.memory_space<vmem>> -> memref<1x80xi32, #tpu.memory_space<vmem>>
          %dma_wait3A_126 = tpu.memref_squeeze %dma_wait3A_125 : memref<1x80xi32, #tpu.memory_space<vmem>> -> memref<80xi32, #tpu.memory_space<vmem>>
          %dma_wait3A_127 = arith.constant 0 : i32
          %dma_wait3A_128 = arith.constant 0 : i32
          %dma_wait3A_129 = tpu.memref_slice %arg2[%dma_wait3A_127, %dma_wait3A_128] : memref<10240x128xf32, #tpu.memory_space<hbm>> -> memref<10240x128xf32, #tpu.memory_space<hbm>>
          tpu.wait_indirect_dma semaphore(%arg15 : memref<!tpu.dma_semaphore, #tpu.memory_space<semaphore_mem>>) src(%dma_wait3A_129 : memref<10240x128xf32, #tpu.memory_space<hbm>>) dst(%arg10 : memref<80x128xf32, #tpu.memory_space<vmem>>)
          %dma_start3A_130 = arith.constant 0 : i32
          %dma_start3A_131 = tpu.memref_slice %arg7[%scan3A_56, %dma_start3A_130] : memref<25x80xi32, #tpu.memory_space<vmem>> -> memref<1x80xi32, #tpu.memory_space<vmem>>
          %dma_start3A_132 = tpu.memref_squeeze %dma_start3A_131 : memref<1x80xi32, #tpu.memory_space<vmem>> -> memref<80xi32, #tpu.memory_space<vmem>>
          %dma_start3A_133 = arith.constant 0 : i32
          %dma_start3A_134 = arith.constant 0 : i32
          %dma_start3A_135 = tpu.memref_slice %arg12[%dma_start3A_133, %dma_start3A_134] : memref<10240x128xf32, #tpu.memory_space<vmem_shared>> -> memref<10240x128xf32, #tpu.memory_space<vmem_shared>>
          tpu.enqueue_indirect_dma source(%arg10 : memref<80x128xf32, #tpu.memory_space<vmem>>) target(%dma_start3A_135 : memref<10240x128xf32, #tpu.memory_space<vmem_shared>>) offsets(%dma_start3A_132 : memref<80xi32, #tpu.memory_space<vmem>>) semaphore(%arg18 : memref<!tpu.dma_semaphore, #tpu.memory_space<semaphore_mem>>) {add = true}
        } else {
        }
        %scan3A_112 = arith.constant 0 : i32
        scf.yield %scan3A_112 : i32
      }
      %scan3A_48 = arith.constant 25 : i32
      %dma_wait3A = arith.constant 24 : i32
      %dma_wait3A_49 = arith.constant 0 : i32
      %dma_wait3A_50 = tpu.memref_slice %arg7[%dma_wait3A, %dma_wait3A_49] : memref<25x80xi32, #tpu.memory_space<vmem>> -> memref<1x80xi32, #tpu.memory_space<vmem>>
      %dma_wait3A_51 = tpu.memref_squeeze %dma_wait3A_50 : memref<1x80xi32, #tpu.memory_space<vmem>> -> memref<80xi32, #tpu.memory_space<vmem>>
      %dma_wait3A_52 = arith.constant 0 : i32
      %dma_wait3A_53 = arith.constant 0 : i32
      %dma_wait3A_54 = tpu.memref_slice %arg12[%dma_wait3A_52, %dma_wait3A_53] : memref<10240x128xf32, #tpu.memory_space<vmem_shared>> -> memref<10240x128xf32, #tpu.memory_space<vmem_shared>>
      tpu.wait_indirect_dma semaphore(%arg16 : memref<!tpu.dma_semaphore, #tpu.memory_space<semaphore_mem>>) src(%arg8 : memref<80x128xf32, #tpu.memory_space<vmem>>) dst(%dma_wait3A_54 : memref<10240x128xf32, #tpu.memory_space<vmem_shared>>)
      %scan3A_55 = arith.constant 0 : i32
      scf.yield %scan3A_55 : i32
    }
    %scan3A_21 = arith.constant 5 : i32
    %barrier3A_22 = arith.constant 0 : index
    tpu.barrier barrier_id(%barrier3A_22)
    %mul3A_23 = arith.constant 640 : i32
    %mul3A_24 = arith.muli %arg1, %mul3A_23 : i32
    %mul3A_25 = arith.constant 640 : i32
    %mul3A_26 = arith.muli %arg1, %mul3A_25 : i32
    "tpu.region"() ({
      %run_scoped3A = tpu.sem_alloc : memref<!tpu.dma_semaphore, #tpu.memory_space<semaphore_mem>>
      %dma_start3A = arith.constant 0 : i32
      %dma_start3A_27 = tpu.memref_slice %arg5[%arg0, %mul3A_26, %dma_start3A] : memref<2x10240x128xf32, #tpu.memory_space<hbm>> -> memref<1x640x128xf32, #tpu.memory_space<hbm>>
      %dma_start3A_28 = tpu.memref_squeeze %dma_start3A_27 : memref<1x640x128xf32, #tpu.memory_space<hbm>> -> memref<640x128xf32, #tpu.memory_space<hbm>>
      %dma_start3A_29 = arith.constant 0 : i32
      %dma_start3A_30 = tpu.memref_slice %arg12[%mul3A_24, %dma_start3A_29] : memref<10240x128xf32, #tpu.memory_space<vmem_shared>> -> memref<640x128xf32, #tpu.memory_space<vmem_shared>>
      tpu.enqueue_dma source(%dma_start3A_30 : memref<640x128xf32, #tpu.memory_space<vmem_shared>>) target(%dma_start3A_28 : memref<640x128xf32, #tpu.memory_space<hbm>>) target_semaphore(%run_scoped3A : memref<!tpu.dma_semaphore, #tpu.memory_space<semaphore_mem>>)
      %dma_wait3A = arith.constant 0 : i32
      %dma_wait3A_31 = tpu.memref_slice %arg5[%arg0, %mul3A_26, %dma_wait3A] : memref<2x10240x128xf32, #tpu.memory_space<hbm>> -> memref<1x640x128xf32, #tpu.memory_space<hbm>>
      %dma_wait3A_32 = tpu.memref_squeeze %dma_wait3A_31 : memref<1x640x128xf32, #tpu.memory_space<hbm>> -> memref<640x128xf32, #tpu.memory_space<hbm>>
      %dma_wait3A_33 = arith.constant 0 : i32
      %dma_wait3A_34 = tpu.memref_slice %arg12[%mul3A_24, %dma_wait3A_33] : memref<10240x128xf32, #tpu.memory_space<vmem_shared>> -> memref<640x128xf32, #tpu.memory_space<vmem_shared>>
      tpu.wait_dma2 semaphore(%run_scoped3A : memref<!tpu.dma_semaphore, #tpu.memory_space<semaphore_mem>>) src(%dma_wait3A_34 : memref<640x128xf32, #tpu.memory_space<vmem_shared>>) dst(%dma_wait3A_32 : memref<640x128xf32, #tpu.memory_space<hbm>>)
      tpu.yield
    }) : () -> ()
    return
  }
}

module attributes {stable_mosaic.version = 14 : i64} {
  func.func @_tc_r_body(%arg0: i32, %arg1: memref<2048x128xf32, #tpu.memory_space<vmem>>, %arg2: memref<128x128xf32, #tpu.memory_space<vmem>>, %arg3: memref<1x128xf32, #tpu.memory_space<vmem>>, %arg4: memref<2048x128xf32, #tpu.memory_space<vmem>>) attributes {dimension_semantics = [#tpu.dimension_semantics<arbitrary>], iteration_bounds = array<i64: 5>, scalar_prefetch = 0 : i64, scratch_operands = 0 : i64, tpu.core_type = #tpu.core_type<tc>, window_params = [{transform_indices = @transform_0, window_bounds = array<i64: 2048, 128>}, {pipeline_mode = #tpu.pipeline_mode<synchronous>, transform_indices = @transform_1, window_bounds = array<i64: 128, 128>}, {pipeline_mode = #tpu.pipeline_mode<synchronous>, transform_indices = @transform_2, window_bounds = array<i64: 1, 128>}, {transform_indices = @transform_3, window_bounds = array<i64: 2048, 128>}]} {
    %get3A = arith.constant 0 : index
    %get3A_0 = arith.constant 0 : index
    %get3A_1 = vector.load %arg1[%get3A, %get3A_0] : memref<2048x128xf32, #tpu.memory_space<vmem>>, vector<2048x128xf32>
    %get3A_2 = arith.constant 0 : index
    %get3A_3 = arith.constant 0 : index
    %get3A_4 = vector.load %arg2[%get3A_2, %get3A_3] : memref<128x128xf32, #tpu.memory_space<vmem>>, vector<128x128xf32>
    %dot_general3A = arith.constant dense<0.000000e+00> : vector<2048x128xf32>
    %dot_general3A_5 = tpu.matmul %get3A_1, %get3A_4, %dot_general3A {dimension_numbers = #tpu.dot_dimension_numbers<[1], [1], [0], [0], [0, 0, 1, 0], [], []>, transpose_lhs_hint = false} : vector<2048x128xf32>, vector<128x128xf32>, vector<2048x128xf32> -> vector<2048x128xf32>
    %get3A_6 = arith.constant 0 : index
    %get3A_7 = arith.constant 0 : index
    %get3A_8 = vector.load %arg3[%get3A_6, %get3A_7] : memref<1x128xf32, #tpu.memory_space<vmem>>, vector<1x128xf32>
    %add3A = vector.broadcast %get3A_8 : vector<1x128xf32> to vector<2048x128xf32>
    %add3A_9 = arith.addf %dot_general3A_5, %add3A : vector<2048x128xf32>
    %swap3A = arith.constant 0 : index
    %swap3A_10 = arith.constant 0 : index
    %swap3A_11 = vector.load %arg4[%swap3A, %swap3A_10] : memref<2048x128xf32, #tpu.memory_space<vmem>>, vector<2048x128xf32>
    tpu.vector_store %arg4[%swap3A, %swap3A_10], %add3A_9 {strides = array<i32>} : memref<2048x128xf32, #tpu.memory_space<vmem>>, vector<2048x128xf32>,
    return
  }
  func.func @transform_0(%arg0: i32) -> (i32, i32) {
    %c0_i32 = arith.constant 0 : i32
    %c0_i32_0 = arith.constant 0 : i32
    return %arg0, %c0_i32 : i32, i32
  }
  func.func @transform_1(%arg0: i32) -> (i32, i32) {
    %c0_i32 = arith.constant 0 : i32
    %c0_i32_0 = arith.constant 0 : i32
    %c0_i32_1 = arith.constant 0 : i32
    return %c0_i32, %c0_i32_0 : i32, i32
  }
  func.func @transform_2(%arg0: i32) -> (i32, i32) {
    %c0_i32 = arith.constant 0 : i32
    %c0_i32_0 = arith.constant 0 : i32
    %c0_i32_1 = arith.constant 0 : i32
    return %c0_i32, %c0_i32_0 : i32, i32
  }
  func.func @transform_3(%arg0: i32) -> (i32, i32) {
    %c0_i32 = arith.constant 0 : i32
    %c0_i32_0 = arith.constant 0 : i32
    return %arg0, %c0_i32 : i32, i32
  }
}

module attributes {stable_mosaic.version = 14 : i64} {
  func.func @_tc_invd_body(%arg0: i32, %arg1: memref<2x2048x128xf32, #tpu.memory_space<vmem>>, %arg2: memref<2048x1xf32, #tpu.memory_space<vmem>>) attributes {dimension_semantics = [#tpu.dimension_semantics<arbitrary>], iteration_bounds = array<i64: 5>, scalar_prefetch = 0 : i64, scratch_operands = 0 : i64, tpu.core_type = #tpu.core_type<tc>, window_params = [{transform_indices = @transform_0, window_bounds = array<i64: 2, 2048, 128>}, {transform_indices = @transform_1, window_bounds = array<i64: 2048, 1>}]} {
    %get3A = arith.constant 0 : index
    %get3A_0 = arith.constant 0 : index
    %get3A_1 = arith.constant 0 : index
    %get3A_2 = vector.load %arg1[%get3A, %get3A_0, %get3A_1] : memref<2x2048x128xf32, #tpu.memory_space<vmem>>, vector<1x2048x1xf32>
    %get3A_3 = vector.shape_cast %get3A_2 : vector<1x2048x1xf32> to vector<2048x1xf32>
    %get3A_4 = arith.constant 1 : index
    %get3A_5 = arith.constant 0 : index
    %get3A_6 = arith.constant 0 : index
    %get3A_7 = vector.load %arg1[%get3A_4, %get3A_5, %get3A_6] : memref<2x2048x128xf32, #tpu.memory_space<vmem>>, vector<1x2048x1xf32>
    %get3A_8 = vector.shape_cast %get3A_7 : vector<1x2048x1xf32> to vector<2048x1xf32>
    %add3A = arith.addf %get3A_3, %get3A_8 : vector<2048x1xf32>
    %max3A = arith.constant 1.000000e+00 : f32
    %max3A_9 = vector.broadcast %max3A : f32 to vector<2048x1xf32>
    %max3A_10 = arith.maximumf %add3A, %max3A_9 : vector<2048x1xf32>
    %div3A = arith.constant 1.000000e+00 : f32
    %div3A_11 = vector.broadcast %div3A : f32 to vector<2048x1xf32>
    %div3A_12 = arith.divf %div3A_11, %max3A_10 : vector<2048x1xf32>
    %swap3A = arith.constant 0 : index
    %swap3A_13 = arith.constant 0 : index
    %swap3A_14 = vector.load %arg2[%swap3A, %swap3A_13] : memref<2048x1xf32, #tpu.memory_space<vmem>>, vector<2048x1xf32>
    tpu.vector_store %arg2[%swap3A, %swap3A_13], %div3A_12 {strides = array<i32>} : memref<2048x1xf32, #tpu.memory_space<vmem>>, vector<2048x1xf32>,
    return
  }
  func.func @transform_0(%arg0: i32) -> (i32, i32, i32) {
    %c0_i32 = arith.constant 0 : i32
    %c0_i32_0 = arith.constant 0 : i32
    %c0_i32_1 = arith.constant 0 : i32
    return %c0_i32, %arg0, %c0_i32_0 : i32, i32, i32
  }
  func.func @transform_1(%arg0: i32) -> (i32, i32) {
    %c0_i32 = arith.constant 0 : i32
    %c0_i32_0 = arith.constant 0 : i32
    return %arg0, %c0_i32 : i32, i32
  }
}

module attributes {stable_mosaic.version = 14 : i64} {
  func.func @_tc_combine_body(%arg0: i32, %arg1: memref<2x2048x128xf32, #tpu.memory_space<vmem>>, %arg2: memref<2048x1xf32, #tpu.memory_space<vmem>>, %arg3: memref<2048x128xf32, #tpu.memory_space<vmem>>, %arg4: memref<128x128xf32, #tpu.memory_space<vmem>>, %arg5: memref<2048x128xf32, #tpu.memory_space<vmem>>) attributes {dimension_semantics = [#tpu.dimension_semantics<arbitrary>], iteration_bounds = array<i64: 5>, scalar_prefetch = 0 : i64, scratch_operands = 0 : i64, tpu.core_type = #tpu.core_type<tc>, window_params = [{transform_indices = @transform_0, window_bounds = array<i64: 2, 2048, 128>}, {transform_indices = @transform_1, window_bounds = array<i64: 2048, 1>}, {transform_indices = @transform_2, window_bounds = array<i64: 2048, 128>}, {pipeline_mode = #tpu.pipeline_mode<synchronous>, transform_indices = @transform_3, window_bounds = array<i64: 128, 128>}, {transform_indices = @transform_4, window_bounds = array<i64: 2048, 128>}]} {
    %get3A = arith.constant 0 : index
    %get3A_0 = arith.constant 0 : index
    %get3A_1 = arith.constant 0 : index
    %get3A_2 = vector.load %arg1[%get3A, %get3A_0, %get3A_1] : memref<2x2048x128xf32, #tpu.memory_space<vmem>>, vector<1x2048x128xf32>
    %get3A_3 = vector.shape_cast %get3A_2 : vector<1x2048x128xf32> to vector<2048x128xf32>
    %get3A_4 = arith.constant 1 : index
    %get3A_5 = arith.constant 0 : index
    %get3A_6 = arith.constant 0 : index
    %get3A_7 = vector.load %arg1[%get3A_4, %get3A_5, %get3A_6] : memref<2x2048x128xf32, #tpu.memory_space<vmem>>, vector<1x2048x128xf32>
    %get3A_8 = vector.shape_cast %get3A_7 : vector<1x2048x128xf32> to vector<2048x128xf32>
    %add3A = arith.addf %get3A_3, %get3A_8 : vector<2048x128xf32>
    %get3A_9 = arith.constant 0 : index
    %get3A_10 = arith.constant 0 : index
    %get3A_11 = vector.load %arg2[%get3A_9, %get3A_10] : memref<2048x1xf32, #tpu.memory_space<vmem>>, vector<2048x1xf32>
    %mul3A = vector.broadcast %get3A_11 : vector<2048x1xf32> to vector<2048x128xf32>
    %mul3A_12 = arith.mulf %add3A, %mul3A : vector<2048x128xf32>
    %get3A_13 = arith.constant 0 : index
    %get3A_14 = arith.constant 0 : index
    %get3A_15 = vector.load %arg4[%get3A_13, %get3A_14] : memref<128x128xf32, #tpu.memory_space<vmem>>, vector<128x128xf32>
    %dot_general3A = arith.constant dense<0.000000e+00> : vector<2048x128xf32>
    %dot_general3A_16 = tpu.matmul %mul3A_12, %get3A_15, %dot_general3A {dimension_numbers = #tpu.dot_dimension_numbers<[1], [1], [0], [0], [0, 0, 1, 0], [], []>, transpose_lhs_hint = false} : vector<2048x128xf32>, vector<128x128xf32>, vector<2048x128xf32> -> vector<2048x128xf32>
    %get3A_17 = arith.constant 0 : index
    %get3A_18 = arith.constant 0 : index
    %get3A_19 = vector.load %arg3[%get3A_17, %get3A_18] : memref<2048x128xf32, #tpu.memory_space<vmem>>, vector<2048x128xf32>
    %add3A_20 = arith.addf %dot_general3A_16, %get3A_19 : vector<2048x128xf32>
    %max3A = arith.constant 0.000000e+00 : f32
    %max3A_21 = vector.broadcast %max3A : f32 to vector<2048x128xf32>
    %max3A_22 = arith.maximumf %add3A_20, %max3A_21 : vector<2048x128xf32>
    %swap3A = arith.constant 0 : index
    %swap3A_23 = arith.constant 0 : index
    %swap3A_24 = vector.load %arg5[%swap3A, %swap3A_23] : memref<2048x128xf32, #tpu.memory_space<vmem>>, vector<2048x128xf32>
    tpu.vector_store %arg5[%swap3A, %swap3A_23], %max3A_22 {strides = array<i32>} : memref<2048x128xf32, #tpu.memory_space<vmem>>, vector<2048x128xf32>,
    return
  }
  func.func @transform_0(%arg0: i32) -> (i32, i32, i32) {
    %c0_i32 = arith.constant 0 : i32
    %c0_i32_0 = arith.constant 0 : i32
    %c0_i32_1 = arith.constant 0 : i32
    return %c0_i32, %arg0, %c0_i32_0 : i32, i32, i32
  }
  func.func @transform_1(%arg0: i32) -> (i32, i32) {
    %c0_i32 = arith.constant 0 : i32
    %c0_i32_0 = arith.constant 0 : i32
    return %arg0, %c0_i32 : i32, i32
  }
  func.func @transform_2(%arg0: i32) -> (i32, i32) {
    %c0_i32 = arith.constant 0 : i32
    %c0_i32_0 = arith.constant 0 : i32
    return %arg0, %c0_i32 : i32, i32
  }
  func.func @transform_3(%arg0: i32) -> (i32, i32) {
    %c0_i32 = arith.constant 0 : i32
    %c0_i32_0 = arith.constant 0 : i32
    %c0_i32_1 = arith.constant 0 : i32
    return %c0_i32, %c0_i32_0 : i32, i32
  }
  func.func @transform_4(%arg0: i32) -> (i32, i32) {
    %c0_i32 = arith.constant 0 : i32
    %c0_i32_0 = arith.constant 0 : i32
    return %arg0, %c0_i32 : i32, i32
  }
}

module attributes {stable_mosaic.version = 14 : i64} {
  func.func @_tc_final_body(%arg0: i32, %arg1: i32, %arg2: memref<2000x128xf32, #tpu.memory_space<vmem>>, %arg3: memref<1024x128xf32, #tpu.memory_space<vmem>>, %arg4: memref<1x1024xf32, #tpu.memory_space<vmem>>, %arg5: memref<2000x1024xf32, #tpu.memory_space<vmem>>) attributes {dimension_semantics = [#tpu.dimension_semantics<arbitrary>, #tpu.dimension_semantics<arbitrary>], iteration_bounds = array<i64: 5, 10>, scalar_prefetch = 0 : i64, scratch_operands = 0 : i64, tpu.core_type = #tpu.core_type<tc>, window_params = [{transform_indices = @transform_0, window_bounds = array<i64: 2000, 128>}, {transform_indices = @transform_1, window_bounds = array<i64: 1024, 128>}, {transform_indices = @transform_2, window_bounds = array<i64: 1, 1024>}, {transform_indices = @transform_3, window_bounds = array<i64: 2000, 1024>}]} {
    %get3A = arith.constant 0 : index
    %get3A_0 = arith.constant 0 : index
    %get3A_1 = vector.load %arg2[%get3A, %get3A_0] : memref<2000x128xf32, #tpu.memory_space<vmem>>, vector<2000x128xf32>
    %get3A_2 = arith.constant 0 : index
    %get3A_3 = arith.constant 0 : index
    %get3A_4 = vector.load %arg3[%get3A_2, %get3A_3] : memref<1024x128xf32, #tpu.memory_space<vmem>>, vector<1024x128xf32>
    %dot_general3A = arith.constant dense<0.000000e+00> : vector<2000x1024xf32>
    %dot_general3A_5 = tpu.matmul %get3A_1, %get3A_4, %dot_general3A {dimension_numbers = #tpu.dot_dimension_numbers<[1], [1], [0], [0], [0, 0, 1, 0], [], []>, transpose_lhs_hint = false} : vector<2000x128xf32>, vector<1024x128xf32>, vector<2000x1024xf32> -> vector<2000x1024xf32>
    %get3A_6 = arith.constant 0 : index
    %get3A_7 = arith.constant 0 : index
    %get3A_8 = vector.load %arg4[%get3A_6, %get3A_7] : memref<1x1024xf32, #tpu.memory_space<vmem>>, vector<1x1024xf32>
    %add3A = vector.broadcast %get3A_8 : vector<1x1024xf32> to vector<2000x1024xf32>
    %add3A_9 = arith.addf %dot_general3A_5, %add3A : vector<2000x1024xf32>
    %swap3A = arith.constant 0 : index
    %swap3A_10 = arith.constant 0 : index
    %swap3A_11 = vector.load %arg5[%swap3A, %swap3A_10] : memref<2000x1024xf32, #tpu.memory_space<vmem>>, vector<2000x1024xf32>
    tpu.vector_store %arg5[%swap3A, %swap3A_10], %add3A_9 {strides = array<i32>} : memref<2000x1024xf32, #tpu.memory_space<vmem>>, vector<2000x1024xf32>,
    return
  }
  func.func @transform_0(%arg0: i32, %arg1: i32) -> (i32, i32) {
    %c0_i32 = arith.constant 0 : i32
    %c0_i32_0 = arith.constant 0 : i32
    return %arg0, %c0_i32 : i32, i32
  }
  func.func @transform_1(%arg0: i32, %arg1: i32) -> (i32, i32) {
    %c0_i32 = arith.constant 0 : i32
    %c0_i32_0 = arith.constant 0 : i32
    return %arg1, %c0_i32 : i32, i32
  }
  func.func @transform_2(%arg0: i32, %arg1: i32) -> (i32, i32) {
    %c0_i32 = arith.constant 0 : i32
    %c0_i32_0 = arith.constant 0 : i32
    return %c0_i32, %arg1 : i32, i32
  }
  func.func @transform_3(%arg0: i32, %arg1: i32) -> (i32, i32) {
    %c0_i32 = arith.constant 0 : i32
    return %arg0, %arg1 : i32, i32
  }
}

</mosaic_0001>

<sc_bundles>
// kernel: kernel.14.cloned.1.call-start
scs
__scs_entry_jumppad:
0x0: {  	(pc) =	sbr.rel $0x88, $3  }
0x1: {  	(tag) =	ssettag $0x0;
	lr =	simm.s32 $0x1  }
0x2: {  	[smem:$0x3F93] =	sst lr;
	_ =	strace $0xD0000000  }
0x3: {  	_ = 	snop  }
0x4: {  	_ = 	snop  }
0x5: {  	_ = 	snop  }
0x6: {  	_ = 	snop  }
0x7: {  	_ = 	snop  }
__scs_overlays_trampoline_lowered:
0x8: {  	[smem:$0x3FA2] =	sst s0  }
0x9: {  	[smem:$0x3FA3] =	sst s1  }
0xa: {  	[smem:$0x3FA4] =	sst s2  }
0xb: {  	[smem:$0x3FA5] =	sst s3  }
0xc: {  	[smem:$0x3FA6] =	sst s4  }
0xd: {  	[smem:$0x3FA7] =	sst s5  }
0xe: {  	[smem:$0x3FA8] =	sst s6  }
0xf: {  	[smem:$0x3FA9] =	sst s7  }
0x10: {  	[smem:$0x3FAA] =	sst s8  }
0x11: {  	[smem:$0x3FAB] =	sst s9;
	s0 =	simm.s32 @!p0 $0x0  }
0x12: {  	s1 =	sld [smem:$0x3F91];
	s0 =	simm.s32 @p0 $0x1  }
0x13: {  	[smem:$0x3FAC] =	sst s0;
	s0 =	simm.s32 @!p1 $0x0  }
0x14: {  	s2 =	sld [smem:$0x3F90];
	s0 =	simm.s32 @p1 $0x1  }
0x15: {  	[smem:$0x3FAD] =	sst s0;
	s0 =	simm.s32 @!p2 $0x0  }
0x16: {  	s3 =	sld [smem:$0x3FDB];
	s0 =	simm.s32 @p2 $0x1  }
0x17: {  	s4 =	simm.s32 $0x1BF5;
	[smem:$0x3FAF] =	sst s0  }
0x18: {  	s0 =	sld [smem:$0x3F92];
	_ =	swait.ge [sflag:s4], $0x0  }
0x19: {  	s7 =	sld [smem:$0x3F93]  }
0x1a: {  	s8 =	sadd.s32 $0xFFFFE003, lr  }
0x1b: {  	s9 =	sadd.s32 $0xFFFFFEF7, lr;
	s5 =	simm.s32 $0xFFFFFFFF;
	p2 =	slt.u32 s8, $0xFFFFF086  }
0x1c: {  	p1 =	slt.u32 s9, $0xF7A;
	s5 =	simm.s32 @!p2 $0x0  }
0x1d: {  	s5 =	simm.s32 @p1 $0x1;
	p0 =	seq.s32 s7, s2  }
0x1e: {  	s7 =	smul.u32 @!p0 $0xF7A, s2;
	p2 =	seq.s32 @!p0 s5, $0x0  }
0x1f: {  	s9 =	smul.u32 $0xF7A, s1;
	s8 =	simm.s32 @!p0 $0x1BF5;
	p2 =	por !p2, p0  }
0x20: {  	[sflag:s8] =	ssyncset.s32 @!p0 $0xFFFFF086;
	s6 =	sadd.s32 @!p0 s3, s7;
	s7 =	simm.s32 @!p0 $0x108  }
0x21: {  	s3 =	sadd.s32 s3, s9;
	s6 =	sadd.s32 @!p0 $0x88, s6;
	s7 =	simm.s32 @p2 $0x1082  }
0x22: {  	[simem:s7], [sflag:s8] =	dma.local @!p0 [hbm:s6], $0xF7A  }
0x23: {  	s9 =	sor.u32 $0xD0000000, s2;
	s6 =	simm.s32 $0x108;
	_ =	swait.ge @!p0 [sflag:s8], $0x0  }
0x24: {  	s3 =	sadd.s32 $0x88, s3;
	s6 =	simm.s32 @!p1 $0x1082;
	[sflag:s4] =	ssyncset.s32 $0xFFFFF086  }
0x25: {  	[simem:s6], [sflag:s4] =	dma.local [hbm:s3], $0xF7A  }
0x26: {  	[smem:$0x3F93] =	sst s1;
	(tag) =	ssettag s2;
	_ =	strace s9  }
0x27: {  	s1 =	sld [smem:$0x3FA3]  }
0x28: {  	s2 =	sld [smem:$0x3FA4]  }
0x29: {  	s4 =	sld [smem:$0x3FA6]  }
0x2a: {  	p0 =	seq.s32 s5, $0x0;
	s5 =	sld [smem:$0x3FA7]  }
0x2b: {  	s6 =	sld [smem:$0x3FA8]  }
0x2c: {  	s7 =	sld [smem:$0x3FA9]  }
0x2d: {  	s3 =	simm.s32 $0x108;
	s8 =	sld [smem:$0x3FAA]  }
0x2e: {  	s3 =	simm.s32 @!p0 $0x1082;
	s9 =	sld [smem:$0x3FAB]  }
0x2f: {  	lr =	sadd.s32 s0, s3;
	s0 =	sld [smem:$0x3FA2]  }
0x30: {  	s3 =	sld [smem:$0x3FA5]  }
0x31: {  	[smem:$0x3FAE] =	sst s10  }
0x32: {  	s10 =	sld [smem:$0x3FAC];
	_ =	sdelay $0x3  }
0x33: {  	p0 =	seq.s32 s10, $0x1;
	s10 =	sld [smem:$0x3FAE];
	_ =	sdelay $0x3  }
0x34: {  	[smem:$0x3FAE] =	sst s10  }
0x35: {  	s10 =	sld [smem:$0x3FAD];
	_ =	sdelay $0x3  }
0x36: {  	p1 =	seq.s32 s10, $0x1;
	s10 =	sld [smem:$0x3FAE];
	_ =	sdelay $0x3  }
0x37: {  	[smem:$0x3FAE] =	sst s10  }
0x38: {  	s10 =	sld [smem:$0x3FAF]  }
0x39: {  	_ = 	snop;
	(pc) =	sbr.ind lr, $3  }
0x3a: {  	_ = 	snop  }
0x3b: {  	_ = 	snop  }
0x3c: {  	p2 =	seq.s32 s10, $0x1;
	s10 =	sld [smem:$0x3FAE]  }
0x3d: {  	_ =	shalt  }
0x3e: {  	_ =	shalt  }
0x3f: {  	_ =	shalt  }
0x40: {  	_ =	shalt  }
0x41: {  	_ =	shalt  }
0x42: {  	_ =	shalt  }
0x43: {  	_ =	shalt  }
0x44: {  	_ =	shalt  }
0x45: {  	_ =	shalt  }
0x46: {  	_ =	shalt  }
0x47: {  	_ =	shalt  }
0x48: {  	_ =	shalt  }
0x49: {  	_ =	shalt  }
0x4a: {  	_ =	shalt  }
0x4b: {  	_ =	shalt  }
0x4c: {  	_ =	shalt  }
0x4d: {  	_ =	shalt  }
0x4e: {  	_ =	shalt  }
0x4f: {  	_ =	shalt  }
0x50: {  	_ =	shalt  }
0x51: {  	_ =	shalt  }
0x52: {  	_ =	shalt  }
0x53: {  	_ =	shalt  }
0x54: {  	_ =	shalt  }
0x55: {  	_ =	shalt  }
0x56: {  	_ =	shalt  }
0x57: {  	_ =	shalt  }
0x58: {  	_ =	shalt  }
0x59: {  	_ =	shalt  }
0x5a: {  	_ =	shalt  }
0x5b: {  	_ =	shalt  }
0x5c: {  	_ =	shalt  }
0x5d: {  	_ =	shalt  }
0x5e: {  	_ =	shalt  }
0x5f: {  	_ =	shalt  }
0x60: {  	_ =	shalt  }
0x61: {  	_ =	shalt  }
0x62: {  	_ =	shalt  }
0x63: {  	_ =	shalt  }
0x64: {  	_ =	shalt  }
0x65: {  	_ =	shalt  }
0x66: {  	_ =	shalt  }
0x67: {  	_ =	shalt  }
0x68: {  	_ =	shalt  }
0x69: {  	_ =	shalt  }
0x6a: {  	_ =	shalt  }
0x6b: {  	_ =	shalt  }
0x6c: {  	_ =	shalt  }
0x6d: {  	_ =	shalt  }
0x6e: {  	_ =	shalt  }
0x6f: {  	_ =	shalt  }
0x70: {  	_ =	shalt  }
0x71: {  	_ =	shalt  }
0x72: {  	_ =	shalt  }
0x73: {  	_ =	shalt  }
0x74: {  	_ =	shalt  }
0x75: {  	_ =	shalt  }
0x76: {  	_ =	shalt  }
0x77: {  	_ =	shalt  }
0x78: {  	_ =	shalt  }
0x79: {  	_ =	shalt  }
0x7a: {  	_ =	shalt  }
0x7b: {  	_ =	shalt  }
0x7c: {  	_ =	shalt  }
0x7d: {  	_ =	shalt  }
0x7e: {  	_ =	shalt  }
0x7f: {  	_ =	shalt  }
0x80: {  	_ =	shalt  }
0x81: {  	_ =	shalt  }
0x82: {  	_ =	shalt  }
0x83: {  	_ =	shalt  }
0x84: {  	_ =	shalt  }
0x85: {  	_ =	shalt  }
0x86: {  	_ =	shalt  }
0x87: {  	_ =	shalt  }
.Lfunc_end0:
.L_simem_size_0:
called_computation_lowered:
.L_overlay_start_0:
0x88: {  	s2 =	sld [smem:$0x3FD9]  }
0x89: {  	s3 =	sld [smem:$0x3FFE];
	_ =	sdelay $0x1  }
0x8a: {  	s1 =	srdreg.scid  }
0x8b: {  	s0 =	sand.u32 $0x1, s1  }
0x8c: {  	s17 =	sshll.u32 s0, $0xA;
	s2 =	sadd.s32 s3, s2  }
0x8d: {  	s2 =	sadd.s32 s2, s17  }
0x8e: {  	[smem:$0x3FBA] =	sst s2  }
0x8f: {  	_ = 	snop  }
0x90: {  	s2 =	sld [smem:$0x3FC7]  }
0x91: {  	s18 =	sld [smem:$0x3FD0];
	(tm) =	ssettm $0x1  }
0x92: {  	s4 =	sld [smem:$0x3FFB];
	_ =	sdelay $0x3  }
0x93: {  	_ =	strace s4  }
0x94: {  	s4 =	sld [smem:$0x3FFC];
	_ =	sdelay $0x3  }
0x95: {  	_ =	strace s4  }
0x96: {  	s4 =	sld [smem:$0x3FFD];
	_ =	sdelay $0x3  }
0x97: {  	_ =	strace s4  }
0x98: {  	_ =	strace $0x8FFFFFFF  }
0x99: {  	s19 =	sld [smem:$0x3FDB];
	_ =	sdelay $0x1  }
0x9a: {  	s5 =	simm.s32 $_scs_section_size  }
0x9b: {  	s6 =	simm.s32 $_size__tile_overlayer_lowered;
	s7 =	simm.s32 $_tile_overlayer_lowered  }
0x9c: {  	s22 =	simm.s32 $0x1BFF;
	s21 =	sshll.u32 s7, $0x1;
	s4 =	sadd.s32 s5, s19  }
0x9d: {  	s8 =	simm.s32 $0x0;
	s20 =	sshll.u32 s6, $0x1;
	s6 =	sadd.s32 s21, s4  }
0x9e: {  	[timem:s8], [sflag:s22] =	dma.local [hbm:s6], s20  }
0x9f: {  	_ =	swait.ge [sflag:s22], s20  }
0xa0: {  	s5 =	ssub.s32 $0x0, s20;
	[sflag:s22] =	ssyncset.done $0x0  }
0xa1: {  	[sflag:s22] =	ssyncadd.s32 s5;
	_ =	sdelay $0x1  }
0xa2: {  	s23 =	simm.s32 $0x1B8B  }
0xa3: {  	_ =	swait.ge [sflag:s23], $0x1  }
0xa4: {  	[sflag:s23] =	ssyncset.done $0x0  }
0xa5: {  	s25 =	simm.s32 $0x1B8E;
	s24 =	sld [smem:$0x3FFE];
	[sflag:s23] =	ssyncadd.s32 $0xFFFFFFFF  }
0xa6: {  	s26 =	simm.s32 $execute0_lowered;
	[smem:$0x3FD2] =	sst s25  }
0xa7: {  	s6 =	sshll.u32 s26, $0x1;
	_ =	strace $0x80000046;
	[dreg:$0x1] =	wrdreg $0xFFFFFFFF  }
0xa8: {  	s28 =	simm.s32 $_size_execute0_lowered;
	s4 =	sadd.s32 s4, s6;
	[dreg:$0x0] =	wrdreg $0x0  }
0xa9: {  	s6 =	sshll.u32 s28, $0x1;
	[dreg:$0x2] =	wrdreg s4  }
0xaa: {  	[dreg:$0x3] =	wrdreg s6  }
0xab: {  	[dreg:$0x4] =	wrdreg $0xC0  }
0xac: {  	_ =	task [dreg:s8], $0x5FFFF  }
0xad: {  	[dreg:$0x1] =	wrdreg $0xFFFFFFFF  }
0xae: {  	[dreg:$0x0] =	wrdreg $0x60  }
0xaf: {  	[dreg:$0x2] =	wrdreg s18  }
0xb0: {  	[dreg:$0x3] =	wrdreg s2  }
0xb1: {  	[dreg:$0x4] =	wrdreg s24  }
0xb2: {  	[dreg:$0x5] =	wrdreg $0x8A000  }
0xb3: {  	[dreg:$0x6] =	wrdreg $0x9  }
0xb4: {  	_ =	task.clear_ibuf [dreg:s8], $0x7FFFF;
	_ =	strace $0x90000046  }
0xb5: {  	s29 =	simm.s32 $0x9;
	_ =	strace $0x80000048  }
0xb6: {  	_ =	swait.ge [sflag:s29], $0x1  }
0xb7: {  	[sflag:s29] =	ssyncadd.s32 $0xFFFFFFFF  }
0xb8: {  	_ =	strace $0x90000048  }
0xb9: {  	_ =	sfence  }
0xba: {  	s30 =	sld [smem:$0x0];
	_ =	sdelay $0x2  }
0xbb: {  	s31 =	sshll.u32 s1, $0xD;
	s1 =	sshrl.u32 s1, $0x2  }
0xbc: {  	s3 =	sand.u32 $0x4000, s31;
	s1 =	sadd.s32 s1, s30  }
0xbd: {  	s0 =	sor.u32 s3, s0;
	s1 =	sshll.u32 s1, $0x11  }
0xbe: {  	s0 =	sor.u32 s1, s0  }
0xbf: {  	s0 =	sadd.s32 $0x8F2B, s0  }
0xc0: {  	[sflag:s0] =	ssyncadd.remote.s32 $0x1  }
0xc1: {  	_ =	sfence.sel $0xFFFF  }
0xc2: {  	[dreg:$0x0] =	wrdreg $0xFFFFFFFF;
	(pc) =	sbr.abs _section_cstart, $3  }
0xc3: {  	[dreg:$0x1] =	wrdreg $0xFFFFFFFF  }
0xc4: {  	_ =	task.clear_ibuf [dreg:s8], $0x2FFFF;
	_ =	strace $0x9FFFFFFF  }
0xc5: {  	(tm) =	ssettm $0x7FFFFFFF  }
tec
execute0_lowered:
.L_overlay_start_1:
0x0: {  	(tag) =	ssettag $0x1  }
0x1: {  	s0 =	rddreg [dreg:$0x0]  }
0x2: {  	s1 =	rddreg [dreg:$0x1]  }
0x3: {  	s3 =	rddreg [dreg:$0x2]  }
0x4: {  	s2 =	rddreg [dreg:$0x3];
	s4 =	srdreg.scid  }
0x5: {  	s12 =	stileid.u32;
	s28 =	simm.s32 $0x2A00;
	s29 =	simm.s32 $0x1  }
0x6: {  	s30 =	simm.s32 $0x3;
	s31 =	simm.s32 $0x7A80;
	s6 =	sand.u32 $0x1, s4  }
0x7: {  	s4 =	simm.s32 $0x0;
	s8 =	smul.u32 $0x14000, s12;
	s9 =	sshll.u32 s12, $0x1  }
0x8: {  	s5 =	sadd.s32 $0x3E00, s3;
	s10 =	sadd.s32 $0x67E00, s3;
	s12 =	smul.u32 $0x50000, s12  }
0x9: {  	s7 =	smul.u32 $0x140000, s6;
	[smem:$0x7FF] =	sst s4;
	s18 =	sor.u32 s6, s9  }
0xa: {  	s6 =	ssub.s32 $0x2, s6;
	_ =	strace $0x80000047;
	s9 =	smul.u32 $0xA000, s18  }
0xb: {  	s19 =	sshrl.u32 s6, $0x1;
	s20 =	smul.u32 $0x1400, s18;
	s11 =	sshll.u32 s18, $0x6  }
0xc: {  	s25 =	sshrl.u32 s12, $0x2;
	s7 =	sadd.s32 s8, s7;
	s6 =	ssub.s32 s6, s19  }
0xd: {  	s0 =	sadd.s32 s0, s11;
	s11 =	smul.u32 $0x5000, s18;
	s13 =	sadd.s32 s25, s2  }
0xe: {  	s25 =	simm.s32 $0x200;
	s7 =	sshrl.u32 s7, $0x3;
	s9 =	sshrl.u32 s9, $0x3  }
0xf: {  	[dreg:$0x5] =	wrdreg s0;
	s21 =	sadd.s32 s10, s20;
	s26 =	smax.u32 s6, $0x1  }
0x10: {  	s15 =	sadd.s32 $0x2800, s13;
	s16 =	sadd.s32 $0x5000, s13;
	s17 =	sadd.s32 $0x7800, s13  }
0x11: {  	s18 =	sadd.s32 $0xA000, s13;
	s19 =	sadd.s32 $0xC800, s13;
	s20 =	sadd.s32 $0xF000, s13  }
0x12: {  	s0 =	simm.s32 $0x2;
	s9 =	sadd.s32 s10, s9;
	[dreg:$0x6] =	wrdreg s21  }
0x13: {  	s6 =	simm.s32 $0x4;
	[dreg:$0xb] =	wrdreg s26;
	s22 =	sadd.s32 $0x500, s9  }
0x14: {  	s3 =	sadd.s32 s7, s3;
	s23 =	sadd.s32 $0xA00, s9;
	[dreg:$0x7] =	wrdreg s22  }
0x15: {  	s21 =	sadd.s32 $0x11800, s13;
	s24 =	sadd.s32 $0xF00, s9;
	[dreg:$0x8] =	wrdreg s23  }
0x16: {  	s26 =	simm.s32 $0x7A00;
	s3 =	sadd.s32 $0x17E00, s3;
	[dreg:$0x9] =	wrdreg s24  }
0x17: {  	s7 =	simm.s32 $0x0;
	[dreg:$0xa] =	wrdreg s3;
	s22 =	simm.s32 $0x5200  }
0x18: {  	v0 =	vimm.f32 $0.0e+00;
	v1 =	vimm.f32 $1.000000000e+00;
	s23 =	simm.s32 $0x6;
	s24 =	simm.s32 $0x50;
	s3 =	simm.s32 $0x5  }
.LBB2_1:
0x19: {  	s8 =	sand.u32 $0xFE00, s4  }
0x1a: {  	s9 =	sand.u32 $0x70, s4;
	s10 =	sshrl.u32 s8, $0x2  }
0x1b: {  	s8 =	simm.s32 $0x40;
	s10 =	sor.u32 s9, s10;
	s9 =	simm.s32 $0x0  }
.LBB2_2:
0x1c: {  	p0 =	sne.s32 s8, $0x9FC0  }
0x1d: {  	[tilespmem:s10+$0x5200] =	vst v0;
	s9 =	sadd.s32 $0x10, s9;
	s10 =	smov.u32 s8;
	s8 =	sadd.s32 $0x40, s8  }
.Ltmp0:
0x1e: {  	(pc) =	sbr.rel @p0 .LBB2_2-.Ltmp0, $4  }
0x1f: {  	_ = 	snop  }
0x20: {  	s10 =	sand.u32 $0xFE00, s10  }
0x21: {  	s12 =	sand.u32 $0x70, s9;
	s10 =	sshrl.u32 s10, $0x2  }
0x22: {  	s10 =	sor.u32 s12, s10  }
0x23: {  	[tilespmem:s10+$0x5200] =	vst v0  }
0x24: {  	[spmem:s13] =	stream.linear.scatter [tilespmem:s22], [sflag:$0x6], $0x2800, $0x38;
	[tilespmem:$0x1CA00] =	vst v63  }
0x25: {  	_ =	swait.ge [sflag:s23], $0x2800  }
0x26: {  	[sflag:s23] =	ssyncset.done $0x0  }
0x27: {  	[sflag:s23] =	ssyncadd.s32 $0xFFFFD800  }
0x28: {  	[spmem:s15] =	stream.linear.scatter [tilespmem:s22], [sflag:$0x6], $0x2800, $0x38;
	[tilespmem:$0x1CA00] =	vst v63  }
0x29: {  	_ =	swait.ge [sflag:s23], $0x2800  }
0x2a: {  	[sflag:s23] =	ssyncset.done $0x0  }
0x2b: {  	[sflag:s23] =	ssyncadd.s32 $0xFFFFD800  }
0x2c: {  	[spmem:s16] =	stream.linear.scatter [tilespmem:s22], [sflag:$0x6], $0x2800, $0x38;
	[tilespmem:$0x1CA00] =	vst v63  }
0x2d: {  	_ =	swait.ge [sflag:s23], $0x2800  }
0x2e: {  	[sflag:s23] =	ssyncset.done $0x0  }
0x2f: {  	[sflag:s23] =	ssyncadd.s32 $0xFFFFD800  }
0x30: {  	[spmem:s17] =	stream.linear.scatter [tilespmem:s22], [sflag:$0x6], $0x2800, $0x38;
	[tilespmem:$0x1CA00] =	vst v63  }
0x31: {  	_ =	swait.ge [sflag:s23], $0x2800  }
0x32: {  	[sflag:s23] =	ssyncset.done $0x0  }
0x33: {  	[sflag:s23] =	ssyncadd.s32 $0xFFFFD800  }
0x34: {  	[spmem:s18] =	stream.linear.scatter [tilespmem:s22], [sflag:$0x6], $0x2800, $0x38;
	[tilespmem:$0x1CA00] =	vst v63  }
0x35: {  	_ =	swait.ge [sflag:s23], $0x2800  }
0x36: {  	[sflag:s23] =	ssyncset.done $0x0  }
0x37: {  	[sflag:s23] =	ssyncadd.s32 $0xFFFFD800  }
0x38: {  	[spmem:s19] =	stream.linear.scatter [tilespmem:s22], [sflag:$0x6], $0x2800, $0x38;
	[tilespmem:$0x1CA00] =	vst v63  }
0x39: {  	_ =	swait.ge [sflag:s23], $0x2800  }
0x3a: {  	[sflag:s23] =	ssyncset.done $0x0  }
0x3b: {  	[sflag:s23] =	ssyncadd.s32 $0xFFFFD800  }
0x3c: {  	[spmem:s20] =	stream.linear.scatter [tilespmem:s22], [sflag:$0x6], $0x2800, $0x38;
	[tilespmem:$0x1CA00] =	vst v63  }
0x3d: {  	_ =	swait.ge [sflag:s23], $0x2800  }
0x3e: {  	[sflag:s23] =	ssyncset.done $0x0  }
0x3f: {  	[sflag:s23] =	ssyncadd.s32 $0xFFFFD800  }
0x40: {  	[spmem:s21] =	stream.linear.scatter [tilespmem:s22], [sflag:$0x6], $0x2800, $0x38;
	[tilespmem:$0x1CA00] =	vst v63  }
0x41: {  	_ =	swait.ge [sflag:s23], $0x2800  }
0x42: {  	[sflag:s23] =	ssyncset.done $0x0  }
0x43: {  	s8 =	simm.s32 $0x0;
	s9 =	rddreg [dreg:$0x5];
	[sflag:s23] =	ssyncadd.s32 $0xFFFFD800  }
0x44: {  	[tilespmem:s8], [sflag:$0x6] =	stream.linear.gather [hbm4b:s9+s8], $0x200, $0x38;
	[tilespmem:$0x1CA00] =	vst v63  }
0x45: {  	_ =	swait.ge [sflag:s23], $0x200  }
0x46: {  	[sflag:s23] =	ssyncset.done $0x0  }
0x47: {  	[sflag:s23] =	ssyncadd.s32 $0xFFFFFE00  }
0x48: {  	[tilespmem:s25], [sflag:$0x1] =	stream.indirect.gather [hbm4b:s1+s24], $0x80, s8, s24, $0xb8;
	[tilespmem:$0x1CA00] =	vst v63  }
0x49: {  	s10 =	simm.s32 $0x80  }
0x4a: {  	[tilespmem:s28], [sflag:$0x2] =	stream.indirect.gather [hbm4b:s1+s24], $0x80, s10, s24, $0xb8;
	[tilespmem:$0x1CA00] =	vst v63  }
0x4b: {  	_ =	swait.ge [sflag:s29], $0x2800  }
0x4c: {  	[sflag:s29] =	ssyncset.done $0x0  }
0x4d: {  	s12 =	rddreg [dreg:$0x6];
	[sflag:s29] =	ssyncadd.s32 $0xFFFFD800  }
0x4e: {  	[hbm4b:s12+s8] =	stream.linear.scatter [tilespmem:s25], [sflag:$0x3], $0x2800, $0x38;
	[tilespmem:$0x1CA00] =	vst v63  }
0x4f: {  	_ =	swait.ge [sflag:s30], $0x2800  }
0x50: {  	[sflag:s30] =	ssyncset.done $0x0  }
0x51: {  	s14 =	simm.s32 $0x100;
	[sflag:s30] =	ssyncadd.s32 $0xFFFFD800  }
0x52: {  	[tilespmem:s25], [sflag:$0x1] =	stream.indirect.gather [hbm4b:s1+s24], $0x80, s14, s24, $0xb8;
	[tilespmem:$0x1CA00] =	vst v63  }
0x53: {  	_ =	swait.ge [sflag:s0], $0x2800  }
0x54: {  	[sflag:s0] =	ssyncset.done $0x0  }
0x55: {  	s10 =	rddreg [dreg:$0x7];
	[sflag:s0] =	ssyncadd.s32 $0xFFFFD800  }
0x56: {  	[hbm4b:s10+s8] =	stream.linear.scatter [tilespmem:s28], [sflag:$0x3], $0x2800, $0x38;
	[tilespmem:$0x1CA00] =	vst v63  }
0x57: {  	_ =	swait.ge [sflag:s30], $0x2800  }
0x58: {  	[sflag:s30] =	ssyncset.done $0x0  }
0x59: {  	s12 =	simm.s32 $0x180;
	[sflag:s30] =	ssyncadd.s32 $0xFFFFD800  }
0x5a: {  	[tilespmem:s28], [sflag:$0x2] =	stream.indirect.gather [hbm4b:s1+s24], $0x80, s12, s24, $0xb8;
	[tilespmem:$0x1CA00] =	vst v63  }
0x5b: {  	_ =	swait.ge [sflag:s29], $0x2800  }
0x5c: {  	[sflag:s29] =	ssyncset.done $0x0  }
0x5d: {  	s14 =	rddreg [dreg:$0x8];
	[sflag:s29] =	ssyncadd.s32 $0xFFFFD800  }
0x5e: {  	[hbm4b:s14+s8] =	stream.linear.scatter [tilespmem:s25], [sflag:$0x3], $0x2800, $0x38;
	[tilespmem:$0x1CA00] =	vst v63  }
0x5f: {  	_ =	swait.ge [sflag:s0], $0x2800  }
0x60: {  	[sflag:s0] =	ssyncset.done $0x0  }
0x61: {  	s10 =	rddreg [dreg:$0x9];
	[sflag:s0] =	ssyncadd.s32 $0xFFFFD800  }
0x62: {  	[hbm4b:s10+s8] =	stream.linear.scatter [tilespmem:s28], [sflag:$0x3], $0x2800, $0x38;
	[tilespmem:$0x1CA00] =	vst v63  }
0x63: {  	_ =	swait.ge [sflag:s30], $0x2800  }
0x64: {  	[sflag:s30] =	ssyncset.done $0x0  }
0x65: {  	[sflag:s30] =	ssyncadd.s32 $0xFFFFD800  }
0x66: {  	s12 =	sand.u32 $0xFE00, s8;
	_ =	swait.ge [sflag:s30], $0x2800  }
0x67: {  	s9 =	sshrl.u32 s12, $0x2;
	s14 =	sand.u32 $0x70, s8;
	[sflag:s30] =	ssyncset.done $0x0  }
0x68: {  	s10 =	sor.u32 s14, s9;
	s9 =	simm.s32 $0x40;
	[sflag:s30] =	ssyncadd.s32 $0xFFFFD800  }
.LBB2_4:
0x69: {  	p0 =	sne.s32 s9, $0x9FC0  }
0x6a: {  	[tilespmem:s10+$0x5200] =	vst v1;
	s8 =	sadd.s32 $0x10, s8;
	s10 =	smov.u32 s9;
	s9 =	sadd.s32 $0x40, s9  }
.Ltmp1:
0x6b: {  	(pc) =	sbr.rel @p0 .LBB2_4-.Ltmp1, $4  }
0x6c: {  	_ = 	snop  }
0x6d: {  	s10 =	sand.u32 $0xFE00, s10  }
0x6e: {  	s12 =	sand.u32 $0x70, s8;
	s10 =	sshrl.u32 s10, $0x2  }
0x6f: {  	s10 =	sor.u32 s12, s10  }
0x70: {  	[tilespmem:s10+$0x5200] =	vst v1  }
0x71: {  	s8 =	simm.s32 $0x0;
	[bflag:$0x0] =	sbarrier.arrive $0xFFFF  }
.LBB2_6:
0x72: {  	s9 =	sshll.u32 s8, $0xC  }
0x73: {  	s9 =	sadd.s32 s11, s9  }
0x74: {  	s9 =	sshrl.u32 s9, $0x3  }
0x75: {  	s9 =	sadd.s32 s5, s9  }
0x76: {  	[tilespmem:s26], [sflag:$0x6] =	stream.linear.gather [hbm4b:s9+s4], $0xC80, $0x38;
	[tilespmem:$0x1CA00] =	vst v63  }
0x77: {  	s14 =	simm.s32 $0x2;
	_ =	swait.ge [sflag:s23], $0xC80  }
0x78: {  	s9 =	sand.u32 $0x1, s14;
	[sflag:s23] =	ssyncset.done $0x0  }
0x79: {  	s12 =	simm.s32 $0x5;
	p0 =	seq.s32 s9, $0x1;
	[sflag:s23] =	ssyncadd.s32 $0xFFFFF380  }
0x7a: {  	[spmem:s2] =	stream.indirect.scatter.add.f32 [tilespmem:s22], [sflag:$0x4], $0x80, s26, s24, $0xb8;
	[tilespmem:$0x1CA00] =	vst v63  }
0x7b: {  	s10 =	simm.s32 $0x3;
	s12 =	simm.s32 @!p0 $0x4  }
0x7c: {  	[spmem:s2] =	stream.indirect.scatter.add.f32 [tilespmem:s22], [sflag:$0x5], $0x80, s31, s24, $0xb8;
	[tilespmem:$0x1CA00] =	vst v63  }
0x7d: {  	s10 =	sand.u32 $0x1, s10;
	_ =	swait.ge [sflag:s12], $0x2800  }
0x7e: {  	p0 =	seq.s32 s10, $0x1;
	s10 =	simm.s32 $0x5;
	[sflag:s12] =	ssyncset.done $0x0  }
0x7f: {  	s9 =	simm.s32 $0x7B00;
	s10 =	simm.s32 @!p0 $0x4;
	[sflag:s12] =	ssyncadd.s32 $0xFFFFD800  }
0x80: {  	[spmem:s2] =	stream.indirect.scatter.add.f32 [tilespmem:s22], [sflag:s12], $0x80, s9, s24, $0xb8;
	[tilespmem:$0x1CA00] =	vst v63  }
0x81: {  	s12 =	simm.s32 $0x4;
	_ =	swait.ge [sflag:s10], $0x2800  }
.LBB2_7:
0x82: {  	s14 =	sand.u32 $0x1, s12  }
0x83: {  	p0 =	seq.s32 s14, $0x1;
	s14 =	simm.s32 $0x5  }
0x84: {  	s14 =	simm.s32 @!p0 $0x4;
	p0 =	sne.s32 s12, $0x18  }
.Ltmp2:
0x85: {  	[sflag:s10] =	ssyncset.done $0x0;
	(pc) =	sbr.rel @p0 .LBB2_7-.Ltmp2, $4  }
0x86: {  	s9 =	sadd.s32 $0x80, s9;
	[sflag:s10] =	ssyncadd.s32 $0xFFFFD800  }
0x87: {  	[spmem:s2] =	stream.indirect.scatter.add.f32 [tilespmem:s22], [sflag:s10], $0x80, s9, s24, $0xb8;
	[tilespmem:$0x1CA00] =	vst v63  }
0x88: {  	s10 =	smov.u32 s14;
	_ =	swait.ge [sflag:s14], $0x2800  }
0x89: {  	s12 =	sadd.s32 $0x1, s12  }
0x8a: {  	[sflag:s10] =	ssyncset.done $0x0  }
0x8b: {  	s9 =	sadd.s32 $0x80, s9;
	s8 =	sadd.s32 $0x1, s8;
	[sflag:s10] =	ssyncadd.s32 $0xFFFFD800  }
0x8c: {  	[spmem:s2] =	stream.indirect.scatter.add.f32 [tilespmem:s22], [sflag:s10], $0x80, s9, s24, $0xb8;
	[tilespmem:$0x1CA00] =	vst v63  }
0x8d: {  	p0 =	sne.s32 s8, $0x5;
	_ =	swait.ge [sflag:s3], $0x2800  }
.Ltmp3:
0x8e: {  	[sflag:s3] =	ssyncset.done $0x0;
	(pc) =	sbr.rel @p0 .LBB2_6-.Ltmp3, $4  }
0x8f: {  	[sflag:s3] =	ssyncadd.s32 $0xFFFFD800  }
0x90: {  	_ =	swait.ge [sflag:s6], $0x2800  }
0x91: {  	[sflag:s6] =	ssyncset.done $0x0  }
0x92: {  	[sflag:s6] =	ssyncadd.s32 $0xFFFFD800  }
0x93: {  	s8 =	stileid.u32  }
0x94: {  	[bflag:$0x0] =	sbarrier.arrive $0xFFFF;
	s8 =	sshll.u32 s8, $0x6  }
0x95: {  	s9 =	sshrl.u32 s13, $0x3;
	s10 =	rddreg [dreg:$0xa];
	s8 =	sor.u32 $0x1C06, s8  }
0x96: {  	[hbm:s10], [sflag:s8] =	dma.local [spmem:s9], $0x2800  }
0x97: {  	_ =	swait.ge [sflag:s23], $0x2800  }
0x98: {  	s7 =	sadd.s32 $0x1, s7;
	s14 =	rddreg [dreg:$0xb]  }
0x99: {  	p0 =	sne.s32 s7, s14  }
.Ltmp4:
0x9a: {  	_ = 	snop;
	(pc) =	sbr.rel @p0 .LBB2_1-.Ltmp4, $3  }
0x9b: {  	_ =	sdelay $0x1  }
0x9c: {  	[sflag:s23] =	ssyncset.done $0x0  }
0x9d: {  	[sflag:s23] =	ssyncadd.s32 $0xFFFFD800  }
0x9e: {  	_ =	sfence.sel $0x180000  }
0x9f: {  	[bflag:$0x0] =	sbarrier.arrive $0xFFFF  }
0xa0: {  	_ =	strace $0x90000047  }
0xa1: {  	s0 =	stileid.u32;
	[bflag:$0x2] =	sbarrier.arrive $0xFFFF  }
0xa2: {  	p0 =	sne.s32 s0, $0x0;
	s0 =	rddreg [dreg:$0x4]  }
0xa3: {  	s0 =	sadd.s32 @!p0 $0x100000, s0  }
0xa4: {  	[sflag:s0] =	ssyncadd.tile.s32 @!p0 $0x1;
	_ =	shalt  }
.Lfunc_end2:
_tile_overlayer_lowered:
.L_overlay_start_2:
0xa5: {  	(tag) =	ssettag $0x2  }
0xa6: {  	s0 =	rddreg [dreg:$0x0];
	s2 =	stileid.u32  }
0xa7: {  	s1 =	rddreg [dreg:$0x1];
	p0 =	sne.s32 s2, $0x0  }
0xa8: {  	s3 =	rddreg [dreg:$0x2];
	[bflag:$0x3] =	sbarrier.arrive $0xFFFF;
	s2 =	simm.s32 @!p0 $0x1C06  }
0xa9: {  	[timem:s3], [sflag:s2] =	dma.local @!p0 [hbm:s0], s1  }
0xaa: {  	s0 =	simm.s32 @!p0 $0x6  }
0xab: {  	_ =	swait.ge @!p0 [sflag:s0], s1  }
0xac: {  	s1 =	ssub.s32 @!p0 $0x0, s1;
	[sflag:s0] =	ssyncset.done @!p0 $0x0  }
0xad: {  	[sflag:s0] =	ssyncadd.s32 @!p0 s1  }
0xae: {  	[bflag:$0x3] =	sbarrier.arrive $0xFFFF  }
0xaf: {  	_ =	shalt  }

// kernel: kernel.17.cloned.1.call-start
scs
__scs_entry_jumppad:
0x0: {  	(pc) =	sbr.rel $0x88, $3  }
0x1: {  	(tag) =	ssettag $0x0;
	lr =	simm.s32 $0x1  }
0x2: {  	[smem:$0x3F93] =	sst lr;
	_ =	strace $0xD0000000  }
0x3: {  	_ = 	snop  }
0x4: {  	_ = 	snop  }
0x5: {  	_ = 	snop  }
0x6: {  	_ = 	snop  }
0x7: {  	_ = 	snop  }
__scs_overlays_trampoline_lowered:
0x8: {  	[smem:$0x3FA2] =	sst s0  }
0x9: {  	[smem:$0x3FA3] =	sst s1  }
0xa: {  	[smem:$0x3FA4] =	sst s2  }
0xb: {  	[smem:$0x3FA5] =	sst s3  }
0xc: {  	[smem:$0x3FA6] =	sst s4  }
0xd: {  	[smem:$0x3FA7] =	sst s5  }
0xe: {  	[smem:$0x3FA8] =	sst s6  }
0xf: {  	[smem:$0x3FA9] =	sst s7  }
0x10: {  	[smem:$0x3FAA] =	sst s8  }
0x11: {  	[smem:$0x3FAB] =	sst s9;
	s0 =	simm.s32 @!p0 $0x0  }
0x12: {  	s1 =	sld [smem:$0x3F91];
	s0 =	simm.s32 @p0 $0x1  }
0x13: {  	[smem:$0x3FAC] =	sst s0;
	s0 =	simm.s32 @!p1 $0x0  }
0x14: {  	s2 =	sld [smem:$0x3F90];
	s0 =	simm.s32 @p1 $0x1  }
0x15: {  	[smem:$0x3FAD] =	sst s0;
	s0 =	simm.s32 @!p2 $0x0  }
0x16: {  	s3 =	sld [smem:$0x3FDB];
	s0 =	simm.s32 @p2 $0x1  }
0x17: {  	s4 =	simm.s32 $0x1BF5;
	[smem:$0x3FAF] =	sst s0  }
0x18: {  	s0 =	sld [smem:$0x3F92];
	_ =	swait.ge [sflag:s4], $0x0  }
0x19: {  	s7 =	sld [smem:$0x3F93]  }
0x1a: {  	s8 =	sadd.s32 $0xFFFFE003, lr  }
0x1b: {  	s9 =	sadd.s32 $0xFFFFFEF7, lr;
	s5 =	simm.s32 $0xFFFFFFFF;
	p2 =	slt.u32 s8, $0xFFFFF086  }
0x1c: {  	p1 =	slt.u32 s9, $0xF7A;
	s5 =	simm.s32 @!p2 $0x0  }
0x1d: {  	s5 =	simm.s32 @p1 $0x1;
	p0 =	seq.s32 s7, s2  }
0x1e: {  	s7 =	smul.u32 @!p0 $0xF7A, s2;
	p2 =	seq.s32 @!p0 s5, $0x0  }
0x1f: {  	s9 =	smul.u32 $0xF7A, s1;
	s8 =	simm.s32 @!p0 $0x1BF5;
	p2 =	por !p2, p0  }
0x20: {  	[sflag:s8] =	ssyncset.s32 @!p0 $0xFFFFF086;
	s6 =	sadd.s32 @!p0 s3, s7;
	s7 =	simm.s32 @!p0 $0x108  }
0x21: {  	s3 =	sadd.s32 s3, s9;
	s6 =	sadd.s32 @!p0 $0x88, s6;
	s7 =	simm.s32 @p2 $0x1082  }
0x22: {  	[simem:s7], [sflag:s8] =	dma.local @!p0 [hbm:s6], $0xF7A  }
0x23: {  	s9 =	sor.u32 $0xD0000000, s2;
	s6 =	simm.s32 $0x108;
	_ =	swait.ge @!p0 [sflag:s8], $0x0  }
0x24: {  	s3 =	sadd.s32 $0x88, s3;
	s6 =	simm.s32 @!p1 $0x1082;
	[sflag:s4] =	ssyncset.s32 $0xFFFFF086  }
0x25: {  	[simem:s6], [sflag:s4] =	dma.local [hbm:s3], $0xF7A  }
0x26: {  	[smem:$0x3F93] =	sst s1;
	(tag) =	ssettag s2;
	_ =	strace s9  }
0x27: {  	s1 =	sld [smem:$0x3FA3]  }
0x28: {  	s2 =	sld [smem:$0x3FA4]  }
0x29: {  	s4 =	sld [smem:$0x3FA6]  }
0x2a: {  	p0 =	seq.s32 s5, $0x0;
	s5 =	sld [smem:$0x3FA7]  }
0x2b: {  	s6 =	sld [smem:$0x3FA8]  }
0x2c: {  	s7 =	sld [smem:$0x3FA9]  }
0x2d: {  	s3 =	simm.s32 $0x108;
	s8 =	sld [smem:$0x3FAA]  }
0x2e: {  	s3 =	simm.s32 @!p0 $0x1082;
	s9 =	sld [smem:$0x3FAB]  }
0x2f: {  	lr =	sadd.s32 s0, s3;
	s0 =	sld [smem:$0x3FA2]  }
0x30: {  	s3 =	sld [smem:$0x3FA5]  }
0x31: {  	[smem:$0x3FAE] =	sst s10  }
0x32: {  	s10 =	sld [smem:$0x3FAC];
	_ =	sdelay $0x3  }
0x33: {  	p0 =	seq.s32 s10, $0x1;
	s10 =	sld [smem:$0x3FAE];
	_ =	sdelay $0x3  }
0x34: {  	[smem:$0x3FAE] =	sst s10  }
0x35: {  	s10 =	sld [smem:$0x3FAD];
	_ =	sdelay $0x3  }
0x36: {  	p1 =	seq.s32 s10, $0x1;
	s10 =	sld [smem:$0x3FAE];
	_ =	sdelay $0x3  }
0x37: {  	[smem:$0x3FAE] =	sst s10  }
0x38: {  	s10 =	sld [smem:$0x3FAF]  }
0x39: {  	_ = 	snop;
	(pc) =	sbr.ind lr, $3  }
0x3a: {  	_ = 	snop  }
0x3b: {  	_ = 	snop  }
0x3c: {  	p2 =	seq.s32 s10, $0x1;
	s10 =	sld [smem:$0x3FAE]  }
0x3d: {  	_ =	shalt  }
0x3e: {  	_ =	shalt  }
0x3f: {  	_ =	shalt  }
0x40: {  	_ =	shalt  }
0x41: {  	_ =	shalt  }
0x42: {  	_ =	shalt  }
0x43: {  	_ =	shalt  }
0x44: {  	_ =	shalt  }
0x45: {  	_ =	shalt  }
0x46: {  	_ =	shalt  }
0x47: {  	_ =	shalt  }
0x48: {  	_ =	shalt  }
0x49: {  	_ =	shalt  }
0x4a: {  	_ =	shalt  }
0x4b: {  	_ =	shalt  }
0x4c: {  	_ =	shalt  }
0x4d: {  	_ =	shalt  }
0x4e: {  	_ =	shalt  }
0x4f: {  	_ =	shalt  }
0x50: {  	_ =	shalt  }
0x51: {  	_ =	shalt  }
0x52: {  	_ =	shalt  }
0x53: {  	_ =	shalt  }
0x54: {  	_ =	shalt  }
0x55: {  	_ =	shalt  }
0x56: {  	_ =	shalt  }
0x57: {  	_ =	shalt  }
0x58: {  	_ =	shalt  }
0x59: {  	_ =	shalt  }
0x5a: {  	_ =	shalt  }
0x5b: {  	_ =	shalt  }
0x5c: {  	_ =	shalt  }
0x5d: {  	_ =	shalt  }
0x5e: {  	_ =	shalt  }
0x5f: {  	_ =	shalt  }
0x60: {  	_ =	shalt  }
0x61: {  	_ =	shalt  }
0x62: {  	_ =	shalt  }
0x63: {  	_ =	shalt  }
0x64: {  	_ =	shalt  }
0x65: {  	_ =	shalt  }
0x66: {  	_ =	shalt  }
0x67: {  	_ =	shalt  }
0x68: {  	_ =	shalt  }
0x69: {  	_ =	shalt  }
0x6a: {  	_ =	shalt  }
0x6b: {  	_ =	shalt  }
0x6c: {  	_ =	shalt  }
0x6d: {  	_ =	shalt  }
0x6e: {  	_ =	shalt  }
0x6f: {  	_ =	shalt  }
0x70: {  	_ =	shalt  }
0x71: {  	_ =	shalt  }
0x72: {  	_ =	shalt  }
0x73: {  	_ =	shalt  }
0x74: {  	_ =	shalt  }
0x75: {  	_ =	shalt  }
0x76: {  	_ =	shalt  }
0x77: {  	_ =	shalt  }
0x78: {  	_ =	shalt  }
0x79: {  	_ =	shalt  }
0x7a: {  	_ =	shalt  }
0x7b: {  	_ =	shalt  }
0x7c: {  	_ =	shalt  }
0x7d: {  	_ =	shalt  }
0x7e: {  	_ =	shalt  }
0x7f: {  	_ =	shalt  }
0x80: {  	_ =	shalt  }
0x81: {  	_ =	shalt  }
0x82: {  	_ =	shalt  }
0x83: {  	_ =	shalt  }
0x84: {  	_ =	shalt  }
0x85: {  	_ =	shalt  }
0x86: {  	_ =	shalt  }
0x87: {  	_ =	shalt  }
.Lfunc_end0:
.L_simem_size_0:
called_computation.1_lowered:
.L_overlay_start_0:
0x88: {  	s2 =	sld [smem:$0x3FD9]  }
0x89: {  	s3 =	sld [smem:$0x3FFE];
	_ =	sdelay $0x1  }
0x8a: {  	s1 =	srdreg.scid  }
0x8b: {  	s0 =	sand.u32 $0x1, s1  }
0x8c: {  	s17 =	sshll.u32 s0, $0xA;
	s2 =	sadd.s32 s3, s2  }
0x8d: {  	s2 =	sadd.s32 s2, s17  }
0x8e: {  	[smem:$0x3FBA] =	sst s2  }
0x8f: {  	_ = 	snop  }
0x90: {  	s2 =	sld [smem:$0x3FD0];
	(tm) =	ssettm $0x1  }
0x91: {  	s18 =	sld [smem:$0x3FFB];
	_ =	sdelay $0x3  }
0x92: {  	_ =	strace s18  }
0x93: {  	s3 =	sld [smem:$0x3FFC];
	_ =	sdelay $0x3  }
0x94: {  	_ =	strace s3  }
0x95: {  	s3 =	sld [smem:$0x3FFD];
	_ =	sdelay $0x3  }
0x96: {  	_ =	strace s3  }
0x97: {  	_ =	strace $0x8FFFFFFF  }
0x98: {  	s19 =	sld [smem:$0x3FDB];
	_ =	sdelay $0x1  }
0x99: {  	s4 =	simm.s32 $_scs_section_size  }
0x9a: {  	s5 =	simm.s32 $_size__tile_overlayer_lowered;
	s6 =	simm.s32 $_tile_overlayer_lowered  }
0x9b: {  	s22 =	simm.s32 $0x1BFF;
	s21 =	sshll.u32 s6, $0x1;
	s3 =	sadd.s32 s4, s19  }
0x9c: {  	s7 =	simm.s32 $0x0;
	s20 =	sshll.u32 s5, $0x1;
	s5 =	sadd.s32 s21, s3  }
0x9d: {  	[timem:s7], [sflag:s22] =	dma.local [hbm:s5], s20  }
0x9e: {  	_ =	swait.ge [sflag:s22], s20  }
0x9f: {  	s4 =	ssub.s32 $0x0, s20;
	[sflag:s22] =	ssyncset.done $0x0  }
0xa0: {  	[sflag:s22] =	ssyncadd.s32 s4;
	_ =	sdelay $0x1  }
0xa1: {  	s23 =	simm.s32 $0x1B8B  }
0xa2: {  	_ =	swait.ge [sflag:s23], $0x1  }
0xa3: {  	[sflag:s23] =	ssyncset.done $0x0  }
0xa4: {  	s25 =	simm.s32 $0x1B8E;
	s24 =	sld [smem:$0x3FFE];
	[sflag:s23] =	ssyncadd.s32 $0xFFFFFFFF  }
0xa5: {  	s26 =	simm.s32 $execute0_lowered;
	[smem:$0x3FD2] =	sst s25  }
0xa6: {  	s5 =	sshll.u32 s26, $0x1;
	_ =	strace $0x80000049;
	[dreg:$0x1] =	wrdreg $0xFFFFFFFF  }
0xa7: {  	s28 =	simm.s32 $_size_execute0_lowered;
	s3 =	sadd.s32 s3, s5;
	[dreg:$0x0] =	wrdreg $0x0  }
0xa8: {  	s5 =	sshll.u32 s28, $0x1;
	[dreg:$0x2] =	wrdreg s3  }
0xa9: {  	[dreg:$0x3] =	wrdreg s5  }
0xaa: {  	[dreg:$0x4] =	wrdreg $0xC0  }
0xab: {  	_ =	task [dreg:s7], $0x5FFFF  }
0xac: {  	[dreg:$0x1] =	wrdreg $0xFFFFFFFF  }
0xad: {  	[dreg:$0x0] =	wrdreg $0x60  }
0xae: {  	[dreg:$0x2] =	wrdreg s24  }
0xaf: {  	[dreg:$0x3] =	wrdreg s2  }
0xb0: {  	[dreg:$0x4] =	wrdreg $0x9C000  }
0xb1: {  	[dreg:$0x5] =	wrdreg $0x9  }
0xb2: {  	_ =	task.clear_ibuf [dreg:s7], $0x6FFFF;
	_ =	strace $0x90000049  }
0xb3: {  	s29 =	simm.s32 $0x9;
	_ =	strace $0x8000004B  }
0xb4: {  	_ =	swait.ge [sflag:s29], $0x1  }
0xb5: {  	[sflag:s29] =	ssyncadd.s32 $0xFFFFFFFF  }
0xb6: {  	_ =	strace $0x9000004B  }
0xb7: {  	_ =	sfence  }
0xb8: {  	s30 =	sld [smem:$0x0];
	_ =	sdelay $0x2  }
0xb9: {  	s31 =	sshll.u32 s1, $0xD;
	s1 =	sshrl.u32 s1, $0x2  }
0xba: {  	s3 =	sand.u32 $0x4000, s31;
	s1 =	sadd.s32 s1, s30  }
0xbb: {  	s0 =	sor.u32 s3, s0;
	s1 =	sshll.u32 s1, $0x11  }
0xbc: {  	s0 =	sor.u32 s1, s0  }
0xbd: {  	s0 =	sadd.s32 $0x8F2B, s0  }
0xbe: {  	[sflag:s0] =	ssyncadd.remote.s32 $0x1  }
0xbf: {  	_ =	sfence.sel $0xFFFF  }
0xc0: {  	[dreg:$0x0] =	wrdreg $0xFFFFFFFF;
	(pc) =	sbr.abs _section_cstart, $3  }
0xc1: {  	[dreg:$0x1] =	wrdreg $0xFFFFFFFF  }
0xc2: {  	_ =	task.clear_ibuf [dreg:s7], $0x2FFFF;
	_ =	strace $0x9FFFFFFF  }
0xc3: {  	(tm) =	ssettm $0x7FFFFFFF  }
tec
execute0_lowered:
.L_overlay_start_1:
0x0: {  	(tag) =	ssettag $0x1  }
0x1: {  	s6 =	rddreg [dreg:$0x0]  }
0x2: {  	s9 =	rddreg [dreg:$0x1]  }
0x3: {  	s2 =	rddreg [dreg:$0x2]  }
0x4: {  	s0 =	rddreg [dreg:$0x3];
	s3 =	simm.s32 $0x0  }
0x5: {  	s4 =	srdreg.scid;
	s1 =	stileid.u32;
	s14 =	simm.s32 $0x2000  }
0x6: {  	s15 =	simm.s32 $0x80;
	s16 =	simm.s32 $0x4800;
	s17 =	simm.s32 $0x5  }
0x7: {  	s18 =	simm.s32 $0x3;
	s19 =	simm.s32 $0x7000;
	s20 =	simm.s32 $0x4  }
0x8: {  	s21 =	simm.s32 $0x2;
	s22 =	simm.s32 $0x1;
	[smem:$0x7FF] =	sst s3  }
0x9: {  	s7 =	sand.u32 $0x1, s4;
	s8 =	smul.u32 $0x50000, s1;
	s4 =	sadd.s32 $0x67E00, s6  }
0xa: {  	s13 =	smul.u32 $0x14000, s1;
	s5 =	sadd.s32 $0x8FE00, s6;
	s6 =	sadd.s32 $0x3E00, s6  }
0xb: {  	s31 =	sshll.u32 s1, $0x1;
	s10 =	ssub.s32 $0x2, s7;
	s11 =	smul.u32 $0x140000, s7  }
.Ltmp0:
0xc: {  	_ =	strace $0x8000004A;
	s12 =	sshrl.u32 s10, $0x1;
	(pc) =	sbr.rel .LBB2_1-.Ltmp0, $4  }
0xd: {  	s8 =	sshrl.u32 s8, $0x2;
	s10 =	ssub.s32 s10, s12;
	s11 =	sadd.s32 s13, s11  }
0xe: {  	s12 =	sor.u32 s7, s31;
	s7 =	sadd.s32 s8, s2;
	s13 =	simm.s32 $0x50  }
0xf: {  	s11 =	sshrl.u32 s11, $0x3;
	s8 =	smul.u32 $0x5000, s12;
	s10 =	smax.u32 s10, $0x1  }
0x10: {  	v0 =	vimm.f32 $0.0e+00;
	s12 =	simm.s32 $0x7;
	s9 =	sadd.s32 s9, s11;
	s11 =	simm.s32 $0x9800  }
.LBB2_14:
0x11: {  	s3 =	sadd.s32 $0x1, s3  }
0x12: {  	s23 =	sshll.u32 s1, $0x6;
	[bflag:$0x0] =	sbarrier.arrive $0xFFFF;
	p0 =	sne.s32 s3, s10  }
.Ltmp1:
0x13: {  	s24 =	sshrl.u32 s7, $0x3;
	s23 =	sor.u32 $0x1C07, s23;
	(pc) =	sbr.rel @!p0 .LBB2_15-.Ltmp1, $4  }
0x14: {  	[hbm:s9], [sflag:s23] =	dma.local [spmem:s24], $0x2800  }
0x15: {  	_ =	swait.ge [sflag:s12], $0x2800  }
0x16: {  	[sflag:s12] =	ssyncset.done $0x0  }
0x17: {  	[sflag:s12] =	ssyncadd.s32 $0xFFFFD800  }
.LBB2_1:
0x18: {  	s23 =	simm.s32 $0x0;
	s24 =	simm.s32 $0x0  }
.LBB2_2:
0x19: {  	p0 =	sne.s32 s24, $0xFC0  }
.Ltmp2:
0x1a: {  	_ = 	snop;
	(pc) =	sbr.rel @p0 .LBB2_2-.Ltmp2, $4  }
0x1b: {  	s25 =	sand.u32 $0xE00, s24  }
0x1c: {  	s26 =	sand.u32 $0x70, s23;
	s25 =	sshrl.u32 s25, $0x2  }
0x1d: {  	s25 =	sor.u32 s26, s25  }
0x1e: {  	s23 =	sadd.s32 $0x10, s23;
	s24 =	sadd.s32 $0x40, s24;
	[tilespmem:s25+$0x9800] =	vst v0  }
0x1f: {  	s23 =	sadd.s32 $0x0, s7  }
0x20: {  	[spmem:s23] =	stream.linear.scatter [tilespmem:s11], [sflag:$0x7], $0x400, $0x38;
	[tilespmem:$0x1DC00] =	vst v63  }
0x21: {  	s23 =	simm.s32 $0x1000;
	_ =	swait.ge [sflag:s12], $0x400  }
.LBB2_4:
0x22: {  	s24 =	sshra.s32 s23, $0x2;
	[sflag:s12] =	ssyncset.done $0x0;
	p0 =	sne.s32 s23, $0x4F000  }
.Ltmp3:
0x23: {  	s24 =	sadd.s32 s24, s7;
	[sflag:s12] =	ssyncadd.s32 $0xFFFFFC00;
	(pc) =	sbr.rel @p0 .LBB2_4-.Ltmp3, $3  }
0x24: {  	[spmem:s24] =	stream.linear.scatter [tilespmem:s11], [sflag:$0x7], $0x400, $0x38;
	[tilespmem:$0x1DC00] =	vst v63  }
0x25: {  	s23 =	sadd.s32 $0x1000, s23;
	_ =	sdelay $0x1  }
0x26: {  	_ =	swait.ge [sflag:s12], $0x400  }
.Ltmp4:
0x27: {  	(pc) =	sbr.rel .LBB2_6-.Ltmp4, $4  }
0x28: {  	[sflag:s12] =	ssyncset.done $0x0  }
0x29: {  	[sflag:s12] =	ssyncadd.s32 $0xFFFFFC00  }
0x2a: {  	[bflag:$0x0] =	sbarrier.arrive $0xFFFF  }
0x2b: {  	s23 =	simm.s32 $0x0;
	s24 =	simm.s32 $0x0  }
.LBB2_13:
0x2c: {  	s24 =	sadd.s32 $0x1, s24  }
0x2d: {  	p0 =	sne.s32 s24, $0x5  }
.Ltmp5:
0x2e: {  	_ = 	snop;
	(pc) =	sbr.rel @!p0 .LBB2_14-.Ltmp5, $4  }
0x2f: {  	_ = 	snop  }
0x30: {  	_ =	swait.ge [sflag:s20], $0x2800  }
0x31: {  	[sflag:s20] =	ssyncset.done $0x0  }
0x32: {  	[sflag:s20] =	ssyncadd.s32 $0xFFFFD800  }
.LBB2_6:
0x33: {  	s25 =	sshll.u32 s24, $0xC  }
0x34: {  	s25 =	sadd.s32 s8, s25  }
0x35: {  	s25 =	sshrl.u32 s25, $0x3  }
0x36: {  	s26 =	sadd.s32 s5, s25  }
0x37: {  	[tilespmem:s23], [sflag:$0x7] =	stream.linear.gather [hbm4b:s26+s23], $0xC80, $0x38;
	[tilespmem:$0x1DC00] =	vst v63  }
0x38: {  	_ =	swait.ge [sflag:s12], $0xC80  }
0x39: {  	[sflag:s12] =	ssyncset.done $0x0  }
0x3a: {  	s31 =	sadd.s32 s6, s25;
	s25 =	simm.s32 $0x1000;
	[sflag:s12] =	ssyncadd.s32 $0xFFFFF380  }
0x3b: {  	[tilespmem:s25], [sflag:$0x7] =	stream.linear.gather [hbm4b:s31+s23], $0xC80, $0x38;
	[tilespmem:$0x1DC00] =	vst v63  }
0x3c: {  	_ =	swait.ge [sflag:s12], $0xC80  }
.Ltmp6:
0x3d: {  	[sflag:s12] =	ssyncset.done $0x0;
	(pc) =	sbr.rel .LBB2_7-.Ltmp6, $4  }
0x3e: {  	[sflag:s12] =	ssyncadd.s32 $0xFFFFF380  }
0x3f: {  	[tilespmem:s14], [sflag:$0x1] =	stream.indirect.gather [hbm4b:s4+s13], $0x80, s23, s13, $0xb8;
	[tilespmem:$0x1DC00] =	vst v63  }
0x40: {  	s28 =	simm.s32 $0x0;
	s26 =	simm.s32 $0x100  }
0x41: {  	[tilespmem:s16], [sflag:$0x2] =	stream.indirect.gather [hbm4b:s4+s13], $0x80, s15, s13, $0xb8;
	[tilespmem:$0x1DC00] =	vst v63  }
.LBB2_11:
0x42: {  	_ =	swait.ge [sflag:s17], $0x2800  }
0x43: {  	p0 =	sgt.u32 s28, $0x16;
	[sflag:s17] =	ssyncset.done $0x0  }
0x44: {  	s29 =	simm.s32 @!p0 $0x50;
	s30 =	simm.s32 @!p0 $0x4800;
	[sflag:s17] =	ssyncadd.s32 $0xFFFFD800  }
0x45: {  	[tilespmem:s30], [sflag:$0x2] =	stream.indirect.gather @!p0 [hbm4b:s4+s29], $0x80, s26, s29, $0xb8;
	[tilespmem:$0x1DC00] =	vst v63  }
0x46: {  	_ =	swait.ge [sflag:s18], $0x2800  }
0x47: {  	[sflag:s18] =	ssyncset.done $0x0  }
0x48: {  	[sflag:s18] =	ssyncadd.s32 $0xFFFFD800  }
0x49: {  	[spmem:s2] =	stream.indirect.scatter.add.f32 [tilespmem:s19], [sflag:$0x6], $0x80, s25, s13, $0xb8;
	[tilespmem:$0x1DC00] =	vst v63  }
.LBB2_12:
0x4a: {  	s28 =	sadd.s32 $0x1, s28  }
0x4b: {  	p0 =	sne.s32 s28, $0x19  }
.Ltmp7:
0x4c: {  	_ = 	snop;
	(pc) =	sbr.rel @!p0 .LBB2_13-.Ltmp7, $2  }
0x4d: {  	_ =	sdelay $0x2  }
0x4e: {  	s25 =	sadd.s32 $0x80, s25;
	s26 =	sadd.s32 $0x80, s26  }
.LBB2_7:
0x4f: {  	s29 =	smul.u32 $0xAB, s28;
	_ =	sdelay $0x1  }
0x50: {  	s29 =	sshrl.u32 s29, $0x9  }
0x51: {  	s29 =	sand.u32 $0x7F, s29  }
0x52: {  	s29 =	smul.u32 $0x3, s29;
	_ =	sdelay $0x1  }
0x53: {  	s29 =	ssub.s32 s28, s29  }
0x54: {  	s29 =	sand.u32 $0xFF, s29  }
0x55: {  	p0 =	seq.s32 s29, $0x2  }
.Ltmp8:
0x56: {  	_ = 	snop;
	(pc) =	sbr.rel @p0 .LBB2_11-.Ltmp8, $1  }
0x57: {  	_ =	sdelay $0x3  }
0x58: {  	p0 =	seq.s32 s29, $0x1  }
.Ltmp9:
0x59: {  	_ = 	snop;
	(pc) =	sbr.rel @!p0 .LBB2_9-.Ltmp9, $1  }
0x5a: {  	_ =	sdelay $0x3  }
0x5b: {  	_ =	swait.ge [sflag:s20], $0x2800  }
0x5c: {  	p0 =	sgt.u32 s28, $0x16;
	[sflag:s20] =	ssyncset.done $0x0  }
0x5d: {  	s29 =	simm.s32 @!p0 $0x50;
	s30 =	simm.s32 @!p0 $0x2000;
	[sflag:s20] =	ssyncadd.s32 $0xFFFFD800  }
0x5e: {  	[tilespmem:s30], [sflag:$0x1] =	stream.indirect.gather @!p0 [hbm4b:s4+s29], $0x80, s26, s29, $0xb8;
	[tilespmem:$0x1DC00] =	vst v63  }
.Ltmp10:
0x5f: {  	_ = 	snop;
	(pc) =	sbr.rel .LBB2_12-.Ltmp10, $4  }
0x60: {  	_ =	swait.ge [sflag:s21], $0x2800  }
0x61: {  	[sflag:s21] =	ssyncset.done $0x0  }
0x62: {  	[sflag:s21] =	ssyncadd.s32 $0xFFFFD800  }
0x63: {  	[spmem:s2] =	stream.indirect.scatter.add.f32 [tilespmem:s16], [sflag:$0x5], $0x80, s25, s13, $0xb8;
	[tilespmem:$0x1DC00] =	vst v63  }
.LBB2_9:
0x64: {  	p0 =	seq.s32 s28, $0x0  }
0x65: {  	s29 =	simm.s32 @!p0 $0x6  }
0x66: {  	_ =	swait.ge @!p0 [sflag:s29], $0x2800  }
0x67: {  	p1 =	sgt.u32 @!p0 s28, $0x16;
	[sflag:s29] =	ssyncset.done @!p0 $0x0  }
0x68: {  	p1 =	por p0, !p1;
	[sflag:s29] =	ssyncadd.s32 @!p0 $0xFFFFD800  }
0x69: {  	[tilespmem:s19], [sflag:$0x3] =	stream.indirect.gather @p1 [hbm4b:s4+s13], $0x80, s26, s13, $0xb8;
	[tilespmem:$0x1DC00] =	vst v63  }
.Ltmp11:
0x6a: {  	_ = 	snop;
	(pc) =	sbr.rel .LBB2_12-.Ltmp11, $4  }
0x6b: {  	_ =	swait.ge [sflag:s22], $0x2800  }
0x6c: {  	[sflag:s22] =	ssyncset.done $0x0  }
0x6d: {  	[sflag:s22] =	ssyncadd.s32 $0xFFFFD800  }
0x6e: {  	[spmem:s2] =	stream.indirect.scatter.add.f32 [tilespmem:s14], [sflag:$0x4], $0x80, s25, s13, $0xb8;
	[tilespmem:$0x1DC00] =	vst v63  }
.LBB2_15:
0x6f: {  	_ =	sfence.sel $0x180000  }
0x70: {  	[bflag:$0x0] =	sbarrier.arrive $0xFFFF  }
0x71: {  	p0 =	sne.s32 s1, $0x0;
	_ =	strace $0x9000004A  }
0x72: {  	s0 =	sadd.s32 @!p0 $0x100000, s0;
	[bflag:$0x2] =	sbarrier.arrive $0xFFFF  }
0x73: {  	[sflag:s0] =	ssyncadd.tile.s32 @!p0 $0x1;
	_ =	shalt  }
.Lfunc_end2:
_tile_overlayer_lowered:
.L_overlay_start_2:
0x74: {  	(tag) =	ssettag $0x2  }
0x75: {  	s0 =	rddreg [dreg:$0x0];
	s2 =	stileid.u32  }
0x76: {  	s1 =	rddreg [dreg:$0x1];
	p0 =	sne.s32 s2, $0x0  }
0x77: {  	s3 =	rddreg [dreg:$0x2];
	[bflag:$0x3] =	sbarrier.arrive $0xFFFF;
	s2 =	simm.s32 @!p0 $0x1C07  }
0x78: {  	[timem:s3], [sflag:s2] =	dma.local @!p0 [hbm:s0], s1  }
0x79: {  	s0 =	simm.s32 @!p0 $0x7  }
0x7a: {  	_ =	swait.ge @!p0 [sflag:s0], s1  }
0x7b: {  	s1 =	ssub.s32 @!p0 $0x0, s1;
	[sflag:s0] =	ssyncset.done @!p0 $0x0  }
0x7c: {  	[sflag:s0] =	ssyncadd.s32 @!p0 s1  }
0x7d: {  	[bflag:$0x3] =	sbarrier.arrive $0xFFFF  }
0x7e: {  	_ =	shalt  }

// kernel: kernel.20.cloned.1.call-start
scs
__scs_entry_jumppad:
0x0: {  	(pc) =	sbr.rel $0x88, $3  }
0x1: {  	(tag) =	ssettag $0x0;
	lr =	simm.s32 $0x1  }
0x2: {  	[smem:$0x3F93] =	sst lr;
	_ =	strace $0xD0000000  }
0x3: {  	_ = 	snop  }
0x4: {  	_ = 	snop  }
0x5: {  	_ = 	snop  }
0x6: {  	_ = 	snop  }
0x7: {  	_ = 	snop  }
__scs_overlays_trampoline_lowered:
0x8: {  	[smem:$0x3FA2] =	sst s0  }
0x9: {  	[smem:$0x3FA3] =	sst s1  }
0xa: {  	[smem:$0x3FA4] =	sst s2  }
0xb: {  	[smem:$0x3FA5] =	sst s3  }
0xc: {  	[smem:$0x3FA6] =	sst s4  }
0xd: {  	[smem:$0x3FA7] =	sst s5  }
0xe: {  	[smem:$0x3FA8] =	sst s6  }
0xf: {  	[smem:$0x3FA9] =	sst s7  }
0x10: {  	[smem:$0x3FAA] =	sst s8  }
0x11: {  	[smem:$0x3FAB] =	sst s9;
	s0 =	simm.s32 @!p0 $0x0  }
0x12: {  	s1 =	sld [smem:$0x3F91];
	s0 =	simm.s32 @p0 $0x1  }
0x13: {  	[smem:$0x3FAC] =	sst s0;
	s0 =	simm.s32 @!p1 $0x0  }
0x14: {  	s2 =	sld [smem:$0x3F90];
	s0 =	simm.s32 @p1 $0x1  }
0x15: {  	[smem:$0x3FAD] =	sst s0;
	s0 =	simm.s32 @!p2 $0x0  }
0x16: {  	s3 =	sld [smem:$0x3FDB];
	s0 =	simm.s32 @p2 $0x1  }
0x17: {  	s4 =	simm.s32 $0x1BF5;
	[smem:$0x3FAF] =	sst s0  }
0x18: {  	s0 =	sld [smem:$0x3F92];
	_ =	swait.ge [sflag:s4], $0x0  }
0x19: {  	s7 =	sld [smem:$0x3F93]  }
0x1a: {  	s8 =	sadd.s32 $0xFFFFE003, lr  }
0x1b: {  	s9 =	sadd.s32 $0xFFFFFEF7, lr;
	s5 =	simm.s32 $0xFFFFFFFF;
	p2 =	slt.u32 s8, $0xFFFFF086  }
0x1c: {  	p1 =	slt.u32 s9, $0xF7A;
	s5 =	simm.s32 @!p2 $0x0  }
0x1d: {  	s5 =	simm.s32 @p1 $0x1;
	p0 =	seq.s32 s7, s2  }
0x1e: {  	s7 =	smul.u32 @!p0 $0xF7A, s2;
	p2 =	seq.s32 @!p0 s5, $0x0  }
0x1f: {  	s9 =	smul.u32 $0xF7A, s1;
	s8 =	simm.s32 @!p0 $0x1BF5;
	p2 =	por !p2, p0  }
0x20: {  	[sflag:s8] =	ssyncset.s32 @!p0 $0xFFFFF086;
	s6 =	sadd.s32 @!p0 s3, s7;
	s7 =	simm.s32 @!p0 $0x108  }
0x21: {  	s3 =	sadd.s32 s3, s9;
	s6 =	sadd.s32 @!p0 $0x88, s6;
	s7 =	simm.s32 @p2 $0x1082  }
0x22: {  	[simem:s7], [sflag:s8] =	dma.local @!p0 [hbm:s6], $0xF7A  }
0x23: {  	s9 =	sor.u32 $0xD0000000, s2;
	s6 =	simm.s32 $0x108;
	_ =	swait.ge @!p0 [sflag:s8], $0x0  }
0x24: {  	s3 =	sadd.s32 $0x88, s3;
	s6 =	simm.s32 @!p1 $0x1082;
	[sflag:s4] =	ssyncset.s32 $0xFFFFF086  }
0x25: {  	[simem:s6], [sflag:s4] =	dma.local [hbm:s3], $0xF7A  }
0x26: {  	[smem:$0x3F93] =	sst s1;
	(tag) =	ssettag s2;
	_ =	strace s9  }
0x27: {  	s1 =	sld [smem:$0x3FA3]  }
0x28: {  	s2 =	sld [smem:$0x3FA4]  }
0x29: {  	s4 =	sld [smem:$0x3FA6]  }
0x2a: {  	p0 =	seq.s32 s5, $0x0;
	s5 =	sld [smem:$0x3FA7]  }
0x2b: {  	s6 =	sld [smem:$0x3FA8]  }
0x2c: {  	s7 =	sld [smem:$0x3FA9]  }
0x2d: {  	s3 =	simm.s32 $0x108;
	s8 =	sld [smem:$0x3FAA]  }
0x2e: {  	s3 =	simm.s32 @!p0 $0x1082;
	s9 =	sld [smem:$0x3FAB]  }
0x2f: {  	lr =	sadd.s32 s0, s3;
	s0 =	sld [smem:$0x3FA2]  }
0x30: {  	s3 =	sld [smem:$0x3FA5]  }
0x31: {  	[smem:$0x3FAE] =	sst s10  }
0x32: {  	s10 =	sld [smem:$0x3FAC];
	_ =	sdelay $0x3  }
0x33: {  	p0 =	seq.s32 s10, $0x1;
	s10 =	sld [smem:$0x3FAE];
	_ =	sdelay $0x3  }
0x34: {  	[smem:$0x3FAE] =	sst s10  }
0x35: {  	s10 =	sld [smem:$0x3FAD];
	_ =	sdelay $0x3  }
0x36: {  	p1 =	seq.s32 s10, $0x1;
	s10 =	sld [smem:$0x3FAE];
	_ =	sdelay $0x3  }
0x37: {  	[smem:$0x3FAE] =	sst s10  }
0x38: {  	s10 =	sld [smem:$0x3FAF]  }
0x39: {  	_ = 	snop;
	(pc) =	sbr.ind lr, $3  }
0x3a: {  	_ = 	snop  }
0x3b: {  	_ = 	snop  }
0x3c: {  	p2 =	seq.s32 s10, $0x1;
	s10 =	sld [smem:$0x3FAE]  }
0x3d: {  	_ =	shalt  }
0x3e: {  	_ =	shalt  }
0x3f: {  	_ =	shalt  }
0x40: {  	_ =	shalt  }
0x41: {  	_ =	shalt  }
0x42: {  	_ =	shalt  }
0x43: {  	_ =	shalt  }
0x44: {  	_ =	shalt  }
0x45: {  	_ =	shalt  }
0x46: {  	_ =	shalt  }
0x47: {  	_ =	shalt  }
0x48: {  	_ =	shalt  }
0x49: {  	_ =	shalt  }
0x4a: {  	_ =	shalt  }
0x4b: {  	_ =	shalt  }
0x4c: {  	_ =	shalt  }
0x4d: {  	_ =	shalt  }
0x4e: {  	_ =	shalt  }
0x4f: {  	_ =	shalt  }
0x50: {  	_ =	shalt  }
0x51: {  	_ =	shalt  }
0x52: {  	_ =	shalt  }
0x53: {  	_ =	shalt  }
0x54: {  	_ =	shalt  }
0x55: {  	_ =	shalt  }
0x56: {  	_ =	shalt  }
0x57: {  	_ =	shalt  }
0x58: {  	_ =	shalt  }
0x59: {  	_ =	shalt  }
0x5a: {  	_ =	shalt  }
0x5b: {  	_ =	shalt  }
0x5c: {  	_ =	shalt  }
0x5d: {  	_ =	shalt  }
0x5e: {  	_ =	shalt  }
0x5f: {  	_ =	shalt  }
0x60: {  	_ =	shalt  }
0x61: {  	_ =	shalt  }
0x62: {  	_ =	shalt  }
0x63: {  	_ =	shalt  }
0x64: {  	_ =	shalt  }
0x65: {  	_ =	shalt  }
0x66: {  	_ =	shalt  }
0x67: {  	_ =	shalt  }
0x68: {  	_ =	shalt  }
0x69: {  	_ =	shalt  }
0x6a: {  	_ =	shalt  }
0x6b: {  	_ =	shalt  }
0x6c: {  	_ =	shalt  }
0x6d: {  	_ =	shalt  }
0x6e: {  	_ =	shalt  }
0x6f: {  	_ =	shalt  }
0x70: {  	_ =	shalt  }
0x71: {  	_ =	shalt  }
0x72: {  	_ =	shalt  }
0x73: {  	_ =	shalt  }
0x74: {  	_ =	shalt  }
0x75: {  	_ =	shalt  }
0x76: {  	_ =	shalt  }
0x77: {  	_ =	shalt  }
0x78: {  	_ =	shalt  }
0x79: {  	_ =	shalt  }
0x7a: {  	_ =	shalt  }
0x7b: {  	_ =	shalt  }
0x7c: {  	_ =	shalt  }
0x7d: {  	_ =	shalt  }
0x7e: {  	_ =	shalt  }
0x7f: {  	_ =	shalt  }
0x80: {  	_ =	shalt  }
0x81: {  	_ =	shalt  }
0x82: {  	_ =	shalt  }
0x83: {  	_ =	shalt  }
0x84: {  	_ =	shalt  }
0x85: {  	_ =	shalt  }
0x86: {  	_ =	shalt  }
0x87: {  	_ =	shalt  }
.Lfunc_end0:
.L_simem_size_0:
called_computation.2_lowered:
.L_overlay_start_0:
0x88: {  	s2 =	sld [smem:$0x3FD9]  }
0x89: {  	s3 =	sld [smem:$0x3FFE];
	_ =	sdelay $0x1  }
0x8a: {  	s1 =	srdreg.scid  }
0x8b: {  	s0 =	sand.u32 $0x1, s1  }
0x8c: {  	s17 =	sshll.u32 s0, $0xA;
	s2 =	sadd.s32 s3, s2  }
0x8d: {  	s2 =	sadd.s32 s2, s17  }
0x8e: {  	[smem:$0x3FBA] =	sst s2  }
0x8f: {  	_ = 	snop  }
0x90: {  	s2 =	sld [smem:$0x3FD0];
	(tm) =	ssettm $0x1  }
0x91: {  	s18 =	sld [smem:$0x3FFB];
	_ =	sdelay $0x3  }
0x92: {  	_ =	strace s18  }
0x93: {  	s3 =	sld [smem:$0x3FFC];
	_ =	sdelay $0x3  }
0x94: {  	_ =	strace s3  }
0x95: {  	s3 =	sld [smem:$0x3FFD];
	_ =	sdelay $0x3  }
0x96: {  	_ =	strace s3  }
0x97: {  	_ =	strace $0x8FFFFFFF  }
0x98: {  	s19 =	sld [smem:$0x3FDB];
	_ =	sdelay $0x1  }
0x99: {  	s4 =	simm.s32 $_scs_section_size  }
0x9a: {  	s5 =	simm.s32 $_size__tile_overlayer_lowered;
	s6 =	simm.s32 $_tile_overlayer_lowered  }
0x9b: {  	s22 =	simm.s32 $0x1BFF;
	s21 =	sshll.u32 s6, $0x1;
	s3 =	sadd.s32 s4, s19  }
0x9c: {  	s7 =	simm.s32 $0x0;
	s20 =	sshll.u32 s5, $0x1;
	s5 =	sadd.s32 s21, s3  }
0x9d: {  	[timem:s7], [sflag:s22] =	dma.local [hbm:s5], s20  }
0x9e: {  	_ =	swait.ge [sflag:s22], s20  }
0x9f: {  	s4 =	ssub.s32 $0x0, s20;
	[sflag:s22] =	ssyncset.done $0x0  }
0xa0: {  	[sflag:s22] =	ssyncadd.s32 s4;
	_ =	sdelay $0x1  }
0xa1: {  	s23 =	simm.s32 $0x1B8B  }
0xa2: {  	_ =	swait.ge [sflag:s23], $0x1  }
0xa3: {  	[sflag:s23] =	ssyncset.done $0x0  }
0xa4: {  	s25 =	simm.s32 $0x1B8E;
	s24 =	sld [smem:$0x3FFE];
	[sflag:s23] =	ssyncadd.s32 $0xFFFFFFFF  }
0xa5: {  	s26 =	simm.s32 $execute0_lowered;
	[smem:$0x3FD2] =	sst s25  }
0xa6: {  	s5 =	sshll.u32 s26, $0x1;
	_ =	strace $0x8000004C;
	[dreg:$0x1] =	wrdreg $0xFFFFFFFF  }
0xa7: {  	s28 =	simm.s32 $_size_execute0_lowered;
	s3 =	sadd.s32 s3, s5;
	[dreg:$0x0] =	wrdreg $0x0  }
0xa8: {  	s5 =	sshll.u32 s28, $0x1;
	[dreg:$0x2] =	wrdreg s3  }
0xa9: {  	[dreg:$0x3] =	wrdreg s5  }
0xaa: {  	[dreg:$0x4] =	wrdreg $0xC0  }
0xab: {  	_ =	task [dreg:s7], $0x5FFFF  }
0xac: {  	[dreg:$0x1] =	wrdreg $0xFFFFFFFF  }
0xad: {  	[dreg:$0x0] =	wrdreg $0x60  }
0xae: {  	[dreg:$0x2] =	wrdreg s24  }
0xaf: {  	[dreg:$0x3] =	wrdreg s2  }
0xb0: {  	[dreg:$0x4] =	wrdreg $0x9C000  }
0xb1: {  	[dreg:$0x5] =	wrdreg $0x9  }
0xb2: {  	_ =	task.clear_ibuf [dreg:s7], $0x6FFFF;
	_ =	strace $0x9000004C  }
0xb3: {  	s29 =	simm.s32 $0x9;
	_ =	strace $0x8000004E  }
0xb4: {  	_ =	swait.ge [sflag:s29], $0x1  }
0xb5: {  	[sflag:s29] =	ssyncadd.s32 $0xFFFFFFFF  }
0xb6: {  	_ =	strace $0x9000004E  }
0xb7: {  	_ =	sfence  }
0xb8: {  	s30 =	sld [smem:$0x0];
	_ =	sdelay $0x2  }
0xb9: {  	s31 =	sshll.u32 s1, $0xD;
	s1 =	sshrl.u32 s1, $0x2  }
0xba: {  	s3 =	sand.u32 $0x4000, s31;
	s1 =	sadd.s32 s1, s30  }
0xbb: {  	s0 =	sor.u32 s3, s0;
	s1 =	sshll.u32 s1, $0x11  }
0xbc: {  	s0 =	sor.u32 s1, s0  }
0xbd: {  	s0 =	sadd.s32 $0x8F2B, s0  }
0xbe: {  	[sflag:s0] =	ssyncadd.remote.s32 $0x1  }
0xbf: {  	_ =	sfence.sel $0xFFFF  }
0xc0: {  	[dreg:$0x0] =	wrdreg $0xFFFFFFFF;
	(pc) =	sbr.abs _section_cstart, $3  }
0xc1: {  	[dreg:$0x1] =	wrdreg $0xFFFFFFFF  }
0xc2: {  	_ =	task.clear_ibuf [dreg:s7], $0x2FFFF;
	_ =	strace $0x9FFFFFFF  }
0xc3: {  	(tm) =	ssettm $0x7FFFFFFF  }
tec
execute0_lowered:
.L_overlay_start_1:
0x0: {  	(tag) =	ssettag $0x1  }
0x1: {  	s6 =	rddreg [dreg:$0x0]  }
0x2: {  	s9 =	rddreg [dreg:$0x1]  }
0x3: {  	s2 =	rddreg [dreg:$0x2]  }
0x4: {  	s0 =	rddreg [dreg:$0x3];
	s3 =	simm.s32 $0x0  }
0x5: {  	s4 =	srdreg.scid;
	s1 =	stileid.u32;
	s14 =	simm.s32 $0x2000  }
0x6: {  	s15 =	simm.s32 $0x80;
	s16 =	simm.s32 $0x4800;
	s17 =	simm.s32 $0x5  }
0x7: {  	s18 =	simm.s32 $0x3;
	s19 =	simm.s32 $0x7000;
	s20 =	simm.s32 $0x4  }
0x8: {  	s21 =	simm.s32 $0x2;
	s22 =	simm.s32 $0x1;
	[smem:$0x7FF] =	sst s3  }
0x9: {  	s7 =	sand.u32 $0x1, s4;
	s8 =	smul.u32 $0x50000, s1;
	s4 =	sadd.s32 $0x17E00, s6  }
0xa: {  	s13 =	smul.u32 $0x14000, s1;
	s5 =	sadd.s32 $0x8FE00, s6;
	s6 =	sadd.s32 $0x3E00, s6  }
0xb: {  	s31 =	sshll.u32 s1, $0x1;
	s10 =	ssub.s32 $0x2, s7;
	s11 =	smul.u32 $0x140000, s7  }
.Ltmp0:
0xc: {  	_ =	strace $0x8000004D;
	s12 =	sshrl.u32 s10, $0x1;
	(pc) =	sbr.rel .LBB2_1-.Ltmp0, $4  }
0xd: {  	s8 =	sshrl.u32 s8, $0x2;
	s10 =	ssub.s32 s10, s12;
	s11 =	sadd.s32 s13, s11  }
0xe: {  	s12 =	sor.u32 s7, s31;
	s7 =	sadd.s32 s8, s2;
	s13 =	simm.s32 $0x50  }
0xf: {  	s11 =	sshrl.u32 s11, $0x3;
	s8 =	smul.u32 $0x5000, s12;
	s10 =	smax.u32 s10, $0x1  }
0x10: {  	v0 =	vimm.f32 $0.0e+00;
	s12 =	simm.s32 $0x7;
	s9 =	sadd.s32 s9, s11;
	s11 =	simm.s32 $0x9800  }
.LBB2_14:
0x11: {  	s3 =	sadd.s32 $0x1, s3  }
0x12: {  	s23 =	sshll.u32 s1, $0x6;
	[bflag:$0x0] =	sbarrier.arrive $0xFFFF;
	p0 =	sne.s32 s3, s10  }
.Ltmp1:
0x13: {  	s24 =	sshrl.u32 s7, $0x3;
	s23 =	sor.u32 $0x1C07, s23;
	(pc) =	sbr.rel @!p0 .LBB2_15-.Ltmp1, $4  }
0x14: {  	[hbm:s9], [sflag:s23] =	dma.local [spmem:s24], $0x2800  }
0x15: {  	_ =	swait.ge [sflag:s12], $0x2800  }
0x16: {  	[sflag:s12] =	ssyncset.done $0x0  }
0x17: {  	[sflag:s12] =	ssyncadd.s32 $0xFFFFD800  }
.LBB2_1:
0x18: {  	s23 =	simm.s32 $0x0;
	s24 =	simm.s32 $0x0  }
.LBB2_2:
0x19: {  	p0 =	sne.s32 s24, $0xFC0  }
.Ltmp2:
0x1a: {  	_ = 	snop;
	(pc) =	sbr.rel @p0 .LBB2_2-.Ltmp2, $4  }
0x1b: {  	s25 =	sand.u32 $0xE00, s24  }
0x1c: {  	s26 =	sand.u32 $0x70, s23;
	s25 =	sshrl.u32 s25, $0x2  }
0x1d: {  	s25 =	sor.u32 s26, s25  }
0x1e: {  	s23 =	sadd.s32 $0x10, s23;
	s24 =	sadd.s32 $0x40, s24;
	[tilespmem:s25+$0x9800] =	vst v0  }
0x1f: {  	s23 =	sadd.s32 $0x0, s7  }
0x20: {  	[spmem:s23] =	stream.linear.scatter [tilespmem:s11], [sflag:$0x7], $0x400, $0x38;
	[tilespmem:$0x1DC00] =	vst v63  }
0x21: {  	s23 =	simm.s32 $0x1000;
	_ =	swait.ge [sflag:s12], $0x400  }
.LBB2_4:
0x22: {  	s24 =	sshra.s32 s23, $0x2;
	[sflag:s12] =	ssyncset.done $0x0;
	p0 =	sne.s32 s23, $0x4F000  }
.Ltmp3:
0x23: {  	s24 =	sadd.s32 s24, s7;
	[sflag:s12] =	ssyncadd.s32 $0xFFFFFC00;
	(pc) =	sbr.rel @p0 .LBB2_4-.Ltmp3, $3  }
0x24: {  	[spmem:s24] =	stream.linear.scatter [tilespmem:s11], [sflag:$0x7], $0x400, $0x38;
	[tilespmem:$0x1DC00] =	vst v63  }
0x25: {  	s23 =	sadd.s32 $0x1000, s23;
	_ =	sdelay $0x1  }
0x26: {  	_ =	swait.ge [sflag:s12], $0x400  }
.Ltmp4:
0x27: {  	(pc) =	sbr.rel .LBB2_6-.Ltmp4, $4  }
0x28: {  	[sflag:s12] =	ssyncset.done $0x0  }
0x29: {  	[sflag:s12] =	ssyncadd.s32 $0xFFFFFC00  }
0x2a: {  	[bflag:$0x0] =	sbarrier.arrive $0xFFFF  }
0x2b: {  	s23 =	simm.s32 $0x0;
	s24 =	simm.s32 $0x0  }
.LBB2_13:
0x2c: {  	s24 =	sadd.s32 $0x1, s24  }
0x2d: {  	p0 =	sne.s32 s24, $0x5  }
.Ltmp5:
0x2e: {  	_ = 	snop;
	(pc) =	sbr.rel @!p0 .LBB2_14-.Ltmp5, $4  }
0x2f: {  	_ = 	snop  }
0x30: {  	_ =	swait.ge [sflag:s20], $0x2800  }
0x31: {  	[sflag:s20] =	ssyncset.done $0x0  }
0x32: {  	[sflag:s20] =	ssyncadd.s32 $0xFFFFD800  }
.LBB2_6:
0x33: {  	s25 =	sshll.u32 s24, $0xC  }
0x34: {  	s25 =	sadd.s32 s8, s25  }
0x35: {  	s25 =	sshrl.u32 s25, $0x3  }
0x36: {  	s26 =	sadd.s32 s5, s25  }
0x37: {  	[tilespmem:s23], [sflag:$0x7] =	stream.linear.gather [hbm4b:s26+s23], $0xC80, $0x38;
	[tilespmem:$0x1DC00] =	vst v63  }
0x38: {  	_ =	swait.ge [sflag:s12], $0xC80  }
0x39: {  	[sflag:s12] =	ssyncset.done $0x0  }
0x3a: {  	s31 =	sadd.s32 s6, s25;
	s25 =	simm.s32 $0x1000;
	[sflag:s12] =	ssyncadd.s32 $0xFFFFF380  }
0x3b: {  	[tilespmem:s25], [sflag:$0x7] =	stream.linear.gather [hbm4b:s31+s23], $0xC80, $0x38;
	[tilespmem:$0x1DC00] =	vst v63  }
0x3c: {  	_ =	swait.ge [sflag:s12], $0xC80  }
.Ltmp6:
0x3d: {  	[sflag:s12] =	ssyncset.done $0x0;
	(pc) =	sbr.rel .LBB2_7-.Ltmp6, $4  }
0x3e: {  	[sflag:s12] =	ssyncadd.s32 $0xFFFFF380  }
0x3f: {  	[tilespmem:s14], [sflag:$0x1] =	stream.indirect.gather [hbm4b:s4+s13], $0x80, s23, s13, $0xb8;
	[tilespmem:$0x1DC00] =	vst v63  }
0x40: {  	s28 =	simm.s32 $0x0;
	s26 =	simm.s32 $0x100  }
0x41: {  	[tilespmem:s16], [sflag:$0x2] =	stream.indirect.gather [hbm4b:s4+s13], $0x80, s15, s13, $0xb8;
	[tilespmem:$0x1DC00] =	vst v63  }
.LBB2_11:
0x42: {  	_ =	swait.ge [sflag:s17], $0x2800  }
0x43: {  	p0 =	sgt.u32 s28, $0x16;
	[sflag:s17] =	ssyncset.done $0x0  }
0x44: {  	s29 =	simm.s32 @!p0 $0x50;
	s30 =	simm.s32 @!p0 $0x4800;
	[sflag:s17] =	ssyncadd.s32 $0xFFFFD800  }
0x45: {  	[tilespmem:s30], [sflag:$0x2] =	stream.indirect.gather @!p0 [hbm4b:s4+s29], $0x80, s26, s29, $0xb8;
	[tilespmem:$0x1DC00] =	vst v63  }
0x46: {  	_ =	swait.ge [sflag:s18], $0x2800  }
0x47: {  	[sflag:s18] =	ssyncset.done $0x0  }
0x48: {  	[sflag:s18] =	ssyncadd.s32 $0xFFFFD800  }
0x49: {  	[spmem:s2] =	stream.indirect.scatter.add.f32 [tilespmem:s19], [sflag:$0x6], $0x80, s25, s13, $0xb8;
	[tilespmem:$0x1DC00] =	vst v63  }
.LBB2_12:
0x4a: {  	s28 =	sadd.s32 $0x1, s28  }
0x4b: {  	p0 =	sne.s32 s28, $0x19  }
.Ltmp7:
0x4c: {  	_ = 	snop;
	(pc) =	sbr.rel @!p0 .LBB2_13-.Ltmp7, $2  }
0x4d: {  	_ =	sdelay $0x2  }
0x4e: {  	s25 =	sadd.s32 $0x80, s25;
	s26 =	sadd.s32 $0x80, s26  }
.LBB2_7:
0x4f: {  	s29 =	smul.u32 $0xAB, s28;
	_ =	sdelay $0x1  }
0x50: {  	s29 =	sshrl.u32 s29, $0x9  }
0x51: {  	s29 =	sand.u32 $0x7F, s29  }
0x52: {  	s29 =	smul.u32 $0x3, s29;
	_ =	sdelay $0x1  }
0x53: {  	s29 =	ssub.s32 s28, s29  }
0x54: {  	s29 =	sand.u32 $0xFF, s29  }
0x55: {  	p0 =	seq.s32 s29, $0x2  }
.Ltmp8:
0x56: {  	_ = 	snop;
	(pc) =	sbr.rel @p0 .LBB2_11-.Ltmp8, $1  }
0x57: {  	_ =	sdelay $0x3  }
0x58: {  	p0 =	seq.s32 s29, $0x1  }
.Ltmp9:
0x59: {  	_ = 	snop;
	(pc) =	sbr.rel @!p0 .LBB2_9-.Ltmp9, $1  }
0x5a: {  	_ =	sdelay $0x3  }
0x5b: {  	_ =	swait.ge [sflag:s20], $0x2800  }
0x5c: {  	p0 =	sgt.u32 s28, $0x16;
	[sflag:s20] =	ssyncset.done $0x0  }
0x5d: {  	s29 =	simm.s32 @!p0 $0x50;
	s30 =	simm.s32 @!p0 $0x2000;
	[sflag:s20] =	ssyncadd.s32 $0xFFFFD800  }
0x5e: {  	[tilespmem:s30], [sflag:$0x1] =	stream.indirect.gather @!p0 [hbm4b:s4+s29], $0x80, s26, s29, $0xb8;
	[tilespmem:$0x1DC00] =	vst v63  }
.Ltmp10:
0x5f: {  	_ = 	snop;
	(pc) =	sbr.rel .LBB2_12-.Ltmp10, $4  }
0x60: {  	_ =	swait.ge [sflag:s21], $0x2800  }
0x61: {  	[sflag:s21] =	ssyncset.done $0x0  }
0x62: {  	[sflag:s21] =	ssyncadd.s32 $0xFFFFD800  }
0x63: {  	[spmem:s2] =	stream.indirect.scatter.add.f32 [tilespmem:s16], [sflag:$0x5], $0x80, s25, s13, $0xb8;
	[tilespmem:$0x1DC00] =	vst v63  }
.LBB2_9:
0x64: {  	p0 =	seq.s32 s28, $0x0  }
0x65: {  	s29 =	simm.s32 @!p0 $0x6  }
0x66: {  	_ =	swait.ge @!p0 [sflag:s29], $0x2800  }
0x67: {  	p1 =	sgt.u32 @!p0 s28, $0x16;
	[sflag:s29] =	ssyncset.done @!p0 $0x0  }
0x68: {  	p1 =	por p0, !p1;
	[sflag:s29] =	ssyncadd.s32 @!p0 $0xFFFFD800  }
0x69: {  	[tilespmem:s19], [sflag:$0x3] =	stream.indirect.gather @p1 [hbm4b:s4+s13], $0x80, s26, s13, $0xb8;
	[tilespmem:$0x1DC00] =	vst v63  }
.Ltmp11:
0x6a: {  	_ = 	snop;
	(pc) =	sbr.rel .LBB2_12-.Ltmp11, $4  }
0x6b: {  	_ =	swait.ge [sflag:s22], $0x2800  }
0x6c: {  	[sflag:s22] =	ssyncset.done $0x0  }
0x6d: {  	[sflag:s22] =	ssyncadd.s32 $0xFFFFD800  }
0x6e: {  	[spmem:s2] =	stream.indirect.scatter.add.f32 [tilespmem:s14], [sflag:$0x4], $0x80, s25, s13, $0xb8;
	[tilespmem:$0x1DC00] =	vst v63  }
.LBB2_15:
0x6f: {  	_ =	sfence.sel $0x180000  }
0x70: {  	[bflag:$0x0] =	sbarrier.arrive $0xFFFF  }
0x71: {  	p0 =	sne.s32 s1, $0x0;
	_ =	strace $0x9000004D  }
0x72: {  	s0 =	sadd.s32 @!p0 $0x100000, s0;
	[bflag:$0x2] =	sbarrier.arrive $0xFFFF  }
0x73: {  	[sflag:s0] =	ssyncadd.tile.s32 @!p0 $0x1;
	_ =	shalt  }
.Lfunc_end2:
_tile_overlayer_lowered:
.L_overlay_start_2:
0x74: {  	(tag) =	ssettag $0x2  }
0x75: {  	s0 =	rddreg [dreg:$0x0];
	s2 =	stileid.u32  }
0x76: {  	s1 =	rddreg [dreg:$0x1];
	p0 =	sne.s32 s2, $0x0  }
0x77: {  	s3 =	rddreg [dreg:$0x2];
	[bflag:$0x3] =	sbarrier.arrive $0xFFFF;
	s2 =	simm.s32 @!p0 $0x1C07  }
0x78: {  	[timem:s3], [sflag:s2] =	dma.local @!p0 [hbm:s0], s1  }
0x79: {  	s0 =	simm.s32 @!p0 $0x7  }
0x7a: {  	_ =	swait.ge @!p0 [sflag:s0], s1  }
0x7b: {  	s1 =	ssub.s32 @!p0 $0x0, s1;
	[sflag:s0] =	ssyncset.done @!p0 $0x0  }
0x7c: {  	[sflag:s0] =	ssyncadd.s32 @!p0 s1  }
0x7d: {  	[bflag:$0x3] =	sbarrier.arrive $0xFFFF  }
0x7e: {  	_ =	shalt  }

// kernel: kernel.23.cloned.1.call-start
scs
__scs_entry_jumppad:
0x0: {  	(pc) =	sbr.rel $0x88, $3  }
0x1: {  	(tag) =	ssettag $0x0;
	lr =	simm.s32 $0x1  }
0x2: {  	[smem:$0x3F93] =	sst lr;
	_ =	strace $0xD0000000  }
0x3: {  	_ = 	snop  }
0x4: {  	_ = 	snop  }
0x5: {  	_ = 	snop  }
0x6: {  	_ = 	snop  }
0x7: {  	_ = 	snop  }
__scs_overlays_trampoline_lowered:
0x8: {  	[smem:$0x3FA2] =	sst s0  }
0x9: {  	[smem:$0x3FA3] =	sst s1  }
0xa: {  	[smem:$0x3FA4] =	sst s2  }
0xb: {  	[smem:$0x3FA5] =	sst s3  }
0xc: {  	[smem:$0x3FA6] =	sst s4  }
0xd: {  	[smem:$0x3FA7] =	sst s5  }
0xe: {  	[smem:$0x3FA8] =	sst s6  }
0xf: {  	[smem:$0x3FA9] =	sst s7  }
0x10: {  	[smem:$0x3FAA] =	sst s8  }
0x11: {  	[smem:$0x3FAB] =	sst s9;
	s0 =	simm.s32 @!p0 $0x0  }
0x12: {  	s1 =	sld [smem:$0x3F91];
	s0 =	simm.s32 @p0 $0x1  }
0x13: {  	[smem:$0x3FAC] =	sst s0;
	s0 =	simm.s32 @!p1 $0x0  }
0x14: {  	s2 =	sld [smem:$0x3F90];
	s0 =	simm.s32 @p1 $0x1  }
0x15: {  	[smem:$0x3FAD] =	sst s0;
	s0 =	simm.s32 @!p2 $0x0  }
0x16: {  	s3 =	sld [smem:$0x3FDB];
	s0 =	simm.s32 @p2 $0x1  }
0x17: {  	s4 =	simm.s32 $0x1BF5;
	[smem:$0x3FAF] =	sst s0  }
0x18: {  	s0 =	sld [smem:$0x3F92];
	_ =	swait.ge [sflag:s4], $0x0  }
0x19: {  	s7 =	sld [smem:$0x3F93]  }
0x1a: {  	s8 =	sadd.s32 $0xFFFFE003, lr  }
0x1b: {  	s9 =	sadd.s32 $0xFFFFFEF7, lr;
	s5 =	simm.s32 $0xFFFFFFFF;
	p2 =	slt.u32 s8, $0xFFFFF086  }
0x1c: {  	p1 =	slt.u32 s9, $0xF7A;
	s5 =	simm.s32 @!p2 $0x0  }
0x1d: {  	s5 =	simm.s32 @p1 $0x1;
	p0 =	seq.s32 s7, s2  }
0x1e: {  	s7 =	smul.u32 @!p0 $0xF7A, s2;
	p2 =	seq.s32 @!p0 s5, $0x0  }
0x1f: {  	s9 =	smul.u32 $0xF7A, s1;
	s8 =	simm.s32 @!p0 $0x1BF5;
	p2 =	por !p2, p0  }
0x20: {  	[sflag:s8] =	ssyncset.s32 @!p0 $0xFFFFF086;
	s6 =	sadd.s32 @!p0 s3, s7;
	s7 =	simm.s32 @!p0 $0x108  }
0x21: {  	s3 =	sadd.s32 s3, s9;
	s6 =	sadd.s32 @!p0 $0x88, s6;
	s7 =	simm.s32 @p2 $0x1082  }
0x22: {  	[simem:s7], [sflag:s8] =	dma.local @!p0 [hbm:s6], $0xF7A  }
0x23: {  	s9 =	sor.u32 $0xD0000000, s2;
	s6 =	simm.s32 $0x108;
	_ =	swait.ge @!p0 [sflag:s8], $0x0  }
0x24: {  	s3 =	sadd.s32 $0x88, s3;
	s6 =	simm.s32 @!p1 $0x1082;
	[sflag:s4] =	ssyncset.s32 $0xFFFFF086  }
0x25: {  	[simem:s6], [sflag:s4] =	dma.local [hbm:s3], $0xF7A  }
0x26: {  	[smem:$0x3F93] =	sst s1;
	(tag) =	ssettag s2;
	_ =	strace s9  }
0x27: {  	s1 =	sld [smem:$0x3FA3]  }
0x28: {  	s2 =	sld [smem:$0x3FA4]  }
0x29: {  	s4 =	sld [smem:$0x3FA6]  }
0x2a: {  	p0 =	seq.s32 s5, $0x0;
	s5 =	sld [smem:$0x3FA7]  }
0x2b: {  	s6 =	sld [smem:$0x3FA8]  }
0x2c: {  	s7 =	sld [smem:$0x3FA9]  }
0x2d: {  	s3 =	simm.s32 $0x108;
	s8 =	sld [smem:$0x3FAA]  }
0x2e: {  	s3 =	simm.s32 @!p0 $0x1082;
	s9 =	sld [smem:$0x3FAB]  }
0x2f: {  	lr =	sadd.s32 s0, s3;
	s0 =	sld [smem:$0x3FA2]  }
0x30: {  	s3 =	sld [smem:$0x3FA5]  }
0x31: {  	[smem:$0x3FAE] =	sst s10  }
0x32: {  	s10 =	sld [smem:$0x3FAC];
	_ =	sdelay $0x3  }
0x33: {  	p0 =	seq.s32 s10, $0x1;
	s10 =	sld [smem:$0x3FAE];
	_ =	sdelay $0x3  }
0x34: {  	[smem:$0x3FAE] =	sst s10  }
0x35: {  	s10 =	sld [smem:$0x3FAD];
	_ =	sdelay $0x3  }
0x36: {  	p1 =	seq.s32 s10, $0x1;
	s10 =	sld [smem:$0x3FAE];
	_ =	sdelay $0x3  }
0x37: {  	[smem:$0x3FAE] =	sst s10  }
0x38: {  	s10 =	sld [smem:$0x3FAF]  }
0x39: {  	_ = 	snop;
	(pc) =	sbr.ind lr, $3  }
0x3a: {  	_ = 	snop  }
0x3b: {  	_ = 	snop  }
0x3c: {  	p2 =	seq.s32 s10, $0x1;
	s10 =	sld [smem:$0x3FAE]  }
0x3d: {  	_ =	shalt  }
0x3e: {  	_ =	shalt  }
0x3f: {  	_ =	shalt  }
0x40: {  	_ =	shalt  }
0x41: {  	_ =	shalt  }
0x42: {  	_ =	shalt  }
0x43: {  	_ =	shalt  }
0x44: {  	_ =	shalt  }
0x45: {  	_ =	shalt  }
0x46: {  	_ =	shalt  }
0x47: {  	_ =	shalt  }
0x48: {  	_ =	shalt  }
0x49: {  	_ =	shalt  }
0x4a: {  	_ =	shalt  }
0x4b: {  	_ =	shalt  }
0x4c: {  	_ =	shalt  }
0x4d: {  	_ =	shalt  }
0x4e: {  	_ =	shalt  }
0x4f: {  	_ =	shalt  }
0x50: {  	_ =	shalt  }
0x51: {  	_ =	shalt  }
0x52: {  	_ =	shalt  }
0x53: {  	_ =	shalt  }
0x54: {  	_ =	shalt  }
0x55: {  	_ =	shalt  }
0x56: {  	_ =	shalt  }
0x57: {  	_ =	shalt  }
0x58: {  	_ =	shalt  }
0x59: {  	_ =	shalt  }
0x5a: {  	_ =	shalt  }
0x5b: {  	_ =	shalt  }
0x5c: {  	_ =	shalt  }
0x5d: {  	_ =	shalt  }
0x5e: {  	_ =	shalt  }
0x5f: {  	_ =	shalt  }
0x60: {  	_ =	shalt  }
0x61: {  	_ =	shalt  }
0x62: {  	_ =	shalt  }
0x63: {  	_ =	shalt  }
0x64: {  	_ =	shalt  }
0x65: {  	_ =	shalt  }
0x66: {  	_ =	shalt  }
0x67: {  	_ =	shalt  }
0x68: {  	_ =	shalt  }
0x69: {  	_ =	shalt  }
0x6a: {  	_ =	shalt  }
0x6b: {  	_ =	shalt  }
0x6c: {  	_ =	shalt  }
0x6d: {  	_ =	shalt  }
0x6e: {  	_ =	shalt  }
0x6f: {  	_ =	shalt  }
0x70: {  	_ =	shalt  }
0x71: {  	_ =	shalt  }
0x72: {  	_ =	shalt  }
0x73: {  	_ =	shalt  }
0x74: {  	_ =	shalt  }
0x75: {  	_ =	shalt  }
0x76: {  	_ =	shalt  }
0x77: {  	_ =	shalt  }
0x78: {  	_ =	shalt  }
0x79: {  	_ =	shalt  }
0x7a: {  	_ =	shalt  }
0x7b: {  	_ =	shalt  }
0x7c: {  	_ =	shalt  }
0x7d: {  	_ =	shalt  }
0x7e: {  	_ =	shalt  }
0x7f: {  	_ =	shalt  }
0x80: {  	_ =	shalt  }
0x81: {  	_ =	shalt  }
0x82: {  	_ =	shalt  }
0x83: {  	_ =	shalt  }
0x84: {  	_ =	shalt  }
0x85: {  	_ =	shalt  }
0x86: {  	_ =	shalt  }
0x87: {  	_ =	shalt  }
.Lfunc_end0:
.L_simem_size_0:
called_computation.3_lowered:
.L_overlay_start_0:
0x88: {  	s2 =	sld [smem:$0x3FD9]  }
0x89: {  	s3 =	sld [smem:$0x3FFE];
	_ =	sdelay $0x1  }
0x8a: {  	s1 =	srdreg.scid  }
0x8b: {  	s0 =	sand.u32 $0x1, s1  }
0x8c: {  	s17 =	sshll.u32 s0, $0xA;
	s2 =	sadd.s32 s3, s2  }
0x8d: {  	s2 =	sadd.s32 s2, s17  }
0x8e: {  	[smem:$0x3FBA] =	sst s2  }
0x8f: {  	_ = 	snop  }
0x90: {  	s2 =	sld [smem:$0x3FD0];
	(tm) =	ssettm $0x1  }
0x91: {  	s18 =	sld [smem:$0x3FFB];
	_ =	sdelay $0x3  }
0x92: {  	_ =	strace s18  }
0x93: {  	s3 =	sld [smem:$0x3FFC];
	_ =	sdelay $0x3  }
0x94: {  	_ =	strace s3  }
0x95: {  	s3 =	sld [smem:$0x3FFD];
	_ =	sdelay $0x3  }
0x96: {  	_ =	strace s3  }
0x97: {  	_ =	strace $0x8FFFFFFF  }
0x98: {  	s19 =	sld [smem:$0x3FDB];
	_ =	sdelay $0x1  }
0x99: {  	s4 =	simm.s32 $_scs_section_size  }
0x9a: {  	s5 =	simm.s32 $_size__tile_overlayer_lowered;
	s6 =	simm.s32 $_tile_overlayer_lowered  }
0x9b: {  	s22 =	simm.s32 $0x1BFF;
	s21 =	sshll.u32 s6, $0x1;
	s3 =	sadd.s32 s4, s19  }
0x9c: {  	s7 =	simm.s32 $0x0;
	s20 =	sshll.u32 s5, $0x1;
	s5 =	sadd.s32 s21, s3  }
0x9d: {  	[timem:s7], [sflag:s22] =	dma.local [hbm:s5], s20  }
0x9e: {  	_ =	swait.ge [sflag:s22], s20  }
0x9f: {  	s4 =	ssub.s32 $0x0, s20;
	[sflag:s22] =	ssyncset.done $0x0  }
0xa0: {  	[sflag:s22] =	ssyncadd.s32 s4;
	_ =	sdelay $0x1  }
0xa1: {  	s23 =	simm.s32 $0x1B8B  }
0xa2: {  	_ =	swait.ge [sflag:s23], $0x1  }
0xa3: {  	[sflag:s23] =	ssyncset.done $0x0  }
0xa4: {  	s25 =	simm.s32 $0x1B8E;
	s24 =	sld [smem:$0x3FFE];
	[sflag:s23] =	ssyncadd.s32 $0xFFFFFFFF  }
0xa5: {  	s26 =	simm.s32 $execute0_lowered;
	[smem:$0x3FD2] =	sst s25  }
0xa6: {  	s5 =	sshll.u32 s26, $0x1;
	_ =	strace $0x8000004F;
	[dreg:$0x1] =	wrdreg $0xFFFFFFFF  }
0xa7: {  	s28 =	simm.s32 $_size_execute0_lowered;
	s3 =	sadd.s32 s3, s5;
	[dreg:$0x0] =	wrdreg $0x0  }
0xa8: {  	s5 =	sshll.u32 s28, $0x1;
	[dreg:$0x2] =	wrdreg s3  }
0xa9: {  	[dreg:$0x3] =	wrdreg s5  }
0xaa: {  	[dreg:$0x4] =	wrdreg $0xC0  }
0xab: {  	_ =	task [dreg:s7], $0x5FFFF  }
0xac: {  	[dreg:$0x1] =	wrdreg $0xFFFFFFFF  }
0xad: {  	[dreg:$0x0] =	wrdreg $0x60  }
0xae: {  	[dreg:$0x2] =	wrdreg s24  }
0xaf: {  	[dreg:$0x3] =	wrdreg s2  }
0xb0: {  	[dreg:$0x4] =	wrdreg $0x9C000  }
0xb1: {  	[dreg:$0x5] =	wrdreg $0x9  }
0xb2: {  	_ =	task.clear_ibuf [dreg:s7], $0x6FFFF;
	_ =	strace $0x9000004F  }
0xb3: {  	s29 =	simm.s32 $0x9;
	_ =	strace $0x80000051  }
0xb4: {  	_ =	swait.ge [sflag:s29], $0x1  }
0xb5: {  	[sflag:s29] =	ssyncadd.s32 $0xFFFFFFFF  }
0xb6: {  	_ =	strace $0x90000051  }
0xb7: {  	_ =	sfence  }
0xb8: {  	s30 =	sld [smem:$0x0];
	_ =	sdelay $0x2  }
0xb9: {  	s31 =	sshll.u32 s1, $0xD;
	s1 =	sshrl.u32 s1, $0x2  }
0xba: {  	s3 =	sand.u32 $0x4000, s31;
	s1 =	sadd.s32 s1, s30  }
0xbb: {  	s0 =	sor.u32 s3, s0;
	s1 =	sshll.u32 s1, $0x11  }
0xbc: {  	s0 =	sor.u32 s1, s0  }
0xbd: {  	s0 =	sadd.s32 $0x8F2B, s0  }
0xbe: {  	[sflag:s0] =	ssyncadd.remote.s32 $0x1  }
0xbf: {  	_ =	sfence.sel $0xFFFF  }
0xc0: {  	[dreg:$0x0] =	wrdreg $0xFFFFFFFF;
	(pc) =	sbr.abs _section_cstart, $3  }
0xc1: {  	[dreg:$0x1] =	wrdreg $0xFFFFFFFF  }
0xc2: {  	_ =	task.clear_ibuf [dreg:s7], $0x2FFFF;
	_ =	strace $0x9FFFFFFF  }
0xc3: {  	(tm) =	ssettm $0x7FFFFFFF  }
tec
execute0_lowered:
.L_overlay_start_1:
0x0: {  	(tag) =	ssettag $0x1  }
0x1: {  	s6 =	rddreg [dreg:$0x0]  }
0x2: {  	s9 =	rddreg [dreg:$0x1]  }
0x3: {  	s2 =	rddreg [dreg:$0x2]  }
0x4: {  	s0 =	rddreg [dreg:$0x3];
	s3 =	simm.s32 $0x0  }
0x5: {  	s4 =	srdreg.scid;
	s1 =	stileid.u32;
	s14 =	simm.s32 $0x2000  }
0x6: {  	s15 =	simm.s32 $0x80;
	s16 =	simm.s32 $0x4800;
	s17 =	simm.s32 $0x5  }
0x7: {  	s18 =	simm.s32 $0x3;
	s19 =	simm.s32 $0x7000;
	s20 =	simm.s32 $0x4  }
0x8: {  	s21 =	simm.s32 $0x2;
	s22 =	simm.s32 $0x1;
	[smem:$0x7FF] =	sst s3  }
0x9: {  	s7 =	sand.u32 $0x1, s4;
	s8 =	smul.u32 $0x50000, s1;
	s4 =	sadd.s32 $0x17E00, s6  }
0xa: {  	s13 =	smul.u32 $0x14000, s1;
	s5 =	sadd.s32 $0x8FE00, s6;
	s6 =	sadd.s32 $0x3E00, s6  }
0xb: {  	s31 =	sshll.u32 s1, $0x1;
	s10 =	ssub.s32 $0x2, s7;
	s11 =	smul.u32 $0x140000, s7  }
.Ltmp0:
0xc: {  	_ =	strace $0x80000050;
	s12 =	sshrl.u32 s10, $0x1;
	(pc) =	sbr.rel .LBB2_1-.Ltmp0, $4  }
0xd: {  	s8 =	sshrl.u32 s8, $0x2;
	s10 =	ssub.s32 s10, s12;
	s11 =	sadd.s32 s13, s11  }
0xe: {  	s12 =	sor.u32 s7, s31;
	s7 =	sadd.s32 s8, s2;
	s13 =	simm.s32 $0x50  }
0xf: {  	s11 =	sshrl.u32 s11, $0x3;
	s8 =	smul.u32 $0x5000, s12;
	s10 =	smax.u32 s10, $0x1  }
0x10: {  	v0 =	vimm.f32 $0.0e+00;
	s12 =	simm.s32 $0x7;
	s9 =	sadd.s32 s9, s11;
	s11 =	simm.s32 $0x9800  }
.LBB2_14:
0x11: {  	s3 =	sadd.s32 $0x1, s3  }
0x12: {  	s23 =	sshll.u32 s1, $0x6;
	[bflag:$0x0] =	sbarrier.arrive $0xFFFF;
	p0 =	sne.s32 s3, s10  }
.Ltmp1:
0x13: {  	s24 =	sshrl.u32 s7, $0x3;
	s23 =	sor.u32 $0x1C07, s23;
	(pc) =	sbr.rel @!p0 .LBB2_15-.Ltmp1, $4  }
0x14: {  	[hbm:s9], [sflag:s23] =	dma.local [spmem:s24], $0x2800  }
0x15: {  	_ =	swait.ge [sflag:s12], $0x2800  }
0x16: {  	[sflag:s12] =	ssyncset.done $0x0  }
0x17: {  	[sflag:s12] =	ssyncadd.s32 $0xFFFFD800  }
.LBB2_1:
0x18: {  	s23 =	simm.s32 $0x0;
	s24 =	simm.s32 $0x0  }
.LBB2_2:
0x19: {  	p0 =	sne.s32 s24, $0xFC0  }
.Ltmp2:
0x1a: {  	_ = 	snop;
	(pc) =	sbr.rel @p0 .LBB2_2-.Ltmp2, $4  }
0x1b: {  	s25 =	sand.u32 $0xE00, s24  }
0x1c: {  	s26 =	sand.u32 $0x70, s23;
	s25 =	sshrl.u32 s25, $0x2  }
0x1d: {  	s25 =	sor.u32 s26, s25  }
0x1e: {  	s23 =	sadd.s32 $0x10, s23;
	s24 =	sadd.s32 $0x40, s24;
	[tilespmem:s25+$0x9800] =	vst v0  }
0x1f: {  	s23 =	sadd.s32 $0x0, s7  }
0x20: {  	[spmem:s23] =	stream.linear.scatter [tilespmem:s11], [sflag:$0x7], $0x400, $0x38;
	[tilespmem:$0x1DC00] =	vst v63  }
0x21: {  	s23 =	simm.s32 $0x1000;
	_ =	swait.ge [sflag:s12], $0x400  }
.LBB2_4:
0x22: {  	s24 =	sshra.s32 s23, $0x2;
	[sflag:s12] =	ssyncset.done $0x0;
	p0 =	sne.s32 s23, $0x4F000  }
.Ltmp3:
0x23: {  	s24 =	sadd.s32 s24, s7;
	[sflag:s12] =	ssyncadd.s32 $0xFFFFFC00;
	(pc) =	sbr.rel @p0 .LBB2_4-.Ltmp3, $3  }
0x24: {  	[spmem:s24] =	stream.linear.scatter [tilespmem:s11], [sflag:$0x7], $0x400, $0x38;
	[tilespmem:$0x1DC00] =	vst v63  }
0x25: {  	s23 =	sadd.s32 $0x1000, s23;
	_ =	sdelay $0x1  }
0x26: {  	_ =	swait.ge [sflag:s12], $0x400  }
.Ltmp4:
0x27: {  	(pc) =	sbr.rel .LBB2_6-.Ltmp4, $4  }
0x28: {  	[sflag:s12] =	ssyncset.done $0x0  }
0x29: {  	[sflag:s12] =	ssyncadd.s32 $0xFFFFFC00  }
0x2a: {  	[bflag:$0x0] =	sbarrier.arrive $0xFFFF  }
0x2b: {  	s23 =	simm.s32 $0x0;
	s24 =	simm.s32 $0x0  }
.LBB2_13:
0x2c: {  	s24 =	sadd.s32 $0x1, s24  }
0x2d: {  	p0 =	sne.s32 s24, $0x5  }
.Ltmp5:
0x2e: {  	_ = 	snop;
	(pc) =	sbr.rel @!p0 .LBB2_14-.Ltmp5, $4  }
0x2f: {  	_ = 	snop  }
0x30: {  	_ =	swait.ge [sflag:s20], $0x2800  }
0x31: {  	[sflag:s20] =	ssyncset.done $0x0  }
0x32: {  	[sflag:s20] =	ssyncadd.s32 $0xFFFFD800  }
.LBB2_6:
0x33: {  	s25 =	sshll.u32 s24, $0xC  }
0x34: {  	s25 =	sadd.s32 s8, s25  }
0x35: {  	s25 =	sshrl.u32 s25, $0x3  }
0x36: {  	s26 =	sadd.s32 s5, s25  }
0x37: {  	[tilespmem:s23], [sflag:$0x7] =	stream.linear.gather [hbm4b:s26+s23], $0xC80, $0x38;
	[tilespmem:$0x1DC00] =	vst v63  }
0x38: {  	_ =	swait.ge [sflag:s12], $0xC80  }
0x39: {  	[sflag:s12] =	ssyncset.done $0x0  }
0x3a: {  	s31 =	sadd.s32 s6, s25;
	s25 =	simm.s32 $0x1000;
	[sflag:s12] =	ssyncadd.s32 $0xFFFFF380  }
0x3b: {  	[tilespmem:s25], [sflag:$0x7] =	stream.linear.gather [hbm4b:s31+s23], $0xC80, $0x38;
	[tilespmem:$0x1DC00] =	vst v63  }
0x3c: {  	_ =	swait.ge [sflag:s12], $0xC80  }
.Ltmp6:
0x3d: {  	[sflag:s12] =	ssyncset.done $0x0;
	(pc) =	sbr.rel .LBB2_7-.Ltmp6, $4  }
0x3e: {  	[sflag:s12] =	ssyncadd.s32 $0xFFFFF380  }
0x3f: {  	[tilespmem:s14], [sflag:$0x1] =	stream.indirect.gather [hbm4b:s4+s13], $0x80, s23, s13, $0xb8;
	[tilespmem:$0x1DC00] =	vst v63  }
0x40: {  	s28 =	simm.s32 $0x0;
	s26 =	simm.s32 $0x100  }
0x41: {  	[tilespmem:s16], [sflag:$0x2] =	stream.indirect.gather [hbm4b:s4+s13], $0x80, s15, s13, $0xb8;
	[tilespmem:$0x1DC00] =	vst v63  }
.LBB2_11:
0x42: {  	_ =	swait.ge [sflag:s17], $0x2800  }
0x43: {  	p0 =	sgt.u32 s28, $0x16;
	[sflag:s17] =	ssyncset.done $0x0  }
0x44: {  	s29 =	simm.s32 @!p0 $0x50;
	s30 =	simm.s32 @!p0 $0x4800;
	[sflag:s17] =	ssyncadd.s32 $0xFFFFD800  }
0x45: {  	[tilespmem:s30], [sflag:$0x2] =	stream.indirect.gather @!p0 [hbm4b:s4+s29], $0x80, s26, s29, $0xb8;
	[tilespmem:$0x1DC00] =	vst v63  }
0x46: {  	_ =	swait.ge [sflag:s18], $0x2800  }
0x47: {  	[sflag:s18] =	ssyncset.done $0x0  }
0x48: {  	[sflag:s18] =	ssyncadd.s32 $0xFFFFD800  }
0x49: {  	[spmem:s2] =	stream.indirect.scatter.add.f32 [tilespmem:s19], [sflag:$0x6], $0x80, s25, s13, $0xb8;
	[tilespmem:$0x1DC00] =	vst v63  }
.LBB2_12:
0x4a: {  	s28 =	sadd.s32 $0x1, s28  }
0x4b: {  	p0 =	sne.s32 s28, $0x19  }
.Ltmp7:
0x4c: {  	_ = 	snop;
	(pc) =	sbr.rel @!p0 .LBB2_13-.Ltmp7, $2  }
0x4d: {  	_ =	sdelay $0x2  }
0x4e: {  	s25 =	sadd.s32 $0x80, s25;
	s26 =	sadd.s32 $0x80, s26  }
.LBB2_7:
0x4f: {  	s29 =	smul.u32 $0xAB, s28;
	_ =	sdelay $0x1  }
0x50: {  	s29 =	sshrl.u32 s29, $0x9  }
0x51: {  	s29 =	sand.u32 $0x7F, s29  }
0x52: {  	s29 =	smul.u32 $0x3, s29;
	_ =	sdelay $0x1  }
0x53: {  	s29 =	ssub.s32 s28, s29  }
0x54: {  	s29 =	sand.u32 $0xFF, s29  }
0x55: {  	p0 =	seq.s32 s29, $0x2  }
.Ltmp8:
0x56: {  	_ = 	snop;
	(pc) =	sbr.rel @p0 .LBB2_11-.Ltmp8, $1  }
0x57: {  	_ =	sdelay $0x3  }
0x58: {  	p0 =	seq.s32 s29, $0x1  }
.Ltmp9:
0x59: {  	_ = 	snop;
	(pc) =	sbr.rel @!p0 .LBB2_9-.Ltmp9, $1  }
0x5a: {  	_ =	sdelay $0x3  }
0x5b: {  	_ =	swait.ge [sflag:s20], $0x2800  }
0x5c: {  	p0 =	sgt.u32 s28, $0x16;
	[sflag:s20] =	ssyncset.done $0x0  }
0x5d: {  	s29 =	simm.s32 @!p0 $0x50;
	s30 =	simm.s32 @!p0 $0x2000;
	[sflag:s20] =	ssyncadd.s32 $0xFFFFD800  }
0x5e: {  	[tilespmem:s30], [sflag:$0x1] =	stream.indirect.gather @!p0 [hbm4b:s4+s29], $0x80, s26, s29, $0xb8;
	[tilespmem:$0x1DC00] =	vst v63  }
.Ltmp10:
0x5f: {  	_ = 	snop;
	(pc) =	sbr.rel .LBB2_12-.Ltmp10, $4  }
0x60: {  	_ =	swait.ge [sflag:s21], $0x2800  }
0x61: {  	[sflag:s21] =	ssyncset.done $0x0  }
0x62: {  	[sflag:s21] =	ssyncadd.s32 $0xFFFFD800  }
0x63: {  	[spmem:s2] =	stream.indirect.scatter.add.f32 [tilespmem:s16], [sflag:$0x5], $0x80, s25, s13, $0xb8;
	[tilespmem:$0x1DC00] =	vst v63  }
.LBB2_9:
0x64: {  	p0 =	seq.s32 s28, $0x0  }
0x65: {  	s29 =	simm.s32 @!p0 $0x6  }
0x66: {  	_ =	swait.ge @!p0 [sflag:s29], $0x2800  }
0x67: {  	p1 =	sgt.u32 @!p0 s28, $0x16;
	[sflag:s29] =	ssyncset.done @!p0 $0x0  }
0x68: {  	p1 =	por p0, !p1;
	[sflag:s29] =	ssyncadd.s32 @!p0 $0xFFFFD800  }
0x69: {  	[tilespmem:s19], [sflag:$0x3] =	stream.indirect.gather @p1 [hbm4b:s4+s13], $0x80, s26, s13, $0xb8;
	[tilespmem:$0x1DC00] =	vst v63  }
.Ltmp11:
0x6a: {  	_ = 	snop;
	(pc) =	sbr.rel .LBB2_12-.Ltmp11, $4  }
0x6b: {  	_ =	swait.ge [sflag:s22], $0x2800  }
0x6c: {  	[sflag:s22] =	ssyncset.done $0x0  }
0x6d: {  	[sflag:s22] =	ssyncadd.s32 $0xFFFFD800  }
0x6e: {  	[spmem:s2] =	stream.indirect.scatter.add.f32 [tilespmem:s14], [sflag:$0x4], $0x80, s25, s13, $0xb8;
	[tilespmem:$0x1DC00] =	vst v63  }
.LBB2_15:
0x6f: {  	_ =	sfence.sel $0x180000  }
0x70: {  	[bflag:$0x0] =	sbarrier.arrive $0xFFFF  }
0x71: {  	p0 =	sne.s32 s1, $0x0;
	_ =	strace $0x90000050  }
0x72: {  	s0 =	sadd.s32 @!p0 $0x100000, s0;
	[bflag:$0x2] =	sbarrier.arrive $0xFFFF  }
0x73: {  	[sflag:s0] =	ssyncadd.tile.s32 @!p0 $0x1;
	_ =	shalt  }
.Lfunc_end2:
_tile_overlayer_lowered:
.L_overlay_start_2:
0x74: {  	(tag) =	ssettag $0x2  }
0x75: {  	s0 =	rddreg [dreg:$0x0];
	s2 =	stileid.u32  }
0x76: {  	s1 =	rddreg [dreg:$0x1];
	p0 =	sne.s32 s2, $0x0  }
0x77: {  	s3 =	rddreg [dreg:$0x2];
	[bflag:$0x3] =	sbarrier.arrive $0xFFFF;
	s2 =	simm.s32 @!p0 $0x1C07  }
0x78: {  	[timem:s3], [sflag:s2] =	dma.local @!p0 [hbm:s0], s1  }
0x79: {  	s0 =	simm.s32 @!p0 $0x7  }
0x7a: {  	_ =	swait.ge @!p0 [sflag:s0], s1  }
0x7b: {  	s1 =	ssub.s32 @!p0 $0x0, s1;
	[sflag:s0] =	ssyncset.done @!p0 $0x0  }
0x7c: {  	[sflag:s0] =	ssyncadd.s32 @!p0 s1  }
0x7d: {  	[bflag:$0x3] =	sbarrier.arrive $0xFFFF  }
0x7e: {  	_ =	shalt  }

</sc_bundles>
